<compile_context>
chip_gen: v7x
topology: tpu7x:2x2x1
jax: 0.10.2.dev20260603
libtpu: 0.0.44.dev20260713+nightly
codegen_flags: <defaults>
</compile_context>

<pallas_src>
import jax
import jax.numpy as jnp
from jax import lax
from jax.experimental import pallas as pl
from jax.experimental.pallas import tpu as pltpu
from jax.experimental.pallas import tpu_sc as plsc

DEPTH = 1000
N = 4096
J = 26
NUM_CORES = 2
NUM_SUBCORES = 16
NW = NUM_CORES * NUM_SUBCORES
TROWS = DEPTH // 8
NSLAB = J * TROWS
BASE = NSLAB // NW
EXTRA = NSLAB - BASE * NW
NBUF = 2
LANE = 16
NITER = (BASE + 1 - 2 + NBUF - 1) // NBUF


def _onehot_sc_body(idx_hbm, onoff_hbm, out_hbm,
                    idxrow_v, onoff_v, head_v, next_v, buf0, buf1, sem0, sem1):
    wid = lax.axis_index("s") * NUM_CORES + lax.axis_index("c")
    nslab = jnp.where(wid < EXTRA, BASE + 1, BASE)
    s0 = jnp.where(wid < EXTRA, wid * (BASE + 1),
                   EXTRA * (BASE + 1) + (wid - EXTRA) * BASE)
    j0 = s0 // TROWS

    pltpu.sync_copy(idx_hbm.at[pl.ds(j0 * N, 2 * N)], idxrow_v)
    pltpu.sync_copy(onoff_hbm, onoff_v)
    on_vec = onoff_v[pl.ds(0, LANE)]
    off_vec = onoff_v[pl.ds(LANE, LANE)]
    lane = lax.iota(jnp.int32, LANE)
    zero16 = lane ^ lane
    neg1 = zero16 - 1
    lane0 = lane == 0

    def spl(x):
        return zero16 + x

    bufs = (buf0, buf1)
    sems = (sem0, sem1)

    def fill(buf):
        for r in range(8):
            def body(k, c):
                buf[r, pl.ds(k * LANE, LANE)] = off_vec
                return c
            lax.fori_loop(0, N // LANE, body, 0, unroll=8)

    fill(buf0)
    fill(buf1)

    def clear_heads(k, c):
        head_v[pl.ds(k * LANE, LANE)] = neg1
        return c
    lax.fori_loop(0, 2 * 128, clear_heads, 0, unroll=8)

    def build(c):
        cN = c * N
        c128 = c * 128

        def body(k, carry):
            e16 = k * LANE + lane
            d = idxrow_v[pl.ds(cN + k * LANE, LANE)]
            hidx = ((c128 + (d >> 3)) << 4) + lane
            h = plsc.load_gather(head_v, [hidx])
            plsc.store_scatter(next_v, [cN + e16], h)
            plsc.store_scatter(head_v, [hidx], e16)
            return carry
        lax.fori_loop(0, N // LANE, body, 0, unroll=4)

    build(0)
    j_last = (s0 + nslab - 1) // TROWS

    @pl.when(j_last > j0)
    def _():
        build(1)

    def slab_jt(s):
        j = s // TROWS
        return j, s - j * TROWS

    def poke_slab(b, s, val):
        j, t = slab_jt(s)
        c = j - j0
        cN = c * N

        def chase(ev):
            for _ in range(2):
                live = ev >= 0
                evc = jnp.maximum(ev, 0)
                d = plsc.load_gather(idxrow_v, [cN + evc])
                plsc.store_scatter(bufs[b], [d & 7, evc], val, mask=live)
                nxt = plsc.load_gather(next_v, [cN + evc])
                ev = jnp.where(live, nxt, ev)
            return ev

        e0 = head_v[pl.ds((c * 128 + t) * 16, LANE)]
        lax.while_loop(lambda ev: jnp.max(ev) >= 0, chase, e0)

    def start_hbm(b, s):
        j, t = slab_jt(s)
        d0 = pl.multiple_of(t * 8, 8)
        pltpu.async_copy(bufs[b], out_hbm.at[j, pl.ds(d0, 8)], sems[b])

    def wait_hbm(b):
        pltpu.make_async_copy(bufs[b], out_hbm.at[0, pl.ds(0, 8)],
                              sems[b]).wait()

    for b in range(NBUF):
        poke_slab(b, s0 + b, on_vec)
        start_hbm(b, s0 + b)

    def step(i, c):
        for b in range(NBUF):
            g = 2 + i * NBUF + b

            @pl.when(g < nslab)
            def _():
                wait_hbm(b)
                poke_slab(b, s0 + g - NBUF, off_vec)
                poke_slab(b, s0 + g, on_vec)
                start_hbm(b, s0 + g)
        return c

    lax.fori_loop(0, NITER, step, 0)

    for b in range(NBUF):
        wait_hbm(b)


def kernel(indices, on_value, off_value):
    idx_t = indices.T.astype(jnp.int32)
    idx_t = jnp.pad(idx_t, ((0, 1), (0, 0))).reshape(-1)
    onoff = jnp.concatenate([
        jnp.full((LANE,), on_value, jnp.float32),
        jnp.full((LANE,), off_value, jnp.float32),
    ])
    mesh = plsc.VectorSubcoreMesh(
        core_axis_name="c", subcore_axis_name="s",
        num_cores=NUM_CORES, num_subcores=NUM_SUBCORES)
    out = pl.kernel(
        _onehot_sc_body,
        out_type=jax.ShapeDtypeStruct((J, DEPTH, N), jnp.float32),
        mesh=mesh,
        compiler_params=pltpu.CompilerParams(
            needs_layout_passes=False, use_tc_tiling_on_sc=True),
        scratch_types=(
            [pltpu.VMEM((2 * N,), jnp.int32),
             pltpu.VMEM((2 * LANE,), jnp.float32),
             pltpu.VMEM((2 * 128 * LANE,), jnp.int32),
             pltpu.VMEM((2 * N,), jnp.int32),
             pltpu.VMEM((8, N), jnp.float32),
             pltpu.VMEM((8, N), jnp.float32)]
            + [pltpu.SemaphoreType.DMA] * NBUF
        ),
    )(idx_t, onoff)
    return jnp.transpose(out, (2, 0, 1))

# --- scband reference (transcript-rebuilt; emitter-appended) ---
"""Pipeline reference for scband-one-hot-input-layer-45311904973364 (READ-ONLY COPY).

The authoritative reference and input builder live on the scoring server;
editing this copy changes nothing except your own understanding.
"""

import jax, jax.numpy as jnp
import numpy as np

DEPTH = 1000


def setup_inputs(seed: int = 0) -> dict:
    key = jax.random.key(seed)
    k1, _ = jax.random.split(key)
    indices = jax.random.randint(k1, (4096, 26), 0, DEPTH, dtype=jnp.int64) if jax.config.jax_enable_x64 else jax.random.randint(k1, (4096, 26), 0, DEPTH, dtype=jnp.int32)
    on_value = jnp.ones((), dtype=jnp.float32)
    off_value = jnp.zeros((), dtype=jnp.float32)
    return {"indices": indices, "on_value": on_value, "off_value": off_value}


def reference(indices, on_value, off_value):
    # tf.one_hot(indices, depth, on_value, off_value, axis=None):
    # new axis appended at the end; positions equal to the index get on_value,
    # everything else off_value.
    depth_range = jnp.arange(DEPTH, dtype=indices.dtype)
    mask = indices[..., None] == depth_range  # [4096, 26, DEPTH] bool
    out = jnp.where(mask, on_value.astype(jnp.float32), off_value.astype(jnp.float32))
    return out

if __name__ == "__main__":
    import jax
    _d = setup_inputs()
    print(jax.jit(kernel)(*tuple(_d.values())))

</pallas_src>

<mosaic_0001>
#map = affine_map<(d0, d1) -> (0)>
#map1 = affine_map<(d0, d1) -> (0, 0, 0)>
module attributes {stable_mosaic.version = 14 : i64} {
  func.func @_onehot_sc_body(%arg0: i32, %arg1: i32, %arg2: memref<110592xi32, #tpu.memory_space<hbm>>, %arg3: memref<32xf32, #tpu.memory_space<hbm>>, %arg4: memref<26x1000x4096xf32, #tpu.memory_space<hbm>>, %arg5: memref<8192xi32, #tpu.memory_space<vmem>>, %arg6: memref<32xf32, #tpu.memory_space<vmem>>, %arg7: memref<4096xi32, #tpu.memory_space<vmem>>, %arg8: memref<8192xi32, #tpu.memory_space<vmem>>, %arg9: memref<8x4096xf32, #tpu.memory_space<vmem>>, %arg10: memref<8x4096xf32, #tpu.memory_space<vmem>>, %arg11: memref<!tpu.dma_semaphore, #tpu.memory_space<semaphore_mem>>, %arg12: memref<!tpu.dma_semaphore, #tpu.memory_space<semaphore_mem>>) attributes {dimension_semantics = [#tpu.dimension_semantics<core_parallel>, #tpu.dimension_semantics<subcore_parallel>], iteration_bounds = array<i64: 2, 16>, scalar_prefetch = 0 : i64, scratch_operands = 8 : i64, tpu.core_type = #tpu.core_type<sc_vector_subcore>, window_params = [{transform_indices = #map}, {transform_indices = #map}, {transform_indices = #map1}]} {
    %mul3A = arith.constant 2 : i32
    %mul3A_0 = arith.muli %arg1, %mul3A : i32
    %add3A = arith.addi %mul3A_0, %arg0 : i32
    %lt3A = arith.constant 18 : i32
    %lt3A_1 = arith.cmpi slt, %add3A, %lt3A : i32
    %jit3A = arith.constant 102 : i32
    %jit3A_2 = arith.constant 101 : i32
    %select_n3A = arith.select %lt3A_1, %jit3A, %jit3A_2 : i32
    %lt3A_3 = arith.constant 18 : i32
    %lt3A_4 = arith.cmpi slt, %add3A, %lt3A_3 : i32
    %mul3A_5 = arith.constant 102 : i32
    %mul3A_6 = arith.muli %add3A, %mul3A_5 : i32
    %sub3A = arith.constant 18 : i32
    %sub3A_7 = arith.subi %add3A, %sub3A : i32
    %mul3A_8 = arith.constant 101 : i32
    %mul3A_9 = arith.muli %sub3A_7, %mul3A_8 : i32
    %add3A_10 = arith.constant 1836 : i32
    %add3A_11 = arith.addi %add3A_10, %mul3A_9 : i32
    %select_n3A_12 = arith.select %lt3A_4, %mul3A_6, %add3A_11 : i32
    %jit3A_13 = arith.constant 125 : i32
    %div3A = arith.divsi %select_n3A_12, %jit3A_13 : i32
    %sign3A = arith.constant 0 : i32
    %sign3A_14 = arith.cmpi sgt, %select_n3A_12, %sign3A : i32
    %sign3A_15 = arith.extui %sign3A_14 : i1 to i32
    %sign3A_16 = arith.constant 0 : i32
    %sign3A_17 = arith.cmpi slt, %select_n3A_12, %sign3A_16 : i32
    %sign3A_18 = arith.extui %sign3A_17 : i1 to i32
    %sign3A_19 = arith.subi %sign3A_15, %sign3A_18 : i32
    %sign3A_20 = arith.constant 0 : i32
    %sign3A_21 = arith.cmpi sgt, %jit3A_13, %sign3A_20 : i32
    %sign3A_22 = arith.extui %sign3A_21 : i1 to i32
    %sign3A_23 = arith.constant 0 : i32
    %sign3A_24 = arith.cmpi slt, %jit3A_13, %sign3A_23 : i32
    %sign3A_25 = arith.extui %sign3A_24 : i1 to i32
    %sign3A_26 = arith.subi %sign3A_22, %sign3A_25 : i32
    %ne3A = arith.cmpi ne, %sign3A_19, %sign3A_26 : i32
    %rem3A = arith.remsi %select_n3A_12, %jit3A_13 : i32
    %ne3A_27 = arith.constant 0 : i32
    %ne3A_28 = arith.cmpi ne, %rem3A, %ne3A_27 : i32
    %and3A = arith.andi %ne3A, %ne3A_28 : i1
    %sub3A_29 = arith.constant 1 : i32
    %sub3A_30 = arith.subi %div3A, %sub3A_29 : i32
    %select_n3A_31 = arith.select %and3A, %sub3A_30, %div3A : i32
    %mul3A_32 = arith.constant 4096 : i32
    %mul3A_33 = arith.muli %select_n3A_31, %mul3A_32 : i32
    "tpu.region"() ({
      %run_scoped3A = tpu.sem_alloc : memref<!tpu.dma_semaphore, #tpu.memory_space<semaphore_mem>>
      %dma_start3A_353 = tpu.memref_slice %arg2[%mul3A_33] : memref<110592xi32, #tpu.memory_space<hbm>> -> memref<8192xi32, #tpu.memory_space<hbm>>
      %dma_start3A_354 = tpu.memref_slice %arg2[%mul3A_33] : memref<110592xi32, #tpu.memory_space<hbm>> -> memref<8192xi32, #tpu.memory_space<hbm>>
      tpu.enqueue_dma source(%dma_start3A_354 : memref<8192xi32, #tpu.memory_space<hbm>>) target(%arg5 : memref<8192xi32, #tpu.memory_space<vmem>>) target_semaphore(%run_scoped3A : memref<!tpu.dma_semaphore, #tpu.memory_space<semaphore_mem>>)
      %dma_wait3A_355 = tpu.memref_slice %arg2[%mul3A_33] : memref<110592xi32, #tpu.memory_space<hbm>> -> memref<8192xi32, #tpu.memory_space<hbm>>
      %dma_wait3A_356 = tpu.memref_slice %arg2[%mul3A_33] : memref<110592xi32, #tpu.memory_space<hbm>> -> memref<8192xi32, #tpu.memory_space<hbm>>
      tpu.wait_dma2 semaphore(%run_scoped3A : memref<!tpu.dma_semaphore, #tpu.memory_space<semaphore_mem>>) src(%dma_wait3A_356 : memref<8192xi32, #tpu.memory_space<hbm>>) dst(%arg5 : memref<8192xi32, #tpu.memory_space<vmem>>)
      tpu.yield
    }) : () -> ()
    "tpu.region"() ({
      %run_scoped3A = tpu.sem_alloc : memref<!tpu.dma_semaphore, #tpu.memory_space<semaphore_mem>>
      tpu.enqueue_dma source(%arg3 : memref<32xf32, #tpu.memory_space<hbm>>) target(%arg6 : memref<32xf32, #tpu.memory_space<vmem>>) target_semaphore(%run_scoped3A : memref<!tpu.dma_semaphore, #tpu.memory_space<semaphore_mem>>)
      tpu.wait_dma2 semaphore(%run_scoped3A : memref<!tpu.dma_semaphore, #tpu.memory_space<semaphore_mem>>) src(%arg3 : memref<32xf32, #tpu.memory_space<hbm>>) dst(%arg6 : memref<32xf32, #tpu.memory_space<vmem>>)
      tpu.yield
    }) : () -> ()
    %get3A = arith.constant 0 : index
    %get3A_34 = tpu.vector_load %arg6[%get3A] {strides = array<i32>} : memref<32xf32, #tpu.memory_space<vmem>>, vector<16xf32>,
    %get3A_35 = arith.constant 16 : index
    %get3A_36 = tpu.vector_load %arg6[%get3A_35] {strides = array<i32>} : memref<32xf32, #tpu.memory_space<vmem>>, vector<16xf32>,
    %iota3A = tpu.iota {dimensions = array<i32: 0>} : vector<16xi32>
    %xor3A = arith.xori %iota3A, %iota3A : vector<16xi32>
    %sub3A_37 = arith.constant 1 : i32
    %sub3A_38 = vector.broadcast %sub3A_37 : i32 to vector<16xi32>
    %sub3A_39 = arith.subi %xor3A, %sub3A_38 : vector<16xi32>
    %eq3A = arith.constant 0 : i32
    %eq3A_40 = vector.broadcast %eq3A : i32 to vector<16xi32>
    %eq3A_41 = arith.cmpi eq, %iota3A, %eq3A_40 : vector<16xi32>
    %scan3A = arith.constant 0 : i32
    %scan3A_42 = arith.constant 0 : i32
    %scan3A_43 = arith.constant 256 : i32
    %scan3A_44 = arith.addi %scan3A_42, %scan3A_43 : i32
    %scan3A_45 = arith.constant 8 : i32
    scf.for %scan3A_353 = %scan3A_42 to %scan3A_44 step %scan3A_45  : i32 {
      %mul3A_354 = arith.constant 16 : i32
      %mul3A_355 = arith.muli %scan3A_353, %mul3A_354 : i32
      %swap3A = arith.constant 0 : i32
      %swap3A_356 = arith.index_cast %swap3A : i32 to index
      %swap3A_357 = arith.index_cast %mul3A_355 : i32 to index
      %swap3A_358 = tpu.vector_load %arg9[%swap3A_356, %swap3A_357] {strides = array<i32>} : memref<8x4096xf32, #tpu.memory_space<vmem>>, vector<16xf32>,
      tpu.vector_store %arg9[%swap3A_356, %swap3A_357], %get3A_36 {strides = array<i32>} : memref<8x4096xf32, #tpu.memory_space<vmem>>, vector<16xf32>,
      %scan3A_359 = arith.constant 1 : i32
      %scan3A_360 = arith.addi %scan3A_353, %scan3A_359 : i32
      %mul3A_361 = arith.constant 16 : i32
      %mul3A_362 = arith.muli %scan3A_360, %mul3A_361 : i32
      %swap3A_363 = arith.constant 0 : i32
      %swap3A_364 = arith.index_cast %swap3A_363 : i32 to index
      %swap3A_365 = arith.index_cast %mul3A_362 : i32 to index
      %swap3A_366 = tpu.vector_load %arg9[%swap3A_364, %swap3A_365] {strides = array<i32>} : memref<8x4096xf32, #tpu.memory_space<vmem>>, vector<16xf32>,
      tpu.vector_store %arg9[%swap3A_364, %swap3A_365], %get3A_36 {strides = array<i32>} : memref<8x4096xf32, #tpu.memory_space<vmem>>, vector<16xf32>,
      %scan3A_367 = arith.constant 2 : i32
      %scan3A_368 = arith.addi %scan3A_353, %scan3A_367 : i32
      %mul3A_369 = arith.constant 16 : i32
      %mul3A_370 = arith.muli %scan3A_368, %mul3A_369 : i32
      %swap3A_371 = arith.constant 0 : i32
      %swap3A_372 = arith.index_cast %swap3A_371 : i32 to index
      %swap3A_373 = arith.index_cast %mul3A_370 : i32 to index
      %swap3A_374 = tpu.vector_load %arg9[%swap3A_372, %swap3A_373] {strides = array<i32>} : memref<8x4096xf32, #tpu.memory_space<vmem>>, vector<16xf32>,
      tpu.vector_store %arg9[%swap3A_372, %swap3A_373], %get3A_36 {strides = array<i32>} : memref<8x4096xf32, #tpu.memory_space<vmem>>, vector<16xf32>,
      %scan3A_375 = arith.constant 3 : i32
      %scan3A_376 = arith.addi %scan3A_353, %scan3A_375 : i32
      %mul3A_377 = arith.constant 16 : i32
      %mul3A_378 = arith.muli %scan3A_376, %mul3A_377 : i32
      %swap3A_379 = arith.constant 0 : i32
      %swap3A_380 = arith.index_cast %swap3A_379 : i32 to index
      %swap3A_381 = arith.index_cast %mul3A_378 : i32 to index
      %swap3A_382 = tpu.vector_load %arg9[%swap3A_380, %swap3A_381] {strides = array<i32>} : memref<8x4096xf32, #tpu.memory_space<vmem>>, vector<16xf32>,
      tpu.vector_store %arg9[%swap3A_380, %swap3A_381], %get3A_36 {strides = array<i32>} : memref<8x4096xf32, #tpu.memory_space<vmem>>, vector<16xf32>,
      %scan3A_383 = arith.constant 4 : i32
      %scan3A_384 = arith.addi %scan3A_353, %scan3A_383 : i32
      %mul3A_385 = arith.constant 16 : i32
      %mul3A_386 = arith.muli %scan3A_384, %mul3A_385 : i32
      %swap3A_387 = arith.constant 0 : i32
      %swap3A_388 = arith.index_cast %swap3A_387 : i32 to index
      %swap3A_389 = arith.index_cast %mul3A_386 : i32 to index
      %swap3A_390 = tpu.vector_load %arg9[%swap3A_388, %swap3A_389] {strides = array<i32>} : memref<8x4096xf32, #tpu.memory_space<vmem>>, vector<16xf32>,
      tpu.vector_store %arg9[%swap3A_388, %swap3A_389], %get3A_36 {strides = array<i32>} : memref<8x4096xf32, #tpu.memory_space<vmem>>, vector<16xf32>,
      %scan3A_391 = arith.constant 5 : i32
      %scan3A_392 = arith.addi %scan3A_353, %scan3A_391 : i32
      %mul3A_393 = arith.constant 16 : i32
      %mul3A_394 = arith.muli %scan3A_392, %mul3A_393 : i32
      %swap3A_395 = arith.constant 0 : i32
      %swap3A_396 = arith.index_cast %swap3A_395 : i32 to index
      %swap3A_397 = arith.index_cast %mul3A_394 : i32 to index
      %swap3A_398 = tpu.vector_load %arg9[%swap3A_396, %swap3A_397] {strides = array<i32>} : memref<8x4096xf32, #tpu.memory_space<vmem>>, vector<16xf32>,
      tpu.vector_store %arg9[%swap3A_396, %swap3A_397], %get3A_36 {strides = array<i32>} : memref<8x4096xf32, #tpu.memory_space<vmem>>, vector<16xf32>,
      %scan3A_399 = arith.constant 6 : i32
      %scan3A_400 = arith.addi %scan3A_353, %scan3A_399 : i32
      %mul3A_401 = arith.constant 16 : i32
      %mul3A_402 = arith.muli %scan3A_400, %mul3A_401 : i32
      %swap3A_403 = arith.constant 0 : i32
      %swap3A_404 = arith.index_cast %swap3A_403 : i32 to index
      %swap3A_405 = arith.index_cast %mul3A_402 : i32 to index
      %swap3A_406 = tpu.vector_load %arg9[%swap3A_404, %swap3A_405] {strides = array<i32>} : memref<8x4096xf32, #tpu.memory_space<vmem>>, vector<16xf32>,
      tpu.vector_store %arg9[%swap3A_404, %swap3A_405], %get3A_36 {strides = array<i32>} : memref<8x4096xf32, #tpu.memory_space<vmem>>, vector<16xf32>,
      %scan3A_407 = arith.constant 7 : i32
      %scan3A_408 = arith.addi %scan3A_353, %scan3A_407 : i32
      %mul3A_409 = arith.constant 16 : i32
      %mul3A_410 = arith.muli %scan3A_408, %mul3A_409 : i32
      %swap3A_411 = arith.constant 0 : i32
      %swap3A_412 = arith.index_cast %swap3A_411 : i32 to index
      %swap3A_413 = arith.index_cast %mul3A_410 : i32 to index
      %swap3A_414 = tpu.vector_load %arg9[%swap3A_412, %swap3A_413] {strides = array<i32>} : memref<8x4096xf32, #tpu.memory_space<vmem>>, vector<16xf32>,
      tpu.vector_store %arg9[%swap3A_412, %swap3A_413], %get3A_36 {strides = array<i32>} : memref<8x4096xf32, #tpu.memory_space<vmem>>, vector<16xf32>,
    }
    %scan3A_46 = arith.constant 256 : i32
    %scan3A_47 = arith.constant 0 : i32
    %scan3A_48 = arith.constant 0 : i32
    %scan3A_49 = arith.constant 256 : i32
    %scan3A_50 = arith.addi %scan3A_48, %scan3A_49 : i32
    %scan3A_51 = arith.constant 8 : i32
    scf.for %scan3A_353 = %scan3A_48 to %scan3A_50 step %scan3A_51  : i32 {
      %mul3A_354 = arith.constant 16 : i32
      %mul3A_355 = arith.muli %scan3A_353, %mul3A_354 : i32
      %swap3A = arith.constant 1 : i32
      %swap3A_356 = arith.index_cast %swap3A : i32 to index
      %swap3A_357 = arith.index_cast %mul3A_355 : i32 to index
      %swap3A_358 = tpu.vector_load %arg9[%swap3A_356, %swap3A_357] {strides = array<i32>} : memref<8x4096xf32, #tpu.memory_space<vmem>>, vector<16xf32>,
      tpu.vector_store %arg9[%swap3A_356, %swap3A_357], %get3A_36 {strides = array<i32>} : memref<8x4096xf32, #tpu.memory_space<vmem>>, vector<16xf32>,
      %scan3A_359 = arith.constant 1 : i32
      %scan3A_360 = arith.addi %scan3A_353, %scan3A_359 : i32
      %mul3A_361 = arith.constant 16 : i32
      %mul3A_362 = arith.muli %scan3A_360, %mul3A_361 : i32
      %swap3A_363 = arith.constant 1 : i32
      %swap3A_364 = arith.index_cast %swap3A_363 : i32 to index
      %swap3A_365 = arith.index_cast %mul3A_362 : i32 to index
      %swap3A_366 = tpu.vector_load %arg9[%swap3A_364, %swap3A_365] {strides = array<i32>} : memref<8x4096xf32, #tpu.memory_space<vmem>>, vector<16xf32>,
      tpu.vector_store %arg9[%swap3A_364, %swap3A_365], %get3A_36 {strides = array<i32>} : memref<8x4096xf32, #tpu.memory_space<vmem>>, vector<16xf32>,
      %scan3A_367 = arith.constant 2 : i32
      %scan3A_368 = arith.addi %scan3A_353, %scan3A_367 : i32
      %mul3A_369 = arith.constant 16 : i32
      %mul3A_370 = arith.muli %scan3A_368, %mul3A_369 : i32
      %swap3A_371 = arith.constant 1 : i32
      %swap3A_372 = arith.index_cast %swap3A_371 : i32 to index
      %swap3A_373 = arith.index_cast %mul3A_370 : i32 to index
      %swap3A_374 = tpu.vector_load %arg9[%swap3A_372, %swap3A_373] {strides = array<i32>} : memref<8x4096xf32, #tpu.memory_space<vmem>>, vector<16xf32>,
      tpu.vector_store %arg9[%swap3A_372, %swap3A_373], %get3A_36 {strides = array<i32>} : memref<8x4096xf32, #tpu.memory_space<vmem>>, vector<16xf32>,
      %scan3A_375 = arith.constant 3 : i32
      %scan3A_376 = arith.addi %scan3A_353, %scan3A_375 : i32
      %mul3A_377 = arith.constant 16 : i32
      %mul3A_378 = arith.muli %scan3A_376, %mul3A_377 : i32
      %swap3A_379 = arith.constant 1 : i32
      %swap3A_380 = arith.index_cast %swap3A_379 : i32 to index
      %swap3A_381 = arith.index_cast %mul3A_378 : i32 to index
      %swap3A_382 = tpu.vector_load %arg9[%swap3A_380, %swap3A_381] {strides = array<i32>} : memref<8x4096xf32, #tpu.memory_space<vmem>>, vector<16xf32>,
      tpu.vector_store %arg9[%swap3A_380, %swap3A_381], %get3A_36 {strides = array<i32>} : memref<8x4096xf32, #tpu.memory_space<vmem>>, vector<16xf32>,
      %scan3A_383 = arith.constant 4 : i32
      %scan3A_384 = arith.addi %scan3A_353, %scan3A_383 : i32
      %mul3A_385 = arith.constant 16 : i32
      %mul3A_386 = arith.muli %scan3A_384, %mul3A_385 : i32
      %swap3A_387 = arith.constant 1 : i32
      %swap3A_388 = arith.index_cast %swap3A_387 : i32 to index
      %swap3A_389 = arith.index_cast %mul3A_386 : i32 to index
      %swap3A_390 = tpu.vector_load %arg9[%swap3A_388, %swap3A_389] {strides = array<i32>} : memref<8x4096xf32, #tpu.memory_space<vmem>>, vector<16xf32>,
      tpu.vector_store %arg9[%swap3A_388, %swap3A_389], %get3A_36 {strides = array<i32>} : memref<8x4096xf32, #tpu.memory_space<vmem>>, vector<16xf32>,
      %scan3A_391 = arith.constant 5 : i32
      %scan3A_392 = arith.addi %scan3A_353, %scan3A_391 : i32
      %mul3A_393 = arith.constant 16 : i32
      %mul3A_394 = arith.muli %scan3A_392, %mul3A_393 : i32
      %swap3A_395 = arith.constant 1 : i32
      %swap3A_396 = arith.index_cast %swap3A_395 : i32 to index
      %swap3A_397 = arith.index_cast %mul3A_394 : i32 to index
      %swap3A_398 = tpu.vector_load %arg9[%swap3A_396, %swap3A_397] {strides = array<i32>} : memref<8x4096xf32, #tpu.memory_space<vmem>>, vector<16xf32>,
      tpu.vector_store %arg9[%swap3A_396, %swap3A_397], %get3A_36 {strides = array<i32>} : memref<8x4096xf32, #tpu.memory_space<vmem>>, vector<16xf32>,
      %scan3A_399 = arith.constant 6 : i32
      %scan3A_400 = arith.addi %scan3A_353, %scan3A_399 : i32
      %mul3A_401 = arith.constant 16 : i32
      %mul3A_402 = arith.muli %scan3A_400, %mul3A_401 : i32
      %swap3A_403 = arith.constant 1 : i32
      %swap3A_404 = arith.index_cast %swap3A_403 : i32 to index
      %swap3A_405 = arith.index_cast %mul3A_402 : i32 to index
      %swap3A_406 = tpu.vector_load %arg9[%swap3A_404, %swap3A_405] {strides = array<i32>} : memref<8x4096xf32, #tpu.memory_space<vmem>>, vector<16xf32>,
      tpu.vector_store %arg9[%swap3A_404, %swap3A_405], %get3A_36 {strides = array<i32>} : memref<8x4096xf32, #tpu.memory_space<vmem>>, vector<16xf32>,
      %scan3A_407 = arith.constant 7 : i32
      %scan3A_408 = arith.addi %scan3A_353, %scan3A_407 : i32
      %mul3A_409 = arith.constant 16 : i32
      %mul3A_410 = arith.muli %scan3A_408, %mul3A_409 : i32
      %swap3A_411 = arith.constant 1 : i32
      %swap3A_412 = arith.index_cast %swap3A_411 : i32 to index
      %swap3A_413 = arith.index_cast %mul3A_410 : i32 to index
      %swap3A_414 = tpu.vector_load %arg9[%swap3A_412, %swap3A_413] {strides = array<i32>} : memref<8x4096xf32, #tpu.memory_space<vmem>>, vector<16xf32>,
      tpu.vector_store %arg9[%swap3A_412, %swap3A_413], %get3A_36 {strides = array<i32>} : memref<8x4096xf32, #tpu.memory_space<vmem>>, vector<16xf32>,
    }
    %scan3A_52 = arith.constant 256 : i32
    %scan3A_53 = arith.constant 0 : i32
    %scan3A_54 = arith.constant 0 : i32
    %scan3A_55 = arith.constant 256 : i32
    %scan3A_56 = arith.addi %scan3A_54, %scan3A_55 : i32
    %scan3A_57 = arith.constant 8 : i32
    scf.for %scan3A_353 = %scan3A_54 to %scan3A_56 step %scan3A_57  : i32 {
      %mul3A_354 = arith.constant 16 : i32
      %mul3A_355 = arith.muli %scan3A_353, %mul3A_354 : i32
      %swap3A = arith.constant 2 : i32
      %swap3A_356 = arith.index_cast %swap3A : i32 to index
      %swap3A_357 = arith.index_cast %mul3A_355 : i32 to index
      %swap3A_358 = tpu.vector_load %arg9[%swap3A_356, %swap3A_357] {strides = array<i32>} : memref<8x4096xf32, #tpu.memory_space<vmem>>, vector<16xf32>,
      tpu.vector_store %arg9[%swap3A_356, %swap3A_357], %get3A_36 {strides = array<i32>} : memref<8x4096xf32, #tpu.memory_space<vmem>>, vector<16xf32>,
      %scan3A_359 = arith.constant 1 : i32
      %scan3A_360 = arith.addi %scan3A_353, %scan3A_359 : i32
      %mul3A_361 = arith.constant 16 : i32
      %mul3A_362 = arith.muli %scan3A_360, %mul3A_361 : i32
      %swap3A_363 = arith.constant 2 : i32
      %swap3A_364 = arith.index_cast %swap3A_363 : i32 to index
      %swap3A_365 = arith.index_cast %mul3A_362 : i32 to index
      %swap3A_366 = tpu.vector_load %arg9[%swap3A_364, %swap3A_365] {strides = array<i32>} : memref<8x4096xf32, #tpu.memory_space<vmem>>, vector<16xf32>,
      tpu.vector_store %arg9[%swap3A_364, %swap3A_365], %get3A_36 {strides = array<i32>} : memref<8x4096xf32, #tpu.memory_space<vmem>>, vector<16xf32>,
      %scan3A_367 = arith.constant 2 : i32
      %scan3A_368 = arith.addi %scan3A_353, %scan3A_367 : i32
      %mul3A_369 = arith.constant 16 : i32
      %mul3A_370 = arith.muli %scan3A_368, %mul3A_369 : i32
      %swap3A_371 = arith.constant 2 : i32
      %swap3A_372 = arith.index_cast %swap3A_371 : i32 to index
      %swap3A_373 = arith.index_cast %mul3A_370 : i32 to index
      %swap3A_374 = tpu.vector_load %arg9[%swap3A_372, %swap3A_373] {strides = array<i32>} : memref<8x4096xf32, #tpu.memory_space<vmem>>, vector<16xf32>,
      tpu.vector_store %arg9[%swap3A_372, %swap3A_373], %get3A_36 {strides = array<i32>} : memref<8x4096xf32, #tpu.memory_space<vmem>>, vector<16xf32>,
      %scan3A_375 = arith.constant 3 : i32
      %scan3A_376 = arith.addi %scan3A_353, %scan3A_375 : i32
      %mul3A_377 = arith.constant 16 : i32
      %mul3A_378 = arith.muli %scan3A_376, %mul3A_377 : i32
      %swap3A_379 = arith.constant 2 : i32
      %swap3A_380 = arith.index_cast %swap3A_379 : i32 to index
      %swap3A_381 = arith.index_cast %mul3A_378 : i32 to index
      %swap3A_382 = tpu.vector_load %arg9[%swap3A_380, %swap3A_381] {strides = array<i32>} : memref<8x4096xf32, #tpu.memory_space<vmem>>, vector<16xf32>,
      tpu.vector_store %arg9[%swap3A_380, %swap3A_381], %get3A_36 {strides = array<i32>} : memref<8x4096xf32, #tpu.memory_space<vmem>>, vector<16xf32>,
      %scan3A_383 = arith.constant 4 : i32
      %scan3A_384 = arith.addi %scan3A_353, %scan3A_383 : i32
      %mul3A_385 = arith.constant 16 : i32
      %mul3A_386 = arith.muli %scan3A_384, %mul3A_385 : i32
      %swap3A_387 = arith.constant 2 : i32
      %swap3A_388 = arith.index_cast %swap3A_387 : i32 to index
      %swap3A_389 = arith.index_cast %mul3A_386 : i32 to index
      %swap3A_390 = tpu.vector_load %arg9[%swap3A_388, %swap3A_389] {strides = array<i32>} : memref<8x4096xf32, #tpu.memory_space<vmem>>, vector<16xf32>,
      tpu.vector_store %arg9[%swap3A_388, %swap3A_389], %get3A_36 {strides = array<i32>} : memref<8x4096xf32, #tpu.memory_space<vmem>>, vector<16xf32>,
      %scan3A_391 = arith.constant 5 : i32
      %scan3A_392 = arith.addi %scan3A_353, %scan3A_391 : i32
      %mul3A_393 = arith.constant 16 : i32
      %mul3A_394 = arith.muli %scan3A_392, %mul3A_393 : i32
      %swap3A_395 = arith.constant 2 : i32
      %swap3A_396 = arith.index_cast %swap3A_395 : i32 to index
      %swap3A_397 = arith.index_cast %mul3A_394 : i32 to index
      %swap3A_398 = tpu.vector_load %arg9[%swap3A_396, %swap3A_397] {strides = array<i32>} : memref<8x4096xf32, #tpu.memory_space<vmem>>, vector<16xf32>,
      tpu.vector_store %arg9[%swap3A_396, %swap3A_397], %get3A_36 {strides = array<i32>} : memref<8x4096xf32, #tpu.memory_space<vmem>>, vector<16xf32>,
      %scan3A_399 = arith.constant 6 : i32
      %scan3A_400 = arith.addi %scan3A_353, %scan3A_399 : i32
      %mul3A_401 = arith.constant 16 : i32
      %mul3A_402 = arith.muli %scan3A_400, %mul3A_401 : i32
      %swap3A_403 = arith.constant 2 : i32
      %swap3A_404 = arith.index_cast %swap3A_403 : i32 to index
      %swap3A_405 = arith.index_cast %mul3A_402 : i32 to index
      %swap3A_406 = tpu.vector_load %arg9[%swap3A_404, %swap3A_405] {strides = array<i32>} : memref<8x4096xf32, #tpu.memory_space<vmem>>, vector<16xf32>,
      tpu.vector_store %arg9[%swap3A_404, %swap3A_405], %get3A_36 {strides = array<i32>} : memref<8x4096xf32, #tpu.memory_space<vmem>>, vector<16xf32>,
      %scan3A_407 = arith.constant 7 : i32
      %scan3A_408 = arith.addi %scan3A_353, %scan3A_407 : i32
      %mul3A_409 = arith.constant 16 : i32
      %mul3A_410 = arith.muli %scan3A_408, %mul3A_409 : i32
      %swap3A_411 = arith.constant 2 : i32
      %swap3A_412 = arith.index_cast %swap3A_411 : i32 to index
      %swap3A_413 = arith.index_cast %mul3A_410 : i32 to index
      %swap3A_414 = tpu.vector_load %arg9[%swap3A_412, %swap3A_413] {strides = array<i32>} : memref<8x4096xf32, #tpu.memory_space<vmem>>, vector<16xf32>,
      tpu.vector_store %arg9[%swap3A_412, %swap3A_413], %get3A_36 {strides = array<i32>} : memref<8x4096xf32, #tpu.memory_space<vmem>>, vector<16xf32>,
    }
    %scan3A_58 = arith.constant 256 : i32
    %scan3A_59 = arith.constant 0 : i32
    %scan3A_60 = arith.constant 0 : i32
    %scan3A_61 = arith.constant 256 : i32
    %scan3A_62 = arith.addi %scan3A_60, %scan3A_61 : i32
    %scan3A_63 = arith.constant 8 : i32
    scf.for %scan3A_353 = %scan3A_60 to %scan3A_62 step %scan3A_63  : i32 {
      %mul3A_354 = arith.constant 16 : i32
      %mul3A_355 = arith.muli %scan3A_353, %mul3A_354 : i32
      %swap3A = arith.constant 3 : i32
      %swap3A_356 = arith.index_cast %swap3A : i32 to index
      %swap3A_357 = arith.index_cast %mul3A_355 : i32 to index
      %swap3A_358 = tpu.vector_load %arg9[%swap3A_356, %swap3A_357] {strides = array<i32>} : memref<8x4096xf32, #tpu.memory_space<vmem>>, vector<16xf32>,
      tpu.vector_store %arg9[%swap3A_356, %swap3A_357], %get3A_36 {strides = array<i32>} : memref<8x4096xf32, #tpu.memory_space<vmem>>, vector<16xf32>,
      %scan3A_359 = arith.constant 1 : i32
      %scan3A_360 = arith.addi %scan3A_353, %scan3A_359 : i32
      %mul3A_361 = arith.constant 16 : i32
      %mul3A_362 = arith.muli %scan3A_360, %mul3A_361 : i32
      %swap3A_363 = arith.constant 3 : i32
      %swap3A_364 = arith.index_cast %swap3A_363 : i32 to index
      %swap3A_365 = arith.index_cast %mul3A_362 : i32 to index
      %swap3A_366 = tpu.vector_load %arg9[%swap3A_364, %swap3A_365] {strides = array<i32>} : memref<8x4096xf32, #tpu.memory_space<vmem>>, vector<16xf32>,
      tpu.vector_store %arg9[%swap3A_364, %swap3A_365], %get3A_36 {strides = array<i32>} : memref<8x4096xf32, #tpu.memory_space<vmem>>, vector<16xf32>,
      %scan3A_367 = arith.constant 2 : i32
      %scan3A_368 = arith.addi %scan3A_353, %scan3A_367 : i32
      %mul3A_369 = arith.constant 16 : i32
      %mul3A_370 = arith.muli %scan3A_368, %mul3A_369 : i32
      %swap3A_371 = arith.constant 3 : i32
      %swap3A_372 = arith.index_cast %swap3A_371 : i32 to index
      %swap3A_373 = arith.index_cast %mul3A_370 : i32 to index
      %swap3A_374 = tpu.vector_load %arg9[%swap3A_372, %swap3A_373] {strides = array<i32>} : memref<8x4096xf32, #tpu.memory_space<vmem>>, vector<16xf32>,
      tpu.vector_store %arg9[%swap3A_372, %swap3A_373], %get3A_36 {strides = array<i32>} : memref<8x4096xf32, #tpu.memory_space<vmem>>, vector<16xf32>,
      %scan3A_375 = arith.constant 3 : i32
      %scan3A_376 = arith.addi %scan3A_353, %scan3A_375 : i32
      %mul3A_377 = arith.constant 16 : i32
      %mul3A_378 = arith.muli %scan3A_376, %mul3A_377 : i32
      %swap3A_379 = arith.constant 3 : i32
      %swap3A_380 = arith.index_cast %swap3A_379 : i32 to index
      %swap3A_381 = arith.index_cast %mul3A_378 : i32 to index
      %swap3A_382 = tpu.vector_load %arg9[%swap3A_380, %swap3A_381] {strides = array<i32>} : memref<8x4096xf32, #tpu.memory_space<vmem>>, vector<16xf32>,
      tpu.vector_store %arg9[%swap3A_380, %swap3A_381], %get3A_36 {strides = array<i32>} : memref<8x4096xf32, #tpu.memory_space<vmem>>, vector<16xf32>,
      %scan3A_383 = arith.constant 4 : i32
      %scan3A_384 = arith.addi %scan3A_353, %scan3A_383 : i32
      %mul3A_385 = arith.constant 16 : i32
      %mul3A_386 = arith.muli %scan3A_384, %mul3A_385 : i32
      %swap3A_387 = arith.constant 3 : i32
      %swap3A_388 = arith.index_cast %swap3A_387 : i32 to index
      %swap3A_389 = arith.index_cast %mul3A_386 : i32 to index
      %swap3A_390 = tpu.vector_load %arg9[%swap3A_388, %swap3A_389] {strides = array<i32>} : memref<8x4096xf32, #tpu.memory_space<vmem>>, vector<16xf32>,
      tpu.vector_store %arg9[%swap3A_388, %swap3A_389], %get3A_36 {strides = array<i32>} : memref<8x4096xf32, #tpu.memory_space<vmem>>, vector<16xf32>,
      %scan3A_391 = arith.constant 5 : i32
      %scan3A_392 = arith.addi %scan3A_353, %scan3A_391 : i32
      %mul3A_393 = arith.constant 16 : i32
      %mul3A_394 = arith.muli %scan3A_392, %mul3A_393 : i32
      %swap3A_395 = arith.constant 3 : i32
      %swap3A_396 = arith.index_cast %swap3A_395 : i32 to index
      %swap3A_397 = arith.index_cast %mul3A_394 : i32 to index
      %swap3A_398 = tpu.vector_load %arg9[%swap3A_396, %swap3A_397] {strides = array<i32>} : memref<8x4096xf32, #tpu.memory_space<vmem>>, vector<16xf32>,
      tpu.vector_store %arg9[%swap3A_396, %swap3A_397], %get3A_36 {strides = array<i32>} : memref<8x4096xf32, #tpu.memory_space<vmem>>, vector<16xf32>,
      %scan3A_399 = arith.constant 6 : i32
      %scan3A_400 = arith.addi %scan3A_353, %scan3A_399 : i32
      %mul3A_401 = arith.constant 16 : i32
      %mul3A_402 = arith.muli %scan3A_400, %mul3A_401 : i32
      %swap3A_403 = arith.constant 3 : i32
      %swap3A_404 = arith.index_cast %swap3A_403 : i32 to index
      %swap3A_405 = arith.index_cast %mul3A_402 : i32 to index
      %swap3A_406 = tpu.vector_load %arg9[%swap3A_404, %swap3A_405] {strides = array<i32>} : memref<8x4096xf32, #tpu.memory_space<vmem>>, vector<16xf32>,
      tpu.vector_store %arg9[%swap3A_404, %swap3A_405], %get3A_36 {strides = array<i32>} : memref<8x4096xf32, #tpu.memory_space<vmem>>, vector<16xf32>,
      %scan3A_407 = arith.constant 7 : i32
      %scan3A_408 = arith.addi %scan3A_353, %scan3A_407 : i32
      %mul3A_409 = arith.constant 16 : i32
      %mul3A_410 = arith.muli %scan3A_408, %mul3A_409 : i32
      %swap3A_411 = arith.constant 3 : i32
      %swap3A_412 = arith.index_cast %swap3A_411 : i32 to index
      %swap3A_413 = arith.index_cast %mul3A_410 : i32 to index
      %swap3A_414 = tpu.vector_load %arg9[%swap3A_412, %swap3A_413] {strides = array<i32>} : memref<8x4096xf32, #tpu.memory_space<vmem>>, vector<16xf32>,
      tpu.vector_store %arg9[%swap3A_412, %swap3A_413], %get3A_36 {strides = array<i32>} : memref<8x4096xf32, #tpu.memory_space<vmem>>, vector<16xf32>,
    }
    %scan3A_64 = arith.constant 256 : i32
    %scan3A_65 = arith.constant 0 : i32
    %scan3A_66 = arith.constant 0 : i32
    %scan3A_67 = arith.constant 256 : i32
    %scan3A_68 = arith.addi %scan3A_66, %scan3A_67 : i32
    %scan3A_69 = arith.constant 8 : i32
    scf.for %scan3A_353 = %scan3A_66 to %scan3A_68 step %scan3A_69  : i32 {
      %mul3A_354 = arith.constant 16 : i32
      %mul3A_355 = arith.muli %scan3A_353, %mul3A_354 : i32
      %swap3A = arith.constant 4 : i32
      %swap3A_356 = arith.index_cast %swap3A : i32 to index
      %swap3A_357 = arith.index_cast %mul3A_355 : i32 to index
      %swap3A_358 = tpu.vector_load %arg9[%swap3A_356, %swap3A_357] {strides = array<i32>} : memref<8x4096xf32, #tpu.memory_space<vmem>>, vector<16xf32>,
      tpu.vector_store %arg9[%swap3A_356, %swap3A_357], %get3A_36 {strides = array<i32>} : memref<8x4096xf32, #tpu.memory_space<vmem>>, vector<16xf32>,
      %scan3A_359 = arith.constant 1 : i32
      %scan3A_360 = arith.addi %scan3A_353, %scan3A_359 : i32
      %mul3A_361 = arith.constant 16 : i32
      %mul3A_362 = arith.muli %scan3A_360, %mul3A_361 : i32
      %swap3A_363 = arith.constant 4 : i32
      %swap3A_364 = arith.index_cast %swap3A_363 : i32 to index
      %swap3A_365 = arith.index_cast %mul3A_362 : i32 to index
      %swap3A_366 = tpu.vector_load %arg9[%swap3A_364, %swap3A_365] {strides = array<i32>} : memref<8x4096xf32, #tpu.memory_space<vmem>>, vector<16xf32>,
      tpu.vector_store %arg9[%swap3A_364, %swap3A_365], %get3A_36 {strides = array<i32>} : memref<8x4096xf32, #tpu.memory_space<vmem>>, vector<16xf32>,
      %scan3A_367 = arith.constant 2 : i32
      %scan3A_368 = arith.addi %scan3A_353, %scan3A_367 : i32
      %mul3A_369 = arith.constant 16 : i32
      %mul3A_370 = arith.muli %scan3A_368, %mul3A_369 : i32
      %swap3A_371 = arith.constant 4 : i32
      %swap3A_372 = arith.index_cast %swap3A_371 : i32 to index
      %swap3A_373 = arith.index_cast %mul3A_370 : i32 to index
      %swap3A_374 = tpu.vector_load %arg9[%swap3A_372, %swap3A_373] {strides = array<i32>} : memref<8x4096xf32, #tpu.memory_space<vmem>>, vector<16xf32>,
      tpu.vector_store %arg9[%swap3A_372, %swap3A_373], %get3A_36 {strides = array<i32>} : memref<8x4096xf32, #tpu.memory_space<vmem>>, vector<16xf32>,
      %scan3A_375 = arith.constant 3 : i32
      %scan3A_376 = arith.addi %scan3A_353, %scan3A_375 : i32
      %mul3A_377 = arith.constant 16 : i32
      %mul3A_378 = arith.muli %scan3A_376, %mul3A_377 : i32
      %swap3A_379 = arith.constant 4 : i32
      %swap3A_380 = arith.index_cast %swap3A_379 : i32 to index
      %swap3A_381 = arith.index_cast %mul3A_378 : i32 to index
      %swap3A_382 = tpu.vector_load %arg9[%swap3A_380, %swap3A_381] {strides = array<i32>} : memref<8x4096xf32, #tpu.memory_space<vmem>>, vector<16xf32>,
      tpu.vector_store %arg9[%swap3A_380, %swap3A_381], %get3A_36 {strides = array<i32>} : memref<8x4096xf32, #tpu.memory_space<vmem>>, vector<16xf32>,
      %scan3A_383 = arith.constant 4 : i32
      %scan3A_384 = arith.addi %scan3A_353, %scan3A_383 : i32
      %mul3A_385 = arith.constant 16 : i32
      %mul3A_386 = arith.muli %scan3A_384, %mul3A_385 : i32
      %swap3A_387 = arith.constant 4 : i32
      %swap3A_388 = arith.index_cast %swap3A_387 : i32 to index
      %swap3A_389 = arith.index_cast %mul3A_386 : i32 to index
      %swap3A_390 = tpu.vector_load %arg9[%swap3A_388, %swap3A_389] {strides = array<i32>} : memref<8x4096xf32, #tpu.memory_space<vmem>>, vector<16xf32>,
      tpu.vector_store %arg9[%swap3A_388, %swap3A_389], %get3A_36 {strides = array<i32>} : memref<8x4096xf32, #tpu.memory_space<vmem>>, vector<16xf32>,
      %scan3A_391 = arith.constant 5 : i32
      %scan3A_392 = arith.addi %scan3A_353, %scan3A_391 : i32
      %mul3A_393 = arith.constant 16 : i32
      %mul3A_394 = arith.muli %scan3A_392, %mul3A_393 : i32
      %swap3A_395 = arith.constant 4 : i32
      %swap3A_396 = arith.index_cast %swap3A_395 : i32 to index
      %swap3A_397 = arith.index_cast %mul3A_394 : i32 to index
      %swap3A_398 = tpu.vector_load %arg9[%swap3A_396, %swap3A_397] {strides = array<i32>} : memref<8x4096xf32, #tpu.memory_space<vmem>>, vector<16xf32>,
      tpu.vector_store %arg9[%swap3A_396, %swap3A_397], %get3A_36 {strides = array<i32>} : memref<8x4096xf32, #tpu.memory_space<vmem>>, vector<16xf32>,
      %scan3A_399 = arith.constant 6 : i32
      %scan3A_400 = arith.addi %scan3A_353, %scan3A_399 : i32
      %mul3A_401 = arith.constant 16 : i32
      %mul3A_402 = arith.muli %scan3A_400, %mul3A_401 : i32
      %swap3A_403 = arith.constant 4 : i32
      %swap3A_404 = arith.index_cast %swap3A_403 : i32 to index
      %swap3A_405 = arith.index_cast %mul3A_402 : i32 to index
      %swap3A_406 = tpu.vector_load %arg9[%swap3A_404, %swap3A_405] {strides = array<i32>} : memref<8x4096xf32, #tpu.memory_space<vmem>>, vector<16xf32>,
      tpu.vector_store %arg9[%swap3A_404, %swap3A_405], %get3A_36 {strides = array<i32>} : memref<8x4096xf32, #tpu.memory_space<vmem>>, vector<16xf32>,
      %scan3A_407 = arith.constant 7 : i32
      %scan3A_408 = arith.addi %scan3A_353, %scan3A_407 : i32
      %mul3A_409 = arith.constant 16 : i32
      %mul3A_410 = arith.muli %scan3A_408, %mul3A_409 : i32
      %swap3A_411 = arith.constant 4 : i32
      %swap3A_412 = arith.index_cast %swap3A_411 : i32 to index
      %swap3A_413 = arith.index_cast %mul3A_410 : i32 to index
      %swap3A_414 = tpu.vector_load %arg9[%swap3A_412, %swap3A_413] {strides = array<i32>} : memref<8x4096xf32, #tpu.memory_space<vmem>>, vector<16xf32>,
      tpu.vector_store %arg9[%swap3A_412, %swap3A_413], %get3A_36 {strides = array<i32>} : memref<8x4096xf32, #tpu.memory_space<vmem>>, vector<16xf32>,
    }
    %scan3A_70 = arith.constant 256 : i32
    %scan3A_71 = arith.constant 0 : i32
    %scan3A_72 = arith.constant 0 : i32
    %scan3A_73 = arith.constant 256 : i32
    %scan3A_74 = arith.addi %scan3A_72, %scan3A_73 : i32
    %scan3A_75 = arith.constant 8 : i32
    scf.for %scan3A_353 = %scan3A_72 to %scan3A_74 step %scan3A_75  : i32 {
      %mul3A_354 = arith.constant 16 : i32
      %mul3A_355 = arith.muli %scan3A_353, %mul3A_354 : i32
      %swap3A = arith.constant 5 : i32
      %swap3A_356 = arith.index_cast %swap3A : i32 to index
      %swap3A_357 = arith.index_cast %mul3A_355 : i32 to index
      %swap3A_358 = tpu.vector_load %arg9[%swap3A_356, %swap3A_357] {strides = array<i32>} : memref<8x4096xf32, #tpu.memory_space<vmem>>, vector<16xf32>,
      tpu.vector_store %arg9[%swap3A_356, %swap3A_357], %get3A_36 {strides = array<i32>} : memref<8x4096xf32, #tpu.memory_space<vmem>>, vector<16xf32>,
      %scan3A_359 = arith.constant 1 : i32
      %scan3A_360 = arith.addi %scan3A_353, %scan3A_359 : i32
      %mul3A_361 = arith.constant 16 : i32
      %mul3A_362 = arith.muli %scan3A_360, %mul3A_361 : i32
      %swap3A_363 = arith.constant 5 : i32
      %swap3A_364 = arith.index_cast %swap3A_363 : i32 to index
      %swap3A_365 = arith.index_cast %mul3A_362 : i32 to index
      %swap3A_366 = tpu.vector_load %arg9[%swap3A_364, %swap3A_365] {strides = array<i32>} : memref<8x4096xf32, #tpu.memory_space<vmem>>, vector<16xf32>,
      tpu.vector_store %arg9[%swap3A_364, %swap3A_365], %get3A_36 {strides = array<i32>} : memref<8x4096xf32, #tpu.memory_space<vmem>>, vector<16xf32>,
      %scan3A_367 = arith.constant 2 : i32
      %scan3A_368 = arith.addi %scan3A_353, %scan3A_367 : i32
      %mul3A_369 = arith.constant 16 : i32
      %mul3A_370 = arith.muli %scan3A_368, %mul3A_369 : i32
      %swap3A_371 = arith.constant 5 : i32
      %swap3A_372 = arith.index_cast %swap3A_371 : i32 to index
      %swap3A_373 = arith.index_cast %mul3A_370 : i32 to index
      %swap3A_374 = tpu.vector_load %arg9[%swap3A_372, %swap3A_373] {strides = array<i32>} : memref<8x4096xf32, #tpu.memory_space<vmem>>, vector<16xf32>,
      tpu.vector_store %arg9[%swap3A_372, %swap3A_373], %get3A_36 {strides = array<i32>} : memref<8x4096xf32, #tpu.memory_space<vmem>>, vector<16xf32>,
      %scan3A_375 = arith.constant 3 : i32
      %scan3A_376 = arith.addi %scan3A_353, %scan3A_375 : i32
      %mul3A_377 = arith.constant 16 : i32
      %mul3A_378 = arith.muli %scan3A_376, %mul3A_377 : i32
      %swap3A_379 = arith.constant 5 : i32
      %swap3A_380 = arith.index_cast %swap3A_379 : i32 to index
      %swap3A_381 = arith.index_cast %mul3A_378 : i32 to index
      %swap3A_382 = tpu.vector_load %arg9[%swap3A_380, %swap3A_381] {strides = array<i32>} : memref<8x4096xf32, #tpu.memory_space<vmem>>, vector<16xf32>,
      tpu.vector_store %arg9[%swap3A_380, %swap3A_381], %get3A_36 {strides = array<i32>} : memref<8x4096xf32, #tpu.memory_space<vmem>>, vector<16xf32>,
      %scan3A_383 = arith.constant 4 : i32
      %scan3A_384 = arith.addi %scan3A_353, %scan3A_383 : i32
      %mul3A_385 = arith.constant 16 : i32
      %mul3A_386 = arith.muli %scan3A_384, %mul3A_385 : i32
      %swap3A_387 = arith.constant 5 : i32
      %swap3A_388 = arith.index_cast %swap3A_387 : i32 to index
      %swap3A_389 = arith.index_cast %mul3A_386 : i32 to index
      %swap3A_390 = tpu.vector_load %arg9[%swap3A_388, %swap3A_389] {strides = array<i32>} : memref<8x4096xf32, #tpu.memory_space<vmem>>, vector<16xf32>,
      tpu.vector_store %arg9[%swap3A_388, %swap3A_389], %get3A_36 {strides = array<i32>} : memref<8x4096xf32, #tpu.memory_space<vmem>>, vector<16xf32>,
      %scan3A_391 = arith.constant 5 : i32
      %scan3A_392 = arith.addi %scan3A_353, %scan3A_391 : i32
      %mul3A_393 = arith.constant 16 : i32
      %mul3A_394 = arith.muli %scan3A_392, %mul3A_393 : i32
      %swap3A_395 = arith.constant 5 : i32
      %swap3A_396 = arith.index_cast %swap3A_395 : i32 to index
      %swap3A_397 = arith.index_cast %mul3A_394 : i32 to index
      %swap3A_398 = tpu.vector_load %arg9[%swap3A_396, %swap3A_397] {strides = array<i32>} : memref<8x4096xf32, #tpu.memory_space<vmem>>, vector<16xf32>,
      tpu.vector_store %arg9[%swap3A_396, %swap3A_397], %get3A_36 {strides = array<i32>} : memref<8x4096xf32, #tpu.memory_space<vmem>>, vector<16xf32>,
      %scan3A_399 = arith.constant 6 : i32
      %scan3A_400 = arith.addi %scan3A_353, %scan3A_399 : i32
      %mul3A_401 = arith.constant 16 : i32
      %mul3A_402 = arith.muli %scan3A_400, %mul3A_401 : i32
      %swap3A_403 = arith.constant 5 : i32
      %swap3A_404 = arith.index_cast %swap3A_403 : i32 to index
      %swap3A_405 = arith.index_cast %mul3A_402 : i32 to index
      %swap3A_406 = tpu.vector_load %arg9[%swap3A_404, %swap3A_405] {strides = array<i32>} : memref<8x4096xf32, #tpu.memory_space<vmem>>, vector<16xf32>,
      tpu.vector_store %arg9[%swap3A_404, %swap3A_405], %get3A_36 {strides = array<i32>} : memref<8x4096xf32, #tpu.memory_space<vmem>>, vector<16xf32>,
      %scan3A_407 = arith.constant 7 : i32
      %scan3A_408 = arith.addi %scan3A_353, %scan3A_407 : i32
      %mul3A_409 = arith.constant 16 : i32
      %mul3A_410 = arith.muli %scan3A_408, %mul3A_409 : i32
      %swap3A_411 = arith.constant 5 : i32
      %swap3A_412 = arith.index_cast %swap3A_411 : i32 to index
      %swap3A_413 = arith.index_cast %mul3A_410 : i32 to index
      %swap3A_414 = tpu.vector_load %arg9[%swap3A_412, %swap3A_413] {strides = array<i32>} : memref<8x4096xf32, #tpu.memory_space<vmem>>, vector<16xf32>,
      tpu.vector_store %arg9[%swap3A_412, %swap3A_413], %get3A_36 {strides = array<i32>} : memref<8x4096xf32, #tpu.memory_space<vmem>>, vector<16xf32>,
    }
    %scan3A_76 = arith.constant 256 : i32
    %scan3A_77 = arith.constant 0 : i32
    %scan3A_78 = arith.constant 0 : i32
    %scan3A_79 = arith.constant 256 : i32
    %scan3A_80 = arith.addi %scan3A_78, %scan3A_79 : i32
    %scan3A_81 = arith.constant 8 : i32
    scf.for %scan3A_353 = %scan3A_78 to %scan3A_80 step %scan3A_81  : i32 {
      %mul3A_354 = arith.constant 16 : i32
      %mul3A_355 = arith.muli %scan3A_353, %mul3A_354 : i32
      %swap3A = arith.constant 6 : i32
      %swap3A_356 = arith.index_cast %swap3A : i32 to index
      %swap3A_357 = arith.index_cast %mul3A_355 : i32 to index
      %swap3A_358 = tpu.vector_load %arg9[%swap3A_356, %swap3A_357] {strides = array<i32>} : memref<8x4096xf32, #tpu.memory_space<vmem>>, vector<16xf32>,
      tpu.vector_store %arg9[%swap3A_356, %swap3A_357], %get3A_36 {strides = array<i32>} : memref<8x4096xf32, #tpu.memory_space<vmem>>, vector<16xf32>,
      %scan3A_359 = arith.constant 1 : i32
      %scan3A_360 = arith.addi %scan3A_353, %scan3A_359 : i32
      %mul3A_361 = arith.constant 16 : i32
      %mul3A_362 = arith.muli %scan3A_360, %mul3A_361 : i32
      %swap3A_363 = arith.constant 6 : i32
      %swap3A_364 = arith.index_cast %swap3A_363 : i32 to index
      %swap3A_365 = arith.index_cast %mul3A_362 : i32 to index
      %swap3A_366 = tpu.vector_load %arg9[%swap3A_364, %swap3A_365] {strides = array<i32>} : memref<8x4096xf32, #tpu.memory_space<vmem>>, vector<16xf32>,
      tpu.vector_store %arg9[%swap3A_364, %swap3A_365], %get3A_36 {strides = array<i32>} : memref<8x4096xf32, #tpu.memory_space<vmem>>, vector<16xf32>,
      %scan3A_367 = arith.constant 2 : i32
      %scan3A_368 = arith.addi %scan3A_353, %scan3A_367 : i32
      %mul3A_369 = arith.constant 16 : i32
      %mul3A_370 = arith.muli %scan3A_368, %mul3A_369 : i32
      %swap3A_371 = arith.constant 6 : i32
      %swap3A_372 = arith.index_cast %swap3A_371 : i32 to index
      %swap3A_373 = arith.index_cast %mul3A_370 : i32 to index
      %swap3A_374 = tpu.vector_load %arg9[%swap3A_372, %swap3A_373] {strides = array<i32>} : memref<8x4096xf32, #tpu.memory_space<vmem>>, vector<16xf32>,
      tpu.vector_store %arg9[%swap3A_372, %swap3A_373], %get3A_36 {strides = array<i32>} : memref<8x4096xf32, #tpu.memory_space<vmem>>, vector<16xf32>,
      %scan3A_375 = arith.constant 3 : i32
      %scan3A_376 = arith.addi %scan3A_353, %scan3A_375 : i32
      %mul3A_377 = arith.constant 16 : i32
      %mul3A_378 = arith.muli %scan3A_376, %mul3A_377 : i32
      %swap3A_379 = arith.constant 6 : i32
      %swap3A_380 = arith.index_cast %swap3A_379 : i32 to index
      %swap3A_381 = arith.index_cast %mul3A_378 : i32 to index
      %swap3A_382 = tpu.vector_load %arg9[%swap3A_380, %swap3A_381] {strides = array<i32>} : memref<8x4096xf32, #tpu.memory_space<vmem>>, vector<16xf32>,
      tpu.vector_store %arg9[%swap3A_380, %swap3A_381], %get3A_36 {strides = array<i32>} : memref<8x4096xf32, #tpu.memory_space<vmem>>, vector<16xf32>,
      %scan3A_383 = arith.constant 4 : i32
      %scan3A_384 = arith.addi %scan3A_353, %scan3A_383 : i32
      %mul3A_385 = arith.constant 16 : i32
      %mul3A_386 = arith.muli %scan3A_384, %mul3A_385 : i32
      %swap3A_387 = arith.constant 6 : i32
      %swap3A_388 = arith.index_cast %swap3A_387 : i32 to index
      %swap3A_389 = arith.index_cast %mul3A_386 : i32 to index
      %swap3A_390 = tpu.vector_load %arg9[%swap3A_388, %swap3A_389] {strides = array<i32>} : memref<8x4096xf32, #tpu.memory_space<vmem>>, vector<16xf32>,
      tpu.vector_store %arg9[%swap3A_388, %swap3A_389], %get3A_36 {strides = array<i32>} : memref<8x4096xf32, #tpu.memory_space<vmem>>, vector<16xf32>,
      %scan3A_391 = arith.constant 5 : i32
      %scan3A_392 = arith.addi %scan3A_353, %scan3A_391 : i32
      %mul3A_393 = arith.constant 16 : i32
      %mul3A_394 = arith.muli %scan3A_392, %mul3A_393 : i32
      %swap3A_395 = arith.constant 6 : i32
      %swap3A_396 = arith.index_cast %swap3A_395 : i32 to index
      %swap3A_397 = arith.index_cast %mul3A_394 : i32 to index
      %swap3A_398 = tpu.vector_load %arg9[%swap3A_396, %swap3A_397] {strides = array<i32>} : memref<8x4096xf32, #tpu.memory_space<vmem>>, vector<16xf32>,
      tpu.vector_store %arg9[%swap3A_396, %swap3A_397], %get3A_36 {strides = array<i32>} : memref<8x4096xf32, #tpu.memory_space<vmem>>, vector<16xf32>,
      %scan3A_399 = arith.constant 6 : i32
      %scan3A_400 = arith.addi %scan3A_353, %scan3A_399 : i32
      %mul3A_401 = arith.constant 16 : i32
      %mul3A_402 = arith.muli %scan3A_400, %mul3A_401 : i32
      %swap3A_403 = arith.constant 6 : i32
      %swap3A_404 = arith.index_cast %swap3A_403 : i32 to index
      %swap3A_405 = arith.index_cast %mul3A_402 : i32 to index
      %swap3A_406 = tpu.vector_load %arg9[%swap3A_404, %swap3A_405] {strides = array<i32>} : memref<8x4096xf32, #tpu.memory_space<vmem>>, vector<16xf32>,
      tpu.vector_store %arg9[%swap3A_404, %swap3A_405], %get3A_36 {strides = array<i32>} : memref<8x4096xf32, #tpu.memory_space<vmem>>, vector<16xf32>,
      %scan3A_407 = arith.constant 7 : i32
      %scan3A_408 = arith.addi %scan3A_353, %scan3A_407 : i32
      %mul3A_409 = arith.constant 16 : i32
      %mul3A_410 = arith.muli %scan3A_408, %mul3A_409 : i32
      %swap3A_411 = arith.constant 6 : i32
      %swap3A_412 = arith.index_cast %swap3A_411 : i32 to index
      %swap3A_413 = arith.index_cast %mul3A_410 : i32 to index
      %swap3A_414 = tpu.vector_load %arg9[%swap3A_412, %swap3A_413] {strides = array<i32>} : memref<8x4096xf32, #tpu.memory_space<vmem>>, vector<16xf32>,
      tpu.vector_store %arg9[%swap3A_412, %swap3A_413], %get3A_36 {strides = array<i32>} : memref<8x4096xf32, #tpu.memory_space<vmem>>, vector<16xf32>,
    }
    %scan3A_82 = arith.constant 256 : i32
    %scan3A_83 = arith.constant 0 : i32
    %scan3A_84 = arith.constant 0 : i32
    %scan3A_85 = arith.constant 256 : i32
    %scan3A_86 = arith.addi %scan3A_84, %scan3A_85 : i32
    %scan3A_87 = arith.constant 8 : i32
    scf.for %scan3A_353 = %scan3A_84 to %scan3A_86 step %scan3A_87  : i32 {
      %mul3A_354 = arith.constant 16 : i32
      %mul3A_355 = arith.muli %scan3A_353, %mul3A_354 : i32
      %swap3A = arith.constant 7 : i32
      %swap3A_356 = arith.index_cast %swap3A : i32 to index
      %swap3A_357 = arith.index_cast %mul3A_355 : i32 to index
      %swap3A_358 = tpu.vector_load %arg9[%swap3A_356, %swap3A_357] {strides = array<i32>} : memref<8x4096xf32, #tpu.memory_space<vmem>>, vector<16xf32>,
      tpu.vector_store %arg9[%swap3A_356, %swap3A_357], %get3A_36 {strides = array<i32>} : memref<8x4096xf32, #tpu.memory_space<vmem>>, vector<16xf32>,
      %scan3A_359 = arith.constant 1 : i32
      %scan3A_360 = arith.addi %scan3A_353, %scan3A_359 : i32
      %mul3A_361 = arith.constant 16 : i32
      %mul3A_362 = arith.muli %scan3A_360, %mul3A_361 : i32
      %swap3A_363 = arith.constant 7 : i32
      %swap3A_364 = arith.index_cast %swap3A_363 : i32 to index
      %swap3A_365 = arith.index_cast %mul3A_362 : i32 to index
      %swap3A_366 = tpu.vector_load %arg9[%swap3A_364, %swap3A_365] {strides = array<i32>} : memref<8x4096xf32, #tpu.memory_space<vmem>>, vector<16xf32>,
      tpu.vector_store %arg9[%swap3A_364, %swap3A_365], %get3A_36 {strides = array<i32>} : memref<8x4096xf32, #tpu.memory_space<vmem>>, vector<16xf32>,
      %scan3A_367 = arith.constant 2 : i32
      %scan3A_368 = arith.addi %scan3A_353, %scan3A_367 : i32
      %mul3A_369 = arith.constant 16 : i32
      %mul3A_370 = arith.muli %scan3A_368, %mul3A_369 : i32
      %swap3A_371 = arith.constant 7 : i32
      %swap3A_372 = arith.index_cast %swap3A_371 : i32 to index
      %swap3A_373 = arith.index_cast %mul3A_370 : i32 to index
      %swap3A_374 = tpu.vector_load %arg9[%swap3A_372, %swap3A_373] {strides = array<i32>} : memref<8x4096xf32, #tpu.memory_space<vmem>>, vector<16xf32>,
      tpu.vector_store %arg9[%swap3A_372, %swap3A_373], %get3A_36 {strides = array<i32>} : memref<8x4096xf32, #tpu.memory_space<vmem>>, vector<16xf32>,
      %scan3A_375 = arith.constant 3 : i32
      %scan3A_376 = arith.addi %scan3A_353, %scan3A_375 : i32
      %mul3A_377 = arith.constant 16 : i32
      %mul3A_378 = arith.muli %scan3A_376, %mul3A_377 : i32
      %swap3A_379 = arith.constant 7 : i32
      %swap3A_380 = arith.index_cast %swap3A_379 : i32 to index
      %swap3A_381 = arith.index_cast %mul3A_378 : i32 to index
      %swap3A_382 = tpu.vector_load %arg9[%swap3A_380, %swap3A_381] {strides = array<i32>} : memref<8x4096xf32, #tpu.memory_space<vmem>>, vector<16xf32>,
      tpu.vector_store %arg9[%swap3A_380, %swap3A_381], %get3A_36 {strides = array<i32>} : memref<8x4096xf32, #tpu.memory_space<vmem>>, vector<16xf32>,
      %scan3A_383 = arith.constant 4 : i32
      %scan3A_384 = arith.addi %scan3A_353, %scan3A_383 : i32
      %mul3A_385 = arith.constant 16 : i32
      %mul3A_386 = arith.muli %scan3A_384, %mul3A_385 : i32
      %swap3A_387 = arith.constant 7 : i32
      %swap3A_388 = arith.index_cast %swap3A_387 : i32 to index
      %swap3A_389 = arith.index_cast %mul3A_386 : i32 to index
      %swap3A_390 = tpu.vector_load %arg9[%swap3A_388, %swap3A_389] {strides = array<i32>} : memref<8x4096xf32, #tpu.memory_space<vmem>>, vector<16xf32>,
      tpu.vector_store %arg9[%swap3A_388, %swap3A_389], %get3A_36 {strides = array<i32>} : memref<8x4096xf32, #tpu.memory_space<vmem>>, vector<16xf32>,
      %scan3A_391 = arith.constant 5 : i32
      %scan3A_392 = arith.addi %scan3A_353, %scan3A_391 : i32
      %mul3A_393 = arith.constant 16 : i32
      %mul3A_394 = arith.muli %scan3A_392, %mul3A_393 : i32
      %swap3A_395 = arith.constant 7 : i32
      %swap3A_396 = arith.index_cast %swap3A_395 : i32 to index
      %swap3A_397 = arith.index_cast %mul3A_394 : i32 to index
      %swap3A_398 = tpu.vector_load %arg9[%swap3A_396, %swap3A_397] {strides = array<i32>} : memref<8x4096xf32, #tpu.memory_space<vmem>>, vector<16xf32>,
      tpu.vector_store %arg9[%swap3A_396, %swap3A_397], %get3A_36 {strides = array<i32>} : memref<8x4096xf32, #tpu.memory_space<vmem>>, vector<16xf32>,
      %scan3A_399 = arith.constant 6 : i32
      %scan3A_400 = arith.addi %scan3A_353, %scan3A_399 : i32
      %mul3A_401 = arith.constant 16 : i32
      %mul3A_402 = arith.muli %scan3A_400, %mul3A_401 : i32
      %swap3A_403 = arith.constant 7 : i32
      %swap3A_404 = arith.index_cast %swap3A_403 : i32 to index
      %swap3A_405 = arith.index_cast %mul3A_402 : i32 to index
      %swap3A_406 = tpu.vector_load %arg9[%swap3A_404, %swap3A_405] {strides = array<i32>} : memref<8x4096xf32, #tpu.memory_space<vmem>>, vector<16xf32>,
      tpu.vector_store %arg9[%swap3A_404, %swap3A_405], %get3A_36 {strides = array<i32>} : memref<8x4096xf32, #tpu.memory_space<vmem>>, vector<16xf32>,
      %scan3A_407 = arith.constant 7 : i32
      %scan3A_408 = arith.addi %scan3A_353, %scan3A_407 : i32
      %mul3A_409 = arith.constant 16 : i32
      %mul3A_410 = arith.muli %scan3A_408, %mul3A_409 : i32
      %swap3A_411 = arith.constant 7 : i32
      %swap3A_412 = arith.index_cast %swap3A_411 : i32 to index
      %swap3A_413 = arith.index_cast %mul3A_410 : i32 to index
      %swap3A_414 = tpu.vector_load %arg9[%swap3A_412, %swap3A_413] {strides = array<i32>} : memref<8x4096xf32, #tpu.memory_space<vmem>>, vector<16xf32>,
      tpu.vector_store %arg9[%swap3A_412, %swap3A_413], %get3A_36 {strides = array<i32>} : memref<8x4096xf32, #tpu.memory_space<vmem>>, vector<16xf32>,
    }
    %scan3A_88 = arith.constant 256 : i32
    %scan3A_89 = arith.constant 0 : i32
    %scan3A_90 = arith.constant 0 : i32
    %scan3A_91 = arith.constant 256 : i32
    %scan3A_92 = arith.addi %scan3A_90, %scan3A_91 : i32
    %scan3A_93 = arith.constant 8 : i32
    scf.for %scan3A_353 = %scan3A_90 to %scan3A_92 step %scan3A_93  : i32 {
      %mul3A_354 = arith.constant 16 : i32
      %mul3A_355 = arith.muli %scan3A_353, %mul3A_354 : i32
      %swap3A = arith.constant 0 : i32
      %swap3A_356 = arith.index_cast %swap3A : i32 to index
      %swap3A_357 = arith.index_cast %mul3A_355 : i32 to index
      %swap3A_358 = tpu.vector_load %arg10[%swap3A_356, %swap3A_357] {strides = array<i32>} : memref<8x4096xf32, #tpu.memory_space<vmem>>, vector<16xf32>,
      tpu.vector_store %arg10[%swap3A_356, %swap3A_357], %get3A_36 {strides = array<i32>} : memref<8x4096xf32, #tpu.memory_space<vmem>>, vector<16xf32>,
      %scan3A_359 = arith.constant 1 : i32
      %scan3A_360 = arith.addi %scan3A_353, %scan3A_359 : i32
      %mul3A_361 = arith.constant 16 : i32
      %mul3A_362 = arith.muli %scan3A_360, %mul3A_361 : i32
      %swap3A_363 = arith.constant 0 : i32
      %swap3A_364 = arith.index_cast %swap3A_363 : i32 to index
      %swap3A_365 = arith.index_cast %mul3A_362 : i32 to index
      %swap3A_366 = tpu.vector_load %arg10[%swap3A_364, %swap3A_365] {strides = array<i32>} : memref<8x4096xf32, #tpu.memory_space<vmem>>, vector<16xf32>,
      tpu.vector_store %arg10[%swap3A_364, %swap3A_365], %get3A_36 {strides = array<i32>} : memref<8x4096xf32, #tpu.memory_space<vmem>>, vector<16xf32>,
      %scan3A_367 = arith.constant 2 : i32
      %scan3A_368 = arith.addi %scan3A_353, %scan3A_367 : i32
      %mul3A_369 = arith.constant 16 : i32
      %mul3A_370 = arith.muli %scan3A_368, %mul3A_369 : i32
      %swap3A_371 = arith.constant 0 : i32
      %swap3A_372 = arith.index_cast %swap3A_371 : i32 to index
      %swap3A_373 = arith.index_cast %mul3A_370 : i32 to index
      %swap3A_374 = tpu.vector_load %arg10[%swap3A_372, %swap3A_373] {strides = array<i32>} : memref<8x4096xf32, #tpu.memory_space<vmem>>, vector<16xf32>,
      tpu.vector_store %arg10[%swap3A_372, %swap3A_373], %get3A_36 {strides = array<i32>} : memref<8x4096xf32, #tpu.memory_space<vmem>>, vector<16xf32>,
      %scan3A_375 = arith.constant 3 : i32
      %scan3A_376 = arith.addi %scan3A_353, %scan3A_375 : i32
      %mul3A_377 = arith.constant 16 : i32
      %mul3A_378 = arith.muli %scan3A_376, %mul3A_377 : i32
      %swap3A_379 = arith.constant 0 : i32
      %swap3A_380 = arith.index_cast %swap3A_379 : i32 to index
      %swap3A_381 = arith.index_cast %mul3A_378 : i32 to index
      %swap3A_382 = tpu.vector_load %arg10[%swap3A_380, %swap3A_381] {strides = array<i32>} : memref<8x4096xf32, #tpu.memory_space<vmem>>, vector<16xf32>,
      tpu.vector_store %arg10[%swap3A_380, %swap3A_381], %get3A_36 {strides = array<i32>} : memref<8x4096xf32, #tpu.memory_space<vmem>>, vector<16xf32>,
      %scan3A_383 = arith.constant 4 : i32
      %scan3A_384 = arith.addi %scan3A_353, %scan3A_383 : i32
      %mul3A_385 = arith.constant 16 : i32
      %mul3A_386 = arith.muli %scan3A_384, %mul3A_385 : i32
      %swap3A_387 = arith.constant 0 : i32
      %swap3A_388 = arith.index_cast %swap3A_387 : i32 to index
      %swap3A_389 = arith.index_cast %mul3A_386 : i32 to index
      %swap3A_390 = tpu.vector_load %arg10[%swap3A_388, %swap3A_389] {strides = array<i32>} : memref<8x4096xf32, #tpu.memory_space<vmem>>, vector<16xf32>,
      tpu.vector_store %arg10[%swap3A_388, %swap3A_389], %get3A_36 {strides = array<i32>} : memref<8x4096xf32, #tpu.memory_space<vmem>>, vector<16xf32>,
      %scan3A_391 = arith.constant 5 : i32
      %scan3A_392 = arith.addi %scan3A_353, %scan3A_391 : i32
      %mul3A_393 = arith.constant 16 : i32
      %mul3A_394 = arith.muli %scan3A_392, %mul3A_393 : i32
      %swap3A_395 = arith.constant 0 : i32
      %swap3A_396 = arith.index_cast %swap3A_395 : i32 to index
      %swap3A_397 = arith.index_cast %mul3A_394 : i32 to index
      %swap3A_398 = tpu.vector_load %arg10[%swap3A_396, %swap3A_397] {strides = array<i32>} : memref<8x4096xf32, #tpu.memory_space<vmem>>, vector<16xf32>,
      tpu.vector_store %arg10[%swap3A_396, %swap3A_397], %get3A_36 {strides = array<i32>} : memref<8x4096xf32, #tpu.memory_space<vmem>>, vector<16xf32>,
      %scan3A_399 = arith.constant 6 : i32
      %scan3A_400 = arith.addi %scan3A_353, %scan3A_399 : i32
      %mul3A_401 = arith.constant 16 : i32
      %mul3A_402 = arith.muli %scan3A_400, %mul3A_401 : i32
      %swap3A_403 = arith.constant 0 : i32
      %swap3A_404 = arith.index_cast %swap3A_403 : i32 to index
      %swap3A_405 = arith.index_cast %mul3A_402 : i32 to index
      %swap3A_406 = tpu.vector_load %arg10[%swap3A_404, %swap3A_405] {strides = array<i32>} : memref<8x4096xf32, #tpu.memory_space<vmem>>, vector<16xf32>,
      tpu.vector_store %arg10[%swap3A_404, %swap3A_405], %get3A_36 {strides = array<i32>} : memref<8x4096xf32, #tpu.memory_space<vmem>>, vector<16xf32>,
      %scan3A_407 = arith.constant 7 : i32
      %scan3A_408 = arith.addi %scan3A_353, %scan3A_407 : i32
      %mul3A_409 = arith.constant 16 : i32
      %mul3A_410 = arith.muli %scan3A_408, %mul3A_409 : i32
      %swap3A_411 = arith.constant 0 : i32
      %swap3A_412 = arith.index_cast %swap3A_411 : i32 to index
      %swap3A_413 = arith.index_cast %mul3A_410 : i32 to index
      %swap3A_414 = tpu.vector_load %arg10[%swap3A_412, %swap3A_413] {strides = array<i32>} : memref<8x4096xf32, #tpu.memory_space<vmem>>, vector<16xf32>,
      tpu.vector_store %arg10[%swap3A_412, %swap3A_413], %get3A_36 {strides = array<i32>} : memref<8x4096xf32, #tpu.memory_space<vmem>>, vector<16xf32>,
    }
    %scan3A_94 = arith.constant 256 : i32
    %scan3A_95 = arith.constant 0 : i32
    %scan3A_96 = arith.constant 0 : i32
    %scan3A_97 = arith.constant 256 : i32
    %scan3A_98 = arith.addi %scan3A_96, %scan3A_97 : i32
    %scan3A_99 = arith.constant 8 : i32
    scf.for %scan3A_353 = %scan3A_96 to %scan3A_98 step %scan3A_99  : i32 {
      %mul3A_354 = arith.constant 16 : i32
      %mul3A_355 = arith.muli %scan3A_353, %mul3A_354 : i32
      %swap3A = arith.constant 1 : i32
      %swap3A_356 = arith.index_cast %swap3A : i32 to index
      %swap3A_357 = arith.index_cast %mul3A_355 : i32 to index
      %swap3A_358 = tpu.vector_load %arg10[%swap3A_356, %swap3A_357] {strides = array<i32>} : memref<8x4096xf32, #tpu.memory_space<vmem>>, vector<16xf32>,
      tpu.vector_store %arg10[%swap3A_356, %swap3A_357], %get3A_36 {strides = array<i32>} : memref<8x4096xf32, #tpu.memory_space<vmem>>, vector<16xf32>,
      %scan3A_359 = arith.constant 1 : i32
      %scan3A_360 = arith.addi %scan3A_353, %scan3A_359 : i32
      %mul3A_361 = arith.constant 16 : i32
      %mul3A_362 = arith.muli %scan3A_360, %mul3A_361 : i32
      %swap3A_363 = arith.constant 1 : i32
      %swap3A_364 = arith.index_cast %swap3A_363 : i32 to index
      %swap3A_365 = arith.index_cast %mul3A_362 : i32 to index
      %swap3A_366 = tpu.vector_load %arg10[%swap3A_364, %swap3A_365] {strides = array<i32>} : memref<8x4096xf32, #tpu.memory_space<vmem>>, vector<16xf32>,
      tpu.vector_store %arg10[%swap3A_364, %swap3A_365], %get3A_36 {strides = array<i32>} : memref<8x4096xf32, #tpu.memory_space<vmem>>, vector<16xf32>,
      %scan3A_367 = arith.constant 2 : i32
      %scan3A_368 = arith.addi %scan3A_353, %scan3A_367 : i32
      %mul3A_369 = arith.constant 16 : i32
      %mul3A_370 = arith.muli %scan3A_368, %mul3A_369 : i32
      %swap3A_371 = arith.constant 1 : i32
      %swap3A_372 = arith.index_cast %swap3A_371 : i32 to index
      %swap3A_373 = arith.index_cast %mul3A_370 : i32 to index
      %swap3A_374 = tpu.vector_load %arg10[%swap3A_372, %swap3A_373] {strides = array<i32>} : memref<8x4096xf32, #tpu.memory_space<vmem>>, vector<16xf32>,
      tpu.vector_store %arg10[%swap3A_372, %swap3A_373], %get3A_36 {strides = array<i32>} : memref<8x4096xf32, #tpu.memory_space<vmem>>, vector<16xf32>,
      %scan3A_375 = arith.constant 3 : i32
      %scan3A_376 = arith.addi %scan3A_353, %scan3A_375 : i32
      %mul3A_377 = arith.constant 16 : i32
      %mul3A_378 = arith.muli %scan3A_376, %mul3A_377 : i32
      %swap3A_379 = arith.constant 1 : i32
      %swap3A_380 = arith.index_cast %swap3A_379 : i32 to index
      %swap3A_381 = arith.index_cast %mul3A_378 : i32 to index
      %swap3A_382 = tpu.vector_load %arg10[%swap3A_380, %swap3A_381] {strides = array<i32>} : memref<8x4096xf32, #tpu.memory_space<vmem>>, vector<16xf32>,
      tpu.vector_store %arg10[%swap3A_380, %swap3A_381], %get3A_36 {strides = array<i32>} : memref<8x4096xf32, #tpu.memory_space<vmem>>, vector<16xf32>,
      %scan3A_383 = arith.constant 4 : i32
      %scan3A_384 = arith.addi %scan3A_353, %scan3A_383 : i32
      %mul3A_385 = arith.constant 16 : i32
      %mul3A_386 = arith.muli %scan3A_384, %mul3A_385 : i32
      %swap3A_387 = arith.constant 1 : i32
      %swap3A_388 = arith.index_cast %swap3A_387 : i32 to index
      %swap3A_389 = arith.index_cast %mul3A_386 : i32 to index
      %swap3A_390 = tpu.vector_load %arg10[%swap3A_388, %swap3A_389] {strides = array<i32>} : memref<8x4096xf32, #tpu.memory_space<vmem>>, vector<16xf32>,
      tpu.vector_store %arg10[%swap3A_388, %swap3A_389], %get3A_36 {strides = array<i32>} : memref<8x4096xf32, #tpu.memory_space<vmem>>, vector<16xf32>,
      %scan3A_391 = arith.constant 5 : i32
      %scan3A_392 = arith.addi %scan3A_353, %scan3A_391 : i32
      %mul3A_393 = arith.constant 16 : i32
      %mul3A_394 = arith.muli %scan3A_392, %mul3A_393 : i32
      %swap3A_395 = arith.constant 1 : i32
      %swap3A_396 = arith.index_cast %swap3A_395 : i32 to index
      %swap3A_397 = arith.index_cast %mul3A_394 : i32 to index
      %swap3A_398 = tpu.vector_load %arg10[%swap3A_396, %swap3A_397] {strides = array<i32>} : memref<8x4096xf32, #tpu.memory_space<vmem>>, vector<16xf32>,
      tpu.vector_store %arg10[%swap3A_396, %swap3A_397], %get3A_36 {strides = array<i32>} : memref<8x4096xf32, #tpu.memory_space<vmem>>, vector<16xf32>,
      %scan3A_399 = arith.constant 6 : i32
      %scan3A_400 = arith.addi %scan3A_353, %scan3A_399 : i32
      %mul3A_401 = arith.constant 16 : i32
      %mul3A_402 = arith.muli %scan3A_400, %mul3A_401 : i32
      %swap3A_403 = arith.constant 1 : i32
      %swap3A_404 = arith.index_cast %swap3A_403 : i32 to index
      %swap3A_405 = arith.index_cast %mul3A_402 : i32 to index
      %swap3A_406 = tpu.vector_load %arg10[%swap3A_404, %swap3A_405] {strides = array<i32>} : memref<8x4096xf32, #tpu.memory_space<vmem>>, vector<16xf32>,
      tpu.vector_store %arg10[%swap3A_404, %swap3A_405], %get3A_36 {strides = array<i32>} : memref<8x4096xf32, #tpu.memory_space<vmem>>, vector<16xf32>,
      %scan3A_407 = arith.constant 7 : i32
      %scan3A_408 = arith.addi %scan3A_353, %scan3A_407 : i32
      %mul3A_409 = arith.constant 16 : i32
      %mul3A_410 = arith.muli %scan3A_408, %mul3A_409 : i32
      %swap3A_411 = arith.constant 1 : i32
      %swap3A_412 = arith.index_cast %swap3A_411 : i32 to index
      %swap3A_413 = arith.index_cast %mul3A_410 : i32 to index
      %swap3A_414 = tpu.vector_load %arg10[%swap3A_412, %swap3A_413] {strides = array<i32>} : memref<8x4096xf32, #tpu.memory_space<vmem>>, vector<16xf32>,
      tpu.vector_store %arg10[%swap3A_412, %swap3A_413], %get3A_36 {strides = array<i32>} : memref<8x4096xf32, #tpu.memory_space<vmem>>, vector<16xf32>,
    }
    %scan3A_100 = arith.constant 256 : i32
    %scan3A_101 = arith.constant 0 : i32
    %scan3A_102 = arith.constant 0 : i32
    %scan3A_103 = arith.constant 256 : i32
    %scan3A_104 = arith.addi %scan3A_102, %scan3A_103 : i32
    %scan3A_105 = arith.constant 8 : i32
    scf.for %scan3A_353 = %scan3A_102 to %scan3A_104 step %scan3A_105  : i32 {
      %mul3A_354 = arith.constant 16 : i32
      %mul3A_355 = arith.muli %scan3A_353, %mul3A_354 : i32
      %swap3A = arith.constant 2 : i32
      %swap3A_356 = arith.index_cast %swap3A : i32 to index
      %swap3A_357 = arith.index_cast %mul3A_355 : i32 to index
      %swap3A_358 = tpu.vector_load %arg10[%swap3A_356, %swap3A_357] {strides = array<i32>} : memref<8x4096xf32, #tpu.memory_space<vmem>>, vector<16xf32>,
      tpu.vector_store %arg10[%swap3A_356, %swap3A_357], %get3A_36 {strides = array<i32>} : memref<8x4096xf32, #tpu.memory_space<vmem>>, vector<16xf32>,
      %scan3A_359 = arith.constant 1 : i32
      %scan3A_360 = arith.addi %scan3A_353, %scan3A_359 : i32
      %mul3A_361 = arith.constant 16 : i32
      %mul3A_362 = arith.muli %scan3A_360, %mul3A_361 : i32
      %swap3A_363 = arith.constant 2 : i32
      %swap3A_364 = arith.index_cast %swap3A_363 : i32 to index
      %swap3A_365 = arith.index_cast %mul3A_362 : i32 to index
      %swap3A_366 = tpu.vector_load %arg10[%swap3A_364, %swap3A_365] {strides = array<i32>} : memref<8x4096xf32, #tpu.memory_space<vmem>>, vector<16xf32>,
      tpu.vector_store %arg10[%swap3A_364, %swap3A_365], %get3A_36 {strides = array<i32>} : memref<8x4096xf32, #tpu.memory_space<vmem>>, vector<16xf32>,
      %scan3A_367 = arith.constant 2 : i32
      %scan3A_368 = arith.addi %scan3A_353, %scan3A_367 : i32
      %mul3A_369 = arith.constant 16 : i32
      %mul3A_370 = arith.muli %scan3A_368, %mul3A_369 : i32
      %swap3A_371 = arith.constant 2 : i32
      %swap3A_372 = arith.index_cast %swap3A_371 : i32 to index
      %swap3A_373 = arith.index_cast %mul3A_370 : i32 to index
      %swap3A_374 = tpu.vector_load %arg10[%swap3A_372, %swap3A_373] {strides = array<i32>} : memref<8x4096xf32, #tpu.memory_space<vmem>>, vector<16xf32>,
      tpu.vector_store %arg10[%swap3A_372, %swap3A_373], %get3A_36 {strides = array<i32>} : memref<8x4096xf32, #tpu.memory_space<vmem>>, vector<16xf32>,
      %scan3A_375 = arith.constant 3 : i32
      %scan3A_376 = arith.addi %scan3A_353, %scan3A_375 : i32
      %mul3A_377 = arith.constant 16 : i32
      %mul3A_378 = arith.muli %scan3A_376, %mul3A_377 : i32
      %swap3A_379 = arith.constant 2 : i32
      %swap3A_380 = arith.index_cast %swap3A_379 : i32 to index
      %swap3A_381 = arith.index_cast %mul3A_378 : i32 to index
      %swap3A_382 = tpu.vector_load %arg10[%swap3A_380, %swap3A_381] {strides = array<i32>} : memref<8x4096xf32, #tpu.memory_space<vmem>>, vector<16xf32>,
      tpu.vector_store %arg10[%swap3A_380, %swap3A_381], %get3A_36 {strides = array<i32>} : memref<8x4096xf32, #tpu.memory_space<vmem>>, vector<16xf32>,
      %scan3A_383 = arith.constant 4 : i32
      %scan3A_384 = arith.addi %scan3A_353, %scan3A_383 : i32
      %mul3A_385 = arith.constant 16 : i32
      %mul3A_386 = arith.muli %scan3A_384, %mul3A_385 : i32
      %swap3A_387 = arith.constant 2 : i32
      %swap3A_388 = arith.index_cast %swap3A_387 : i32 to index
      %swap3A_389 = arith.index_cast %mul3A_386 : i32 to index
      %swap3A_390 = tpu.vector_load %arg10[%swap3A_388, %swap3A_389] {strides = array<i32>} : memref<8x4096xf32, #tpu.memory_space<vmem>>, vector<16xf32>,
      tpu.vector_store %arg10[%swap3A_388, %swap3A_389], %get3A_36 {strides = array<i32>} : memref<8x4096xf32, #tpu.memory_space<vmem>>, vector<16xf32>,
      %scan3A_391 = arith.constant 5 : i32
      %scan3A_392 = arith.addi %scan3A_353, %scan3A_391 : i32
      %mul3A_393 = arith.constant 16 : i32
      %mul3A_394 = arith.muli %scan3A_392, %mul3A_393 : i32
      %swap3A_395 = arith.constant 2 : i32
      %swap3A_396 = arith.index_cast %swap3A_395 : i32 to index
      %swap3A_397 = arith.index_cast %mul3A_394 : i32 to index
      %swap3A_398 = tpu.vector_load %arg10[%swap3A_396, %swap3A_397] {strides = array<i32>} : memref<8x4096xf32, #tpu.memory_space<vmem>>, vector<16xf32>,
      tpu.vector_store %arg10[%swap3A_396, %swap3A_397], %get3A_36 {strides = array<i32>} : memref<8x4096xf32, #tpu.memory_space<vmem>>, vector<16xf32>,
      %scan3A_399 = arith.constant 6 : i32
      %scan3A_400 = arith.addi %scan3A_353, %scan3A_399 : i32
      %mul3A_401 = arith.constant 16 : i32
      %mul3A_402 = arith.muli %scan3A_400, %mul3A_401 : i32
      %swap3A_403 = arith.constant 2 : i32
      %swap3A_404 = arith.index_cast %swap3A_403 : i32 to index
      %swap3A_405 = arith.index_cast %mul3A_402 : i32 to index
      %swap3A_406 = tpu.vector_load %arg10[%swap3A_404, %swap3A_405] {strides = array<i32>} : memref<8x4096xf32, #tpu.memory_space<vmem>>, vector<16xf32>,
      tpu.vector_store %arg10[%swap3A_404, %swap3A_405], %get3A_36 {strides = array<i32>} : memref<8x4096xf32, #tpu.memory_space<vmem>>, vector<16xf32>,
      %scan3A_407 = arith.constant 7 : i32
      %scan3A_408 = arith.addi %scan3A_353, %scan3A_407 : i32
      %mul3A_409 = arith.constant 16 : i32
      %mul3A_410 = arith.muli %scan3A_408, %mul3A_409 : i32
      %swap3A_411 = arith.constant 2 : i32
      %swap3A_412 = arith.index_cast %swap3A_411 : i32 to index
      %swap3A_413 = arith.index_cast %mul3A_410 : i32 to index
      %swap3A_414 = tpu.vector_load %arg10[%swap3A_412, %swap3A_413] {strides = array<i32>} : memref<8x4096xf32, #tpu.memory_space<vmem>>, vector<16xf32>,
      tpu.vector_store %arg10[%swap3A_412, %swap3A_413], %get3A_36 {strides = array<i32>} : memref<8x4096xf32, #tpu.memory_space<vmem>>, vector<16xf32>,
    }
    %scan3A_106 = arith.constant 256 : i32
    %scan3A_107 = arith.constant 0 : i32
    %scan3A_108 = arith.constant 0 : i32
    %scan3A_109 = arith.constant 256 : i32
    %scan3A_110 = arith.addi %scan3A_108, %scan3A_109 : i32
    %scan3A_111 = arith.constant 8 : i32
    scf.for %scan3A_353 = %scan3A_108 to %scan3A_110 step %scan3A_111  : i32 {
      %mul3A_354 = arith.constant 16 : i32
      %mul3A_355 = arith.muli %scan3A_353, %mul3A_354 : i32
      %swap3A = arith.constant 3 : i32
      %swap3A_356 = arith.index_cast %swap3A : i32 to index
      %swap3A_357 = arith.index_cast %mul3A_355 : i32 to index
      %swap3A_358 = tpu.vector_load %arg10[%swap3A_356, %swap3A_357] {strides = array<i32>} : memref<8x4096xf32, #tpu.memory_space<vmem>>, vector<16xf32>,
      tpu.vector_store %arg10[%swap3A_356, %swap3A_357], %get3A_36 {strides = array<i32>} : memref<8x4096xf32, #tpu.memory_space<vmem>>, vector<16xf32>,
      %scan3A_359 = arith.constant 1 : i32
      %scan3A_360 = arith.addi %scan3A_353, %scan3A_359 : i32
      %mul3A_361 = arith.constant 16 : i32
      %mul3A_362 = arith.muli %scan3A_360, %mul3A_361 : i32
      %swap3A_363 = arith.constant 3 : i32
      %swap3A_364 = arith.index_cast %swap3A_363 : i32 to index
      %swap3A_365 = arith.index_cast %mul3A_362 : i32 to index
      %swap3A_366 = tpu.vector_load %arg10[%swap3A_364, %swap3A_365] {strides = array<i32>} : memref<8x4096xf32, #tpu.memory_space<vmem>>, vector<16xf32>,
      tpu.vector_store %arg10[%swap3A_364, %swap3A_365], %get3A_36 {strides = array<i32>} : memref<8x4096xf32, #tpu.memory_space<vmem>>, vector<16xf32>,
      %scan3A_367 = arith.constant 2 : i32
      %scan3A_368 = arith.addi %scan3A_353, %scan3A_367 : i32
      %mul3A_369 = arith.constant 16 : i32
      %mul3A_370 = arith.muli %scan3A_368, %mul3A_369 : i32
      %swap3A_371 = arith.constant 3 : i32
      %swap3A_372 = arith.index_cast %swap3A_371 : i32 to index
      %swap3A_373 = arith.index_cast %mul3A_370 : i32 to index
      %swap3A_374 = tpu.vector_load %arg10[%swap3A_372, %swap3A_373] {strides = array<i32>} : memref<8x4096xf32, #tpu.memory_space<vmem>>, vector<16xf32>,
      tpu.vector_store %arg10[%swap3A_372, %swap3A_373], %get3A_36 {strides = array<i32>} : memref<8x4096xf32, #tpu.memory_space<vmem>>, vector<16xf32>,
      %scan3A_375 = arith.constant 3 : i32
      %scan3A_376 = arith.addi %scan3A_353, %scan3A_375 : i32
      %mul3A_377 = arith.constant 16 : i32
      %mul3A_378 = arith.muli %scan3A_376, %mul3A_377 : i32
      %swap3A_379 = arith.constant 3 : i32
      %swap3A_380 = arith.index_cast %swap3A_379 : i32 to index
      %swap3A_381 = arith.index_cast %mul3A_378 : i32 to index
      %swap3A_382 = tpu.vector_load %arg10[%swap3A_380, %swap3A_381] {strides = array<i32>} : memref<8x4096xf32, #tpu.memory_space<vmem>>, vector<16xf32>,
      tpu.vector_store %arg10[%swap3A_380, %swap3A_381], %get3A_36 {strides = array<i32>} : memref<8x4096xf32, #tpu.memory_space<vmem>>, vector<16xf32>,
      %scan3A_383 = arith.constant 4 : i32
      %scan3A_384 = arith.addi %scan3A_353, %scan3A_383 : i32
      %mul3A_385 = arith.constant 16 : i32
      %mul3A_386 = arith.muli %scan3A_384, %mul3A_385 : i32
      %swap3A_387 = arith.constant 3 : i32
      %swap3A_388 = arith.index_cast %swap3A_387 : i32 to index
      %swap3A_389 = arith.index_cast %mul3A_386 : i32 to index
      %swap3A_390 = tpu.vector_load %arg10[%swap3A_388, %swap3A_389] {strides = array<i32>} : memref<8x4096xf32, #tpu.memory_space<vmem>>, vector<16xf32>,
      tpu.vector_store %arg10[%swap3A_388, %swap3A_389], %get3A_36 {strides = array<i32>} : memref<8x4096xf32, #tpu.memory_space<vmem>>, vector<16xf32>,
      %scan3A_391 = arith.constant 5 : i32
      %scan3A_392 = arith.addi %scan3A_353, %scan3A_391 : i32
      %mul3A_393 = arith.constant 16 : i32
      %mul3A_394 = arith.muli %scan3A_392, %mul3A_393 : i32
      %swap3A_395 = arith.constant 3 : i32
      %swap3A_396 = arith.index_cast %swap3A_395 : i32 to index
      %swap3A_397 = arith.index_cast %mul3A_394 : i32 to index
      %swap3A_398 = tpu.vector_load %arg10[%swap3A_396, %swap3A_397] {strides = array<i32>} : memref<8x4096xf32, #tpu.memory_space<vmem>>, vector<16xf32>,
      tpu.vector_store %arg10[%swap3A_396, %swap3A_397], %get3A_36 {strides = array<i32>} : memref<8x4096xf32, #tpu.memory_space<vmem>>, vector<16xf32>,
      %scan3A_399 = arith.constant 6 : i32
      %scan3A_400 = arith.addi %scan3A_353, %scan3A_399 : i32
      %mul3A_401 = arith.constant 16 : i32
      %mul3A_402 = arith.muli %scan3A_400, %mul3A_401 : i32
      %swap3A_403 = arith.constant 3 : i32
      %swap3A_404 = arith.index_cast %swap3A_403 : i32 to index
      %swap3A_405 = arith.index_cast %mul3A_402 : i32 to index
      %swap3A_406 = tpu.vector_load %arg10[%swap3A_404, %swap3A_405] {strides = array<i32>} : memref<8x4096xf32, #tpu.memory_space<vmem>>, vector<16xf32>,
      tpu.vector_store %arg10[%swap3A_404, %swap3A_405], %get3A_36 {strides = array<i32>} : memref<8x4096xf32, #tpu.memory_space<vmem>>, vector<16xf32>,
      %scan3A_407 = arith.constant 7 : i32
      %scan3A_408 = arith.addi %scan3A_353, %scan3A_407 : i32
      %mul3A_409 = arith.constant 16 : i32
      %mul3A_410 = arith.muli %scan3A_408, %mul3A_409 : i32
      %swap3A_411 = arith.constant 3 : i32
      %swap3A_412 = arith.index_cast %swap3A_411 : i32 to index
      %swap3A_413 = arith.index_cast %mul3A_410 : i32 to index
      %swap3A_414 = tpu.vector_load %arg10[%swap3A_412, %swap3A_413] {strides = array<i32>} : memref<8x4096xf32, #tpu.memory_space<vmem>>, vector<16xf32>,
      tpu.vector_store %arg10[%swap3A_412, %swap3A_413], %get3A_36 {strides = array<i32>} : memref<8x4096xf32, #tpu.memory_space<vmem>>, vector<16xf32>,
    }
    %scan3A_112 = arith.constant 256 : i32
    %scan3A_113 = arith.constant 0 : i32
    %scan3A_114 = arith.constant 0 : i32
    %scan3A_115 = arith.constant 256 : i32
    %scan3A_116 = arith.addi %scan3A_114, %scan3A_115 : i32
    %scan3A_117 = arith.constant 8 : i32
    scf.for %scan3A_353 = %scan3A_114 to %scan3A_116 step %scan3A_117  : i32 {
      %mul3A_354 = arith.constant 16 : i32
      %mul3A_355 = arith.muli %scan3A_353, %mul3A_354 : i32
      %swap3A = arith.constant 4 : i32
      %swap3A_356 = arith.index_cast %swap3A : i32 to index
      %swap3A_357 = arith.index_cast %mul3A_355 : i32 to index
      %swap3A_358 = tpu.vector_load %arg10[%swap3A_356, %swap3A_357] {strides = array<i32>} : memref<8x4096xf32, #tpu.memory_space<vmem>>, vector<16xf32>,
      tpu.vector_store %arg10[%swap3A_356, %swap3A_357], %get3A_36 {strides = array<i32>} : memref<8x4096xf32, #tpu.memory_space<vmem>>, vector<16xf32>,
      %scan3A_359 = arith.constant 1 : i32
      %scan3A_360 = arith.addi %scan3A_353, %scan3A_359 : i32
      %mul3A_361 = arith.constant 16 : i32
      %mul3A_362 = arith.muli %scan3A_360, %mul3A_361 : i32
      %swap3A_363 = arith.constant 4 : i32
      %swap3A_364 = arith.index_cast %swap3A_363 : i32 to index
      %swap3A_365 = arith.index_cast %mul3A_362 : i32 to index
      %swap3A_366 = tpu.vector_load %arg10[%swap3A_364, %swap3A_365] {strides = array<i32>} : memref<8x4096xf32, #tpu.memory_space<vmem>>, vector<16xf32>,
      tpu.vector_store %arg10[%swap3A_364, %swap3A_365], %get3A_36 {strides = array<i32>} : memref<8x4096xf32, #tpu.memory_space<vmem>>, vector<16xf32>,
      %scan3A_367 = arith.constant 2 : i32
      %scan3A_368 = arith.addi %scan3A_353, %scan3A_367 : i32
      %mul3A_369 = arith.constant 16 : i32
      %mul3A_370 = arith.muli %scan3A_368, %mul3A_369 : i32
      %swap3A_371 = arith.constant 4 : i32
      %swap3A_372 = arith.index_cast %swap3A_371 : i32 to index
      %swap3A_373 = arith.index_cast %mul3A_370 : i32 to index
      %swap3A_374 = tpu.vector_load %arg10[%swap3A_372, %swap3A_373] {strides = array<i32>} : memref<8x4096xf32, #tpu.memory_space<vmem>>, vector<16xf32>,
      tpu.vector_store %arg10[%swap3A_372, %swap3A_373], %get3A_36 {strides = array<i32>} : memref<8x4096xf32, #tpu.memory_space<vmem>>, vector<16xf32>,
      %scan3A_375 = arith.constant 3 : i32
      %scan3A_376 = arith.addi %scan3A_353, %scan3A_375 : i32
      %mul3A_377 = arith.constant 16 : i32
      %mul3A_378 = arith.muli %scan3A_376, %mul3A_377 : i32
      %swap3A_379 = arith.constant 4 : i32
      %swap3A_380 = arith.index_cast %swap3A_379 : i32 to index
      %swap3A_381 = arith.index_cast %mul3A_378 : i32 to index
      %swap3A_382 = tpu.vector_load %arg10[%swap3A_380, %swap3A_381] {strides = array<i32>} : memref<8x4096xf32, #tpu.memory_space<vmem>>, vector<16xf32>,
      tpu.vector_store %arg10[%swap3A_380, %swap3A_381], %get3A_36 {strides = array<i32>} : memref<8x4096xf32, #tpu.memory_space<vmem>>, vector<16xf32>,
      %scan3A_383 = arith.constant 4 : i32
      %scan3A_384 = arith.addi %scan3A_353, %scan3A_383 : i32
      %mul3A_385 = arith.constant 16 : i32
      %mul3A_386 = arith.muli %scan3A_384, %mul3A_385 : i32
      %swap3A_387 = arith.constant 4 : i32
      %swap3A_388 = arith.index_cast %swap3A_387 : i32 to index
      %swap3A_389 = arith.index_cast %mul3A_386 : i32 to index
      %swap3A_390 = tpu.vector_load %arg10[%swap3A_388, %swap3A_389] {strides = array<i32>} : memref<8x4096xf32, #tpu.memory_space<vmem>>, vector<16xf32>,
      tpu.vector_store %arg10[%swap3A_388, %swap3A_389], %get3A_36 {strides = array<i32>} : memref<8x4096xf32, #tpu.memory_space<vmem>>, vector<16xf32>,
      %scan3A_391 = arith.constant 5 : i32
      %scan3A_392 = arith.addi %scan3A_353, %scan3A_391 : i32
      %mul3A_393 = arith.constant 16 : i32
      %mul3A_394 = arith.muli %scan3A_392, %mul3A_393 : i32
      %swap3A_395 = arith.constant 4 : i32
      %swap3A_396 = arith.index_cast %swap3A_395 : i32 to index
      %swap3A_397 = arith.index_cast %mul3A_394 : i32 to index
      %swap3A_398 = tpu.vector_load %arg10[%swap3A_396, %swap3A_397] {strides = array<i32>} : memref<8x4096xf32, #tpu.memory_space<vmem>>, vector<16xf32>,
      tpu.vector_store %arg10[%swap3A_396, %swap3A_397], %get3A_36 {strides = array<i32>} : memref<8x4096xf32, #tpu.memory_space<vmem>>, vector<16xf32>,
      %scan3A_399 = arith.constant 6 : i32
      %scan3A_400 = arith.addi %scan3A_353, %scan3A_399 : i32
      %mul3A_401 = arith.constant 16 : i32
      %mul3A_402 = arith.muli %scan3A_400, %mul3A_401 : i32
      %swap3A_403 = arith.constant 4 : i32
      %swap3A_404 = arith.index_cast %swap3A_403 : i32 to index
      %swap3A_405 = arith.index_cast %mul3A_402 : i32 to index
      %swap3A_406 = tpu.vector_load %arg10[%swap3A_404, %swap3A_405] {strides = array<i32>} : memref<8x4096xf32, #tpu.memory_space<vmem>>, vector<16xf32>,
      tpu.vector_store %arg10[%swap3A_404, %swap3A_405], %get3A_36 {strides = array<i32>} : memref<8x4096xf32, #tpu.memory_space<vmem>>, vector<16xf32>,
      %scan3A_407 = arith.constant 7 : i32
      %scan3A_408 = arith.addi %scan3A_353, %scan3A_407 : i32
      %mul3A_409 = arith.constant 16 : i32
      %mul3A_410 = arith.muli %scan3A_408, %mul3A_409 : i32
      %swap3A_411 = arith.constant 4 : i32
      %swap3A_412 = arith.index_cast %swap3A_411 : i32 to index
      %swap3A_413 = arith.index_cast %mul3A_410 : i32 to index
      %swap3A_414 = tpu.vector_load %arg10[%swap3A_412, %swap3A_413] {strides = array<i32>} : memref<8x4096xf32, #tpu.memory_space<vmem>>, vector<16xf32>,
      tpu.vector_store %arg10[%swap3A_412, %swap3A_413], %get3A_36 {strides = array<i32>} : memref<8x4096xf32, #tpu.memory_space<vmem>>, vector<16xf32>,
    }
    %scan3A_118 = arith.constant 256 : i32
    %scan3A_119 = arith.constant 0 : i32
    %scan3A_120 = arith.constant 0 : i32
    %scan3A_121 = arith.constant 256 : i32
    %scan3A_122 = arith.addi %scan3A_120, %scan3A_121 : i32
    %scan3A_123 = arith.constant 8 : i32
    scf.for %scan3A_353 = %scan3A_120 to %scan3A_122 step %scan3A_123  : i32 {
      %mul3A_354 = arith.constant 16 : i32
      %mul3A_355 = arith.muli %scan3A_353, %mul3A_354 : i32
      %swap3A = arith.constant 5 : i32
      %swap3A_356 = arith.index_cast %swap3A : i32 to index
      %swap3A_357 = arith.index_cast %mul3A_355 : i32 to index
      %swap3A_358 = tpu.vector_load %arg10[%swap3A_356, %swap3A_357] {strides = array<i32>} : memref<8x4096xf32, #tpu.memory_space<vmem>>, vector<16xf32>,
      tpu.vector_store %arg10[%swap3A_356, %swap3A_357], %get3A_36 {strides = array<i32>} : memref<8x4096xf32, #tpu.memory_space<vmem>>, vector<16xf32>,
      %scan3A_359 = arith.constant 1 : i32
      %scan3A_360 = arith.addi %scan3A_353, %scan3A_359 : i32
      %mul3A_361 = arith.constant 16 : i32
      %mul3A_362 = arith.muli %scan3A_360, %mul3A_361 : i32
      %swap3A_363 = arith.constant 5 : i32
      %swap3A_364 = arith.index_cast %swap3A_363 : i32 to index
      %swap3A_365 = arith.index_cast %mul3A_362 : i32 to index
      %swap3A_366 = tpu.vector_load %arg10[%swap3A_364, %swap3A_365] {strides = array<i32>} : memref<8x4096xf32, #tpu.memory_space<vmem>>, vector<16xf32>,
      tpu.vector_store %arg10[%swap3A_364, %swap3A_365], %get3A_36 {strides = array<i32>} : memref<8x4096xf32, #tpu.memory_space<vmem>>, vector<16xf32>,
      %scan3A_367 = arith.constant 2 : i32
      %scan3A_368 = arith.addi %scan3A_353, %scan3A_367 : i32
      %mul3A_369 = arith.constant 16 : i32
      %mul3A_370 = arith.muli %scan3A_368, %mul3A_369 : i32
      %swap3A_371 = arith.constant 5 : i32
      %swap3A_372 = arith.index_cast %swap3A_371 : i32 to index
      %swap3A_373 = arith.index_cast %mul3A_370 : i32 to index
      %swap3A_374 = tpu.vector_load %arg10[%swap3A_372, %swap3A_373] {strides = array<i32>} : memref<8x4096xf32, #tpu.memory_space<vmem>>, vector<16xf32>,
      tpu.vector_store %arg10[%swap3A_372, %swap3A_373], %get3A_36 {strides = array<i32>} : memref<8x4096xf32, #tpu.memory_space<vmem>>, vector<16xf32>,
      %scan3A_375 = arith.constant 3 : i32
      %scan3A_376 = arith.addi %scan3A_353, %scan3A_375 : i32
      %mul3A_377 = arith.constant 16 : i32
      %mul3A_378 = arith.muli %scan3A_376, %mul3A_377 : i32
      %swap3A_379 = arith.constant 5 : i32
      %swap3A_380 = arith.index_cast %swap3A_379 : i32 to index
      %swap3A_381 = arith.index_cast %mul3A_378 : i32 to index
      %swap3A_382 = tpu.vector_load %arg10[%swap3A_380, %swap3A_381] {strides = array<i32>} : memref<8x4096xf32, #tpu.memory_space<vmem>>, vector<16xf32>,
      tpu.vector_store %arg10[%swap3A_380, %swap3A_381], %get3A_36 {strides = array<i32>} : memref<8x4096xf32, #tpu.memory_space<vmem>>, vector<16xf32>,
      %scan3A_383 = arith.constant 4 : i32
      %scan3A_384 = arith.addi %scan3A_353, %scan3A_383 : i32
      %mul3A_385 = arith.constant 16 : i32
      %mul3A_386 = arith.muli %scan3A_384, %mul3A_385 : i32
      %swap3A_387 = arith.constant 5 : i32
      %swap3A_388 = arith.index_cast %swap3A_387 : i32 to index
      %swap3A_389 = arith.index_cast %mul3A_386 : i32 to index
      %swap3A_390 = tpu.vector_load %arg10[%swap3A_388, %swap3A_389] {strides = array<i32>} : memref<8x4096xf32, #tpu.memory_space<vmem>>, vector<16xf32>,
      tpu.vector_store %arg10[%swap3A_388, %swap3A_389], %get3A_36 {strides = array<i32>} : memref<8x4096xf32, #tpu.memory_space<vmem>>, vector<16xf32>,
      %scan3A_391 = arith.constant 5 : i32
      %scan3A_392 = arith.addi %scan3A_353, %scan3A_391 : i32
      %mul3A_393 = arith.constant 16 : i32
      %mul3A_394 = arith.muli %scan3A_392, %mul3A_393 : i32
      %swap3A_395 = arith.constant 5 : i32
      %swap3A_396 = arith.index_cast %swap3A_395 : i32 to index
      %swap3A_397 = arith.index_cast %mul3A_394 : i32 to index
      %swap3A_398 = tpu.vector_load %arg10[%swap3A_396, %swap3A_397] {strides = array<i32>} : memref<8x4096xf32, #tpu.memory_space<vmem>>, vector<16xf32>,
      tpu.vector_store %arg10[%swap3A_396, %swap3A_397], %get3A_36 {strides = array<i32>} : memref<8x4096xf32, #tpu.memory_space<vmem>>, vector<16xf32>,
      %scan3A_399 = arith.constant 6 : i32
      %scan3A_400 = arith.addi %scan3A_353, %scan3A_399 : i32
      %mul3A_401 = arith.constant 16 : i32
      %mul3A_402 = arith.muli %scan3A_400, %mul3A_401 : i32
      %swap3A_403 = arith.constant 5 : i32
      %swap3A_404 = arith.index_cast %swap3A_403 : i32 to index
      %swap3A_405 = arith.index_cast %mul3A_402 : i32 to index
      %swap3A_406 = tpu.vector_load %arg10[%swap3A_404, %swap3A_405] {strides = array<i32>} : memref<8x4096xf32, #tpu.memory_space<vmem>>, vector<16xf32>,
      tpu.vector_store %arg10[%swap3A_404, %swap3A_405], %get3A_36 {strides = array<i32>} : memref<8x4096xf32, #tpu.memory_space<vmem>>, vector<16xf32>,
      %scan3A_407 = arith.constant 7 : i32
      %scan3A_408 = arith.addi %scan3A_353, %scan3A_407 : i32
      %mul3A_409 = arith.constant 16 : i32
      %mul3A_410 = arith.muli %scan3A_408, %mul3A_409 : i32
      %swap3A_411 = arith.constant 5 : i32
      %swap3A_412 = arith.index_cast %swap3A_411 : i32 to index
      %swap3A_413 = arith.index_cast %mul3A_410 : i32 to index
      %swap3A_414 = tpu.vector_load %arg10[%swap3A_412, %swap3A_413] {strides = array<i32>} : memref<8x4096xf32, #tpu.memory_space<vmem>>, vector<16xf32>,
      tpu.vector_store %arg10[%swap3A_412, %swap3A_413], %get3A_36 {strides = array<i32>} : memref<8x4096xf32, #tpu.memory_space<vmem>>, vector<16xf32>,
    }
    %scan3A_124 = arith.constant 256 : i32
    %scan3A_125 = arith.constant 0 : i32
    %scan3A_126 = arith.constant 0 : i32
    %scan3A_127 = arith.constant 256 : i32
    %scan3A_128 = arith.addi %scan3A_126, %scan3A_127 : i32
    %scan3A_129 = arith.constant 8 : i32
    scf.for %scan3A_353 = %scan3A_126 to %scan3A_128 step %scan3A_129  : i32 {
      %mul3A_354 = arith.constant 16 : i32
      %mul3A_355 = arith.muli %scan3A_353, %mul3A_354 : i32
      %swap3A = arith.constant 6 : i32
      %swap3A_356 = arith.index_cast %swap3A : i32 to index
      %swap3A_357 = arith.index_cast %mul3A_355 : i32 to index
      %swap3A_358 = tpu.vector_load %arg10[%swap3A_356, %swap3A_357] {strides = array<i32>} : memref<8x4096xf32, #tpu.memory_space<vmem>>, vector<16xf32>,
      tpu.vector_store %arg10[%swap3A_356, %swap3A_357], %get3A_36 {strides = array<i32>} : memref<8x4096xf32, #tpu.memory_space<vmem>>, vector<16xf32>,
      %scan3A_359 = arith.constant 1 : i32
      %scan3A_360 = arith.addi %scan3A_353, %scan3A_359 : i32
      %mul3A_361 = arith.constant 16 : i32
      %mul3A_362 = arith.muli %scan3A_360, %mul3A_361 : i32
      %swap3A_363 = arith.constant 6 : i32
      %swap3A_364 = arith.index_cast %swap3A_363 : i32 to index
      %swap3A_365 = arith.index_cast %mul3A_362 : i32 to index
      %swap3A_366 = tpu.vector_load %arg10[%swap3A_364, %swap3A_365] {strides = array<i32>} : memref<8x4096xf32, #tpu.memory_space<vmem>>, vector<16xf32>,
      tpu.vector_store %arg10[%swap3A_364, %swap3A_365], %get3A_36 {strides = array<i32>} : memref<8x4096xf32, #tpu.memory_space<vmem>>, vector<16xf32>,
      %scan3A_367 = arith.constant 2 : i32
      %scan3A_368 = arith.addi %scan3A_353, %scan3A_367 : i32
      %mul3A_369 = arith.constant 16 : i32
      %mul3A_370 = arith.muli %scan3A_368, %mul3A_369 : i32
      %swap3A_371 = arith.constant 6 : i32
      %swap3A_372 = arith.index_cast %swap3A_371 : i32 to index
      %swap3A_373 = arith.index_cast %mul3A_370 : i32 to index
      %swap3A_374 = tpu.vector_load %arg10[%swap3A_372, %swap3A_373] {strides = array<i32>} : memref<8x4096xf32, #tpu.memory_space<vmem>>, vector<16xf32>,
      tpu.vector_store %arg10[%swap3A_372, %swap3A_373], %get3A_36 {strides = array<i32>} : memref<8x4096xf32, #tpu.memory_space<vmem>>, vector<16xf32>,
      %scan3A_375 = arith.constant 3 : i32
      %scan3A_376 = arith.addi %scan3A_353, %scan3A_375 : i32
      %mul3A_377 = arith.constant 16 : i32
      %mul3A_378 = arith.muli %scan3A_376, %mul3A_377 : i32
      %swap3A_379 = arith.constant 6 : i32
      %swap3A_380 = arith.index_cast %swap3A_379 : i32 to index
      %swap3A_381 = arith.index_cast %mul3A_378 : i32 to index
      %swap3A_382 = tpu.vector_load %arg10[%swap3A_380, %swap3A_381] {strides = array<i32>} : memref<8x4096xf32, #tpu.memory_space<vmem>>, vector<16xf32>,
      tpu.vector_store %arg10[%swap3A_380, %swap3A_381], %get3A_36 {strides = array<i32>} : memref<8x4096xf32, #tpu.memory_space<vmem>>, vector<16xf32>,
      %scan3A_383 = arith.constant 4 : i32
      %scan3A_384 = arith.addi %scan3A_353, %scan3A_383 : i32
      %mul3A_385 = arith.constant 16 : i32
      %mul3A_386 = arith.muli %scan3A_384, %mul3A_385 : i32
      %swap3A_387 = arith.constant 6 : i32
      %swap3A_388 = arith.index_cast %swap3A_387 : i32 to index
      %swap3A_389 = arith.index_cast %mul3A_386 : i32 to index
      %swap3A_390 = tpu.vector_load %arg10[%swap3A_388, %swap3A_389] {strides = array<i32>} : memref<8x4096xf32, #tpu.memory_space<vmem>>, vector<16xf32>,
      tpu.vector_store %arg10[%swap3A_388, %swap3A_389], %get3A_36 {strides = array<i32>} : memref<8x4096xf32, #tpu.memory_space<vmem>>, vector<16xf32>,
      %scan3A_391 = arith.constant 5 : i32
      %scan3A_392 = arith.addi %scan3A_353, %scan3A_391 : i32
      %mul3A_393 = arith.constant 16 : i32
      %mul3A_394 = arith.muli %scan3A_392, %mul3A_393 : i32
      %swap3A_395 = arith.constant 6 : i32
      %swap3A_396 = arith.index_cast %swap3A_395 : i32 to index
      %swap3A_397 = arith.index_cast %mul3A_394 : i32 to index
      %swap3A_398 = tpu.vector_load %arg10[%swap3A_396, %swap3A_397] {strides = array<i32>} : memref<8x4096xf32, #tpu.memory_space<vmem>>, vector<16xf32>,
      tpu.vector_store %arg10[%swap3A_396, %swap3A_397], %get3A_36 {strides = array<i32>} : memref<8x4096xf32, #tpu.memory_space<vmem>>, vector<16xf32>,
      %scan3A_399 = arith.constant 6 : i32
      %scan3A_400 = arith.addi %scan3A_353, %scan3A_399 : i32
      %mul3A_401 = arith.constant 16 : i32
      %mul3A_402 = arith.muli %scan3A_400, %mul3A_401 : i32
      %swap3A_403 = arith.constant 6 : i32
      %swap3A_404 = arith.index_cast %swap3A_403 : i32 to index
      %swap3A_405 = arith.index_cast %mul3A_402 : i32 to index
      %swap3A_406 = tpu.vector_load %arg10[%swap3A_404, %swap3A_405] {strides = array<i32>} : memref<8x4096xf32, #tpu.memory_space<vmem>>, vector<16xf32>,
      tpu.vector_store %arg10[%swap3A_404, %swap3A_405], %get3A_36 {strides = array<i32>} : memref<8x4096xf32, #tpu.memory_space<vmem>>, vector<16xf32>,
      %scan3A_407 = arith.constant 7 : i32
      %scan3A_408 = arith.addi %scan3A_353, %scan3A_407 : i32
      %mul3A_409 = arith.constant 16 : i32
      %mul3A_410 = arith.muli %scan3A_408, %mul3A_409 : i32
      %swap3A_411 = arith.constant 6 : i32
      %swap3A_412 = arith.index_cast %swap3A_411 : i32 to index
      %swap3A_413 = arith.index_cast %mul3A_410 : i32 to index
      %swap3A_414 = tpu.vector_load %arg10[%swap3A_412, %swap3A_413] {strides = array<i32>} : memref<8x4096xf32, #tpu.memory_space<vmem>>, vector<16xf32>,
      tpu.vector_store %arg10[%swap3A_412, %swap3A_413], %get3A_36 {strides = array<i32>} : memref<8x4096xf32, #tpu.memory_space<vmem>>, vector<16xf32>,
    }
    %scan3A_130 = arith.constant 256 : i32
    %scan3A_131 = arith.constant 0 : i32
    %scan3A_132 = arith.constant 0 : i32
    %scan3A_133 = arith.constant 256 : i32
    %scan3A_134 = arith.addi %scan3A_132, %scan3A_133 : i32
    %scan3A_135 = arith.constant 8 : i32
    scf.for %scan3A_353 = %scan3A_132 to %scan3A_134 step %scan3A_135  : i32 {
      %mul3A_354 = arith.constant 16 : i32
      %mul3A_355 = arith.muli %scan3A_353, %mul3A_354 : i32
      %swap3A = arith.constant 7 : i32
      %swap3A_356 = arith.index_cast %swap3A : i32 to index
      %swap3A_357 = arith.index_cast %mul3A_355 : i32 to index
      %swap3A_358 = tpu.vector_load %arg10[%swap3A_356, %swap3A_357] {strides = array<i32>} : memref<8x4096xf32, #tpu.memory_space<vmem>>, vector<16xf32>,
      tpu.vector_store %arg10[%swap3A_356, %swap3A_357], %get3A_36 {strides = array<i32>} : memref<8x4096xf32, #tpu.memory_space<vmem>>, vector<16xf32>,
      %scan3A_359 = arith.constant 1 : i32
      %scan3A_360 = arith.addi %scan3A_353, %scan3A_359 : i32
      %mul3A_361 = arith.constant 16 : i32
      %mul3A_362 = arith.muli %scan3A_360, %mul3A_361 : i32
      %swap3A_363 = arith.constant 7 : i32
      %swap3A_364 = arith.index_cast %swap3A_363 : i32 to index
      %swap3A_365 = arith.index_cast %mul3A_362 : i32 to index
      %swap3A_366 = tpu.vector_load %arg10[%swap3A_364, %swap3A_365] {strides = array<i32>} : memref<8x4096xf32, #tpu.memory_space<vmem>>, vector<16xf32>,
      tpu.vector_store %arg10[%swap3A_364, %swap3A_365], %get3A_36 {strides = array<i32>} : memref<8x4096xf32, #tpu.memory_space<vmem>>, vector<16xf32>,
      %scan3A_367 = arith.constant 2 : i32
      %scan3A_368 = arith.addi %scan3A_353, %scan3A_367 : i32
      %mul3A_369 = arith.constant 16 : i32
      %mul3A_370 = arith.muli %scan3A_368, %mul3A_369 : i32
      %swap3A_371 = arith.constant 7 : i32
      %swap3A_372 = arith.index_cast %swap3A_371 : i32 to index
      %swap3A_373 = arith.index_cast %mul3A_370 : i32 to index
      %swap3A_374 = tpu.vector_load %arg10[%swap3A_372, %swap3A_373] {strides = array<i32>} : memref<8x4096xf32, #tpu.memory_space<vmem>>, vector<16xf32>,
      tpu.vector_store %arg10[%swap3A_372, %swap3A_373], %get3A_36 {strides = array<i32>} : memref<8x4096xf32, #tpu.memory_space<vmem>>, vector<16xf32>,
      %scan3A_375 = arith.constant 3 : i32
      %scan3A_376 = arith.addi %scan3A_353, %scan3A_375 : i32
      %mul3A_377 = arith.constant 16 : i32
      %mul3A_378 = arith.muli %scan3A_376, %mul3A_377 : i32
      %swap3A_379 = arith.constant 7 : i32
      %swap3A_380 = arith.index_cast %swap3A_379 : i32 to index
      %swap3A_381 = arith.index_cast %mul3A_378 : i32 to index
      %swap3A_382 = tpu.vector_load %arg10[%swap3A_380, %swap3A_381] {strides = array<i32>} : memref<8x4096xf32, #tpu.memory_space<vmem>>, vector<16xf32>,
      tpu.vector_store %arg10[%swap3A_380, %swap3A_381], %get3A_36 {strides = array<i32>} : memref<8x4096xf32, #tpu.memory_space<vmem>>, vector<16xf32>,
      %scan3A_383 = arith.constant 4 : i32
      %scan3A_384 = arith.addi %scan3A_353, %scan3A_383 : i32
      %mul3A_385 = arith.constant 16 : i32
      %mul3A_386 = arith.muli %scan3A_384, %mul3A_385 : i32
      %swap3A_387 = arith.constant 7 : i32
      %swap3A_388 = arith.index_cast %swap3A_387 : i32 to index
      %swap3A_389 = arith.index_cast %mul3A_386 : i32 to index
      %swap3A_390 = tpu.vector_load %arg10[%swap3A_388, %swap3A_389] {strides = array<i32>} : memref<8x4096xf32, #tpu.memory_space<vmem>>, vector<16xf32>,
      tpu.vector_store %arg10[%swap3A_388, %swap3A_389], %get3A_36 {strides = array<i32>} : memref<8x4096xf32, #tpu.memory_space<vmem>>, vector<16xf32>,
      %scan3A_391 = arith.constant 5 : i32
      %scan3A_392 = arith.addi %scan3A_353, %scan3A_391 : i32
      %mul3A_393 = arith.constant 16 : i32
      %mul3A_394 = arith.muli %scan3A_392, %mul3A_393 : i32
      %swap3A_395 = arith.constant 7 : i32
      %swap3A_396 = arith.index_cast %swap3A_395 : i32 to index
      %swap3A_397 = arith.index_cast %mul3A_394 : i32 to index
      %swap3A_398 = tpu.vector_load %arg10[%swap3A_396, %swap3A_397] {strides = array<i32>} : memref<8x4096xf32, #tpu.memory_space<vmem>>, vector<16xf32>,
      tpu.vector_store %arg10[%swap3A_396, %swap3A_397], %get3A_36 {strides = array<i32>} : memref<8x4096xf32, #tpu.memory_space<vmem>>, vector<16xf32>,
      %scan3A_399 = arith.constant 6 : i32
      %scan3A_400 = arith.addi %scan3A_353, %scan3A_399 : i32
      %mul3A_401 = arith.constant 16 : i32
      %mul3A_402 = arith.muli %scan3A_400, %mul3A_401 : i32
      %swap3A_403 = arith.constant 7 : i32
      %swap3A_404 = arith.index_cast %swap3A_403 : i32 to index
      %swap3A_405 = arith.index_cast %mul3A_402 : i32 to index
      %swap3A_406 = tpu.vector_load %arg10[%swap3A_404, %swap3A_405] {strides = array<i32>} : memref<8x4096xf32, #tpu.memory_space<vmem>>, vector<16xf32>,
      tpu.vector_store %arg10[%swap3A_404, %swap3A_405], %get3A_36 {strides = array<i32>} : memref<8x4096xf32, #tpu.memory_space<vmem>>, vector<16xf32>,
      %scan3A_407 = arith.constant 7 : i32
      %scan3A_408 = arith.addi %scan3A_353, %scan3A_407 : i32
      %mul3A_409 = arith.constant 16 : i32
      %mul3A_410 = arith.muli %scan3A_408, %mul3A_409 : i32
      %swap3A_411 = arith.constant 7 : i32
      %swap3A_412 = arith.index_cast %swap3A_411 : i32 to index
      %swap3A_413 = arith.index_cast %mul3A_410 : i32 to index
      %swap3A_414 = tpu.vector_load %arg10[%swap3A_412, %swap3A_413] {strides = array<i32>} : memref<8x4096xf32, #tpu.memory_space<vmem>>, vector<16xf32>,
      tpu.vector_store %arg10[%swap3A_412, %swap3A_413], %get3A_36 {strides = array<i32>} : memref<8x4096xf32, #tpu.memory_space<vmem>>, vector<16xf32>,
    }
    %scan3A_136 = arith.constant 256 : i32
    %scan3A_137 = arith.constant 0 : i32
    %scan3A_138 = arith.constant 0 : i32
    %scan3A_139 = arith.constant 256 : i32
    %scan3A_140 = arith.addi %scan3A_138, %scan3A_139 : i32
    %scan3A_141 = arith.constant 8 : i32
    scf.for %scan3A_353 = %scan3A_138 to %scan3A_140 step %scan3A_141  : i32 {
      %mul3A_354 = arith.constant 16 : i32
      %mul3A_355 = arith.muli %scan3A_353, %mul3A_354 : i32
      %swap3A = arith.index_cast %mul3A_355 : i32 to index
      %swap3A_356 = tpu.vector_load %arg7[%swap3A] {strides = array<i32>} : memref<4096xi32, #tpu.memory_space<vmem>>, vector<16xi32>,
      tpu.vector_store %arg7[%swap3A], %sub3A_39 {strides = array<i32>} : memref<4096xi32, #tpu.memory_space<vmem>>, vector<16xi32>,
      %scan3A_357 = arith.constant 1 : i32
      %scan3A_358 = arith.addi %scan3A_353, %scan3A_357 : i32
      %mul3A_359 = arith.constant 16 : i32
      %mul3A_360 = arith.muli %scan3A_358, %mul3A_359 : i32
      %swap3A_361 = arith.index_cast %mul3A_360 : i32 to index
      %swap3A_362 = tpu.vector_load %arg7[%swap3A_361] {strides = array<i32>} : memref<4096xi32, #tpu.memory_space<vmem>>, vector<16xi32>,
      tpu.vector_store %arg7[%swap3A_361], %sub3A_39 {strides = array<i32>} : memref<4096xi32, #tpu.memory_space<vmem>>, vector<16xi32>,
      %scan3A_363 = arith.constant 2 : i32
      %scan3A_364 = arith.addi %scan3A_353, %scan3A_363 : i32
      %mul3A_365 = arith.constant 16 : i32
      %mul3A_366 = arith.muli %scan3A_364, %mul3A_365 : i32
      %swap3A_367 = arith.index_cast %mul3A_366 : i32 to index
      %swap3A_368 = tpu.vector_load %arg7[%swap3A_367] {strides = array<i32>} : memref<4096xi32, #tpu.memory_space<vmem>>, vector<16xi32>,
      tpu.vector_store %arg7[%swap3A_367], %sub3A_39 {strides = array<i32>} : memref<4096xi32, #tpu.memory_space<vmem>>, vector<16xi32>,
      %scan3A_369 = arith.constant 3 : i32
      %scan3A_370 = arith.addi %scan3A_353, %scan3A_369 : i32
      %mul3A_371 = arith.constant 16 : i32
      %mul3A_372 = arith.muli %scan3A_370, %mul3A_371 : i32
      %swap3A_373 = arith.index_cast %mul3A_372 : i32 to index
      %swap3A_374 = tpu.vector_load %arg7[%swap3A_373] {strides = array<i32>} : memref<4096xi32, #tpu.memory_space<vmem>>, vector<16xi32>,
      tpu.vector_store %arg7[%swap3A_373], %sub3A_39 {strides = array<i32>} : memref<4096xi32, #tpu.memory_space<vmem>>, vector<16xi32>,
      %scan3A_375 = arith.constant 4 : i32
      %scan3A_376 = arith.addi %scan3A_353, %scan3A_375 : i32
      %mul3A_377 = arith.constant 16 : i32
      %mul3A_378 = arith.muli %scan3A_376, %mul3A_377 : i32
      %swap3A_379 = arith.index_cast %mul3A_378 : i32 to index
      %swap3A_380 = tpu.vector_load %arg7[%swap3A_379] {strides = array<i32>} : memref<4096xi32, #tpu.memory_space<vmem>>, vector<16xi32>,
      tpu.vector_store %arg7[%swap3A_379], %sub3A_39 {strides = array<i32>} : memref<4096xi32, #tpu.memory_space<vmem>>, vector<16xi32>,
      %scan3A_381 = arith.constant 5 : i32
      %scan3A_382 = arith.addi %scan3A_353, %scan3A_381 : i32
      %mul3A_383 = arith.constant 16 : i32
      %mul3A_384 = arith.muli %scan3A_382, %mul3A_383 : i32
      %swap3A_385 = arith.index_cast %mul3A_384 : i32 to index
      %swap3A_386 = tpu.vector_load %arg7[%swap3A_385] {strides = array<i32>} : memref<4096xi32, #tpu.memory_space<vmem>>, vector<16xi32>,
      tpu.vector_store %arg7[%swap3A_385], %sub3A_39 {strides = array<i32>} : memref<4096xi32, #tpu.memory_space<vmem>>, vector<16xi32>,
      %scan3A_387 = arith.constant 6 : i32
      %scan3A_388 = arith.addi %scan3A_353, %scan3A_387 : i32
      %mul3A_389 = arith.constant 16 : i32
      %mul3A_390 = arith.muli %scan3A_388, %mul3A_389 : i32
      %swap3A_391 = arith.index_cast %mul3A_390 : i32 to index
      %swap3A_392 = tpu.vector_load %arg7[%swap3A_391] {strides = array<i32>} : memref<4096xi32, #tpu.memory_space<vmem>>, vector<16xi32>,
      tpu.vector_store %arg7[%swap3A_391], %sub3A_39 {strides = array<i32>} : memref<4096xi32, #tpu.memory_space<vmem>>, vector<16xi32>,
      %scan3A_393 = arith.constant 7 : i32
      %scan3A_394 = arith.addi %scan3A_353, %scan3A_393 : i32
      %mul3A_395 = arith.constant 16 : i32
      %mul3A_396 = arith.muli %scan3A_394, %mul3A_395 : i32
      %swap3A_397 = arith.index_cast %mul3A_396 : i32 to index
      %swap3A_398 = tpu.vector_load %arg7[%swap3A_397] {strides = array<i32>} : memref<4096xi32, #tpu.memory_space<vmem>>, vector<16xi32>,
      tpu.vector_store %arg7[%swap3A_397], %sub3A_39 {strides = array<i32>} : memref<4096xi32, #tpu.memory_space<vmem>>, vector<16xi32>,
    }
    %scan3A_142 = arith.constant 256 : i32
    %scan3A_143 = arith.constant 0 : i32
    %scan3A_144 = arith.constant 0 : i32
    %scan3A_145 = arith.constant 256 : i32
    %scan3A_146 = arith.addi %scan3A_144, %scan3A_145 : i32
    %scan3A_147 = arith.constant 4 : i32
    scf.for %scan3A_353 = %scan3A_144 to %scan3A_146 step %scan3A_147  : i32 {
      %mul3A_354 = arith.constant 16 : i32
      %mul3A_355 = arith.muli %scan3A_353, %mul3A_354 : i32
      %add3A_356 = vector.broadcast %mul3A_355 : i32 to vector<16xi32>
      %add3A_357 = arith.addi %add3A_356, %iota3A : vector<16xi32>
      %mul3A_358 = arith.constant 16 : i32
      %mul3A_359 = arith.muli %scan3A_353, %mul3A_358 : i32
      %add3A_360 = arith.constant 0 : i32
      %add3A_361 = arith.addi %add3A_360, %mul3A_359 : i32
      %get3A_362 = arith.index_cast %add3A_361 : i32 to index
      %get3A_363 = tpu.vector_load %arg5[%get3A_362] {strides = array<i32>} : memref<8192xi32, #tpu.memory_space<vmem>>, vector<16xi32>,
      %shift_right_arithmetic3A = arith.constant 3 : i32
      %shift_right_arithmetic3A_364 = vector.broadcast %shift_right_arithmetic3A : i32 to vector<16xi32>
      %shift_right_arithmetic3A_365 = arith.shrsi %get3A_363, %shift_right_arithmetic3A_364 : vector<16xi32>
      %add3A_366 = arith.constant 0 : i32
      %add3A_367 = vector.broadcast %add3A_366 : i32 to vector<16xi32>
      %add3A_368 = arith.addi %add3A_367, %shift_right_arithmetic3A_365 : vector<16xi32>
      %shift_left3A = arith.constant 4 : i32
      %shift_left3A_369 = vector.broadcast %shift_left3A : i32 to vector<16xi32>
      %shift_left3A_370 = arith.shli %add3A_368, %shift_left3A_369 : vector<16xi32>
      %add3A_371 = arith.addi %shift_left3A_370, %iota3A : vector<16xi32>
      %gather3A = tpu.vector_load_idx %arg7[%add3A_371] : memref<4096xi32, #tpu.memory_space<vmem>>[vector<16xi32>], vector<16xi32>,
      %add3A_372 = arith.constant 0 : i32
      %add3A_373 = vector.broadcast %add3A_372 : i32 to vector<16xi32>
      %add3A_374 = arith.addi %add3A_373, %add3A_357 : vector<16xi32>
      tpu.vector_store_idx %arg8[%add3A_374], %gather3A : memref<8192xi32, #tpu.memory_space<vmem>>[vector<16xi32>], vector<16xi32>,
      tpu.vector_store_idx %arg7[%add3A_371], %add3A_357 : memref<4096xi32, #tpu.memory_space<vmem>>[vector<16xi32>], vector<16xi32>,
      %scan3A_375 = arith.constant 1 : i32
      %scan3A_376 = arith.addi %scan3A_353, %scan3A_375 : i32
      %mul3A_377 = arith.constant 16 : i32
      %mul3A_378 = arith.muli %scan3A_376, %mul3A_377 : i32
      %add3A_379 = vector.broadcast %mul3A_378 : i32 to vector<16xi32>
      %add3A_380 = arith.addi %add3A_379, %iota3A : vector<16xi32>
      %mul3A_381 = arith.constant 16 : i32
      %mul3A_382 = arith.muli %scan3A_376, %mul3A_381 : i32
      %add3A_383 = arith.constant 0 : i32
      %add3A_384 = arith.addi %add3A_383, %mul3A_382 : i32
      %get3A_385 = arith.index_cast %add3A_384 : i32 to index
      %get3A_386 = tpu.vector_load %arg5[%get3A_385] {strides = array<i32>} : memref<8192xi32, #tpu.memory_space<vmem>>, vector<16xi32>,
      %shift_right_arithmetic3A_387 = arith.constant 3 : i32
      %shift_right_arithmetic3A_388 = vector.broadcast %shift_right_arithmetic3A_387 : i32 to vector<16xi32>
      %shift_right_arithmetic3A_389 = arith.shrsi %get3A_386, %shift_right_arithmetic3A_388 : vector<16xi32>
      %add3A_390 = arith.constant 0 : i32
      %add3A_391 = vector.broadcast %add3A_390 : i32 to vector<16xi32>
      %add3A_392 = arith.addi %add3A_391, %shift_right_arithmetic3A_389 : vector<16xi32>
      %shift_left3A_393 = arith.constant 4 : i32
      %shift_left3A_394 = vector.broadcast %shift_left3A_393 : i32 to vector<16xi32>
      %shift_left3A_395 = arith.shli %add3A_392, %shift_left3A_394 : vector<16xi32>
      %add3A_396 = arith.addi %shift_left3A_395, %iota3A : vector<16xi32>
      %gather3A_397 = tpu.vector_load_idx %arg7[%add3A_396] : memref<4096xi32, #tpu.memory_space<vmem>>[vector<16xi32>], vector<16xi32>,
      %add3A_398 = arith.constant 0 : i32
      %add3A_399 = vector.broadcast %add3A_398 : i32 to vector<16xi32>
      %add3A_400 = arith.addi %add3A_399, %add3A_380 : vector<16xi32>
      tpu.vector_store_idx %arg8[%add3A_400], %gather3A_397 : memref<8192xi32, #tpu.memory_space<vmem>>[vector<16xi32>], vector<16xi32>,
      tpu.vector_store_idx %arg7[%add3A_396], %add3A_380 : memref<4096xi32, #tpu.memory_space<vmem>>[vector<16xi32>], vector<16xi32>,
      %scan3A_401 = arith.constant 2 : i32
      %scan3A_402 = arith.addi %scan3A_353, %scan3A_401 : i32
      %mul3A_403 = arith.constant 16 : i32
      %mul3A_404 = arith.muli %scan3A_402, %mul3A_403 : i32
      %add3A_405 = vector.broadcast %mul3A_404 : i32 to vector<16xi32>
      %add3A_406 = arith.addi %add3A_405, %iota3A : vector<16xi32>
      %mul3A_407 = arith.constant 16 : i32
      %mul3A_408 = arith.muli %scan3A_402, %mul3A_407 : i32
      %add3A_409 = arith.constant 0 : i32
      %add3A_410 = arith.addi %add3A_409, %mul3A_408 : i32
      %get3A_411 = arith.index_cast %add3A_410 : i32 to index
      %get3A_412 = tpu.vector_load %arg5[%get3A_411] {strides = array<i32>} : memref<8192xi32, #tpu.memory_space<vmem>>, vector<16xi32>,
      %shift_right_arithmetic3A_413 = arith.constant 3 : i32
      %shift_right_arithmetic3A_414 = vector.broadcast %shift_right_arithmetic3A_413 : i32 to vector<16xi32>
      %shift_right_arithmetic3A_415 = arith.shrsi %get3A_412, %shift_right_arithmetic3A_414 : vector<16xi32>
      %add3A_416 = arith.constant 0 : i32
      %add3A_417 = vector.broadcast %add3A_416 : i32 to vector<16xi32>
      %add3A_418 = arith.addi %add3A_417, %shift_right_arithmetic3A_415 : vector<16xi32>
      %shift_left3A_419 = arith.constant 4 : i32
      %shift_left3A_420 = vector.broadcast %shift_left3A_419 : i32 to vector<16xi32>
      %shift_left3A_421 = arith.shli %add3A_418, %shift_left3A_420 : vector<16xi32>
      %add3A_422 = arith.addi %shift_left3A_421, %iota3A : vector<16xi32>
      %gather3A_423 = tpu.vector_load_idx %arg7[%add3A_422] : memref<4096xi32, #tpu.memory_space<vmem>>[vector<16xi32>], vector<16xi32>,
      %add3A_424 = arith.constant 0 : i32
      %add3A_425 = vector.broadcast %add3A_424 : i32 to vector<16xi32>
      %add3A_426 = arith.addi %add3A_425, %add3A_406 : vector<16xi32>
      tpu.vector_store_idx %arg8[%add3A_426], %gather3A_423 : memref<8192xi32, #tpu.memory_space<vmem>>[vector<16xi32>], vector<16xi32>,
      tpu.vector_store_idx %arg7[%add3A_422], %add3A_406 : memref<4096xi32, #tpu.memory_space<vmem>>[vector<16xi32>], vector<16xi32>,
      %scan3A_427 = arith.constant 3 : i32
      %scan3A_428 = arith.addi %scan3A_353, %scan3A_427 : i32
      %mul3A_429 = arith.constant 16 : i32
      %mul3A_430 = arith.muli %scan3A_428, %mul3A_429 : i32
      %add3A_431 = vector.broadcast %mul3A_430 : i32 to vector<16xi32>
      %add3A_432 = arith.addi %add3A_431, %iota3A : vector<16xi32>
      %mul3A_433 = arith.constant 16 : i32
      %mul3A_434 = arith.muli %scan3A_428, %mul3A_433 : i32
      %add3A_435 = arith.constant 0 : i32
      %add3A_436 = arith.addi %add3A_435, %mul3A_434 : i32
      %get3A_437 = arith.index_cast %add3A_436 : i32 to index
      %get3A_438 = tpu.vector_load %arg5[%get3A_437] {strides = array<i32>} : memref<8192xi32, #tpu.memory_space<vmem>>, vector<16xi32>,
      %shift_right_arithmetic3A_439 = arith.constant 3 : i32
      %shift_right_arithmetic3A_440 = vector.broadcast %shift_right_arithmetic3A_439 : i32 to vector<16xi32>
      %shift_right_arithmetic3A_441 = arith.shrsi %get3A_438, %shift_right_arithmetic3A_440 : vector<16xi32>
      %add3A_442 = arith.constant 0 : i32
      %add3A_443 = vector.broadcast %add3A_442 : i32 to vector<16xi32>
      %add3A_444 = arith.addi %add3A_443, %shift_right_arithmetic3A_441 : vector<16xi32>
      %shift_left3A_445 = arith.constant 4 : i32
      %shift_left3A_446 = vector.broadcast %shift_left3A_445 : i32 to vector<16xi32>
      %shift_left3A_447 = arith.shli %add3A_444, %shift_left3A_446 : vector<16xi32>
      %add3A_448 = arith.addi %shift_left3A_447, %iota3A : vector<16xi32>
      %gather3A_449 = tpu.vector_load_idx %arg7[%add3A_448] : memref<4096xi32, #tpu.memory_space<vmem>>[vector<16xi32>], vector<16xi32>,
      %add3A_450 = arith.constant 0 : i32
      %add3A_451 = vector.broadcast %add3A_450 : i32 to vector<16xi32>
      %add3A_452 = arith.addi %add3A_451, %add3A_432 : vector<16xi32>
      tpu.vector_store_idx %arg8[%add3A_452], %gather3A_449 : memref<8192xi32, #tpu.memory_space<vmem>>[vector<16xi32>], vector<16xi32>,
      tpu.vector_store_idx %arg7[%add3A_448], %add3A_432 : memref<4096xi32, #tpu.memory_space<vmem>>[vector<16xi32>], vector<16xi32>,
    }
    %scan3A_148 = arith.constant 256 : i32
    %add3A_149 = arith.addi %select_n3A_12, %select_n3A : i32
    %sub3A_150 = arith.constant 1 : i32
    %sub3A_151 = arith.subi %add3A_149, %sub3A_150 : i32
    %jit3A_152 = arith.constant 125 : i32
    %div3A_153 = arith.divsi %sub3A_151, %jit3A_152 : i32
    %sign3A_154 = arith.constant 0 : i32
    %sign3A_155 = arith.cmpi sgt, %sub3A_151, %sign3A_154 : i32
    %sign3A_156 = arith.extui %sign3A_155 : i1 to i32
    %sign3A_157 = arith.constant 0 : i32
    %sign3A_158 = arith.cmpi slt, %sub3A_151, %sign3A_157 : i32
    %sign3A_159 = arith.extui %sign3A_158 : i1 to i32
    %sign3A_160 = arith.subi %sign3A_156, %sign3A_159 : i32
    %sign3A_161 = arith.constant 0 : i32
    %sign3A_162 = arith.cmpi sgt, %jit3A_152, %sign3A_161 : i32
    %sign3A_163 = arith.extui %sign3A_162 : i1 to i32
    %sign3A_164 = arith.constant 0 : i32
    %sign3A_165 = arith.cmpi slt, %jit3A_152, %sign3A_164 : i32
    %sign3A_166 = arith.extui %sign3A_165 : i1 to i32
    %sign3A_167 = arith.subi %sign3A_163, %sign3A_166 : i32
    %ne3A_168 = arith.cmpi ne, %sign3A_160, %sign3A_167 : i32
    %rem3A_169 = arith.remsi %sub3A_151, %jit3A_152 : i32
    %ne3A_170 = arith.constant 0 : i32
    %ne3A_171 = arith.cmpi ne, %rem3A_169, %ne3A_170 : i32
    %and3A_172 = arith.andi %ne3A_168, %ne3A_171 : i1
    %sub3A_173 = arith.constant 1 : i32
    %sub3A_174 = arith.subi %div3A_153, %sub3A_173 : i32
    %select_n3A_175 = arith.select %and3A_172, %sub3A_174, %div3A_153 : i32
    %gt3A = arith.cmpi sgt, %select_n3A_175, %select_n3A_31 : i32
    %convert_element_type3A = arith.extui %gt3A : i1 to i32
    %cond3A = arith.constant 0 : i32
    %cond3A_176 = arith.cmpi ne, %convert_element_type3A, %cond3A : i32
    scf.if %cond3A_176 {
      %scan3A_353 = arith.constant 0 : i32
      %scan3A_354 = arith.constant 0 : i32
      %scan3A_355 = arith.constant 256 : i32
      %scan3A_356 = arith.addi %scan3A_354, %scan3A_355 : i32
      %scan3A_357 = arith.constant 4 : i32
      scf.for %scan3A_359 = %scan3A_354 to %scan3A_356 step %scan3A_357  : i32 {
        %mul3A_360 = arith.constant 16 : i32
        %mul3A_361 = arith.muli %scan3A_359, %mul3A_360 : i32
        %add3A_362 = vector.broadcast %mul3A_361 : i32 to vector<16xi32>
        %add3A_363 = arith.addi %add3A_362, %iota3A : vector<16xi32>
        %mul3A_364 = arith.constant 16 : i32
        %mul3A_365 = arith.muli %scan3A_359, %mul3A_364 : i32
        %add3A_366 = arith.constant 4096 : i32
        %add3A_367 = arith.addi %add3A_366, %mul3A_365 : i32
        %get3A_368 = arith.index_cast %add3A_367 : i32 to index
        %get3A_369 = tpu.vector_load %arg5[%get3A_368] {strides = array<i32>} : memref<8192xi32, #tpu.memory_space<vmem>>, vector<16xi32>,
        %shift_right_arithmetic3A = arith.constant 3 : i32
        %shift_right_arithmetic3A_370 = vector.broadcast %shift_right_arithmetic3A : i32 to vector<16xi32>
        %shift_right_arithmetic3A_371 = arith.shrsi %get3A_369, %shift_right_arithmetic3A_370 : vector<16xi32>
        %add3A_372 = arith.constant 128 : i32
        %add3A_373 = vector.broadcast %add3A_372 : i32 to vector<16xi32>
        %add3A_374 = arith.addi %add3A_373, %shift_right_arithmetic3A_371 : vector<16xi32>
        %shift_left3A = arith.constant 4 : i32
        %shift_left3A_375 = vector.broadcast %shift_left3A : i32 to vector<16xi32>
        %shift_left3A_376 = arith.shli %add3A_374, %shift_left3A_375 : vector<16xi32>
        %add3A_377 = arith.addi %shift_left3A_376, %iota3A : vector<16xi32>
        %gather3A = tpu.vector_load_idx %arg7[%add3A_377] : memref<4096xi32, #tpu.memory_space<vmem>>[vector<16xi32>], vector<16xi32>,
        %add3A_378 = arith.constant 4096 : i32
        %add3A_379 = vector.broadcast %add3A_378 : i32 to vector<16xi32>
        %add3A_380 = arith.addi %add3A_379, %add3A_363 : vector<16xi32>
        tpu.vector_store_idx %arg8[%add3A_380], %gather3A : memref<8192xi32, #tpu.memory_space<vmem>>[vector<16xi32>], vector<16xi32>,
        tpu.vector_store_idx %arg7[%add3A_377], %add3A_363 : memref<4096xi32, #tpu.memory_space<vmem>>[vector<16xi32>], vector<16xi32>,
        %scan3A_381 = arith.constant 1 : i32
        %scan3A_382 = arith.addi %scan3A_359, %scan3A_381 : i32
        %mul3A_383 = arith.constant 16 : i32
        %mul3A_384 = arith.muli %scan3A_382, %mul3A_383 : i32
        %add3A_385 = vector.broadcast %mul3A_384 : i32 to vector<16xi32>
        %add3A_386 = arith.addi %add3A_385, %iota3A : vector<16xi32>
        %mul3A_387 = arith.constant 16 : i32
        %mul3A_388 = arith.muli %scan3A_382, %mul3A_387 : i32
        %add3A_389 = arith.constant 4096 : i32
        %add3A_390 = arith.addi %add3A_389, %mul3A_388 : i32
        %get3A_391 = arith.index_cast %add3A_390 : i32 to index
        %get3A_392 = tpu.vector_load %arg5[%get3A_391] {strides = array<i32>} : memref<8192xi32, #tpu.memory_space<vmem>>, vector<16xi32>,
        %shift_right_arithmetic3A_393 = arith.constant 3 : i32
        %shift_right_arithmetic3A_394 = vector.broadcast %shift_right_arithmetic3A_393 : i32 to vector<16xi32>
        %shift_right_arithmetic3A_395 = arith.shrsi %get3A_392, %shift_right_arithmetic3A_394 : vector<16xi32>
        %add3A_396 = arith.constant 128 : i32
        %add3A_397 = vector.broadcast %add3A_396 : i32 to vector<16xi32>
        %add3A_398 = arith.addi %add3A_397, %shift_right_arithmetic3A_395 : vector<16xi32>
        %shift_left3A_399 = arith.constant 4 : i32
        %shift_left3A_400 = vector.broadcast %shift_left3A_399 : i32 to vector<16xi32>
        %shift_left3A_401 = arith.shli %add3A_398, %shift_left3A_400 : vector<16xi32>
        %add3A_402 = arith.addi %shift_left3A_401, %iota3A : vector<16xi32>
        %gather3A_403 = tpu.vector_load_idx %arg7[%add3A_402] : memref<4096xi32, #tpu.memory_space<vmem>>[vector<16xi32>], vector<16xi32>,
        %add3A_404 = arith.constant 4096 : i32
        %add3A_405 = vector.broadcast %add3A_404 : i32 to vector<16xi32>
        %add3A_406 = arith.addi %add3A_405, %add3A_386 : vector<16xi32>
        tpu.vector_store_idx %arg8[%add3A_406], %gather3A_403 : memref<8192xi32, #tpu.memory_space<vmem>>[vector<16xi32>], vector<16xi32>,
        tpu.vector_store_idx %arg7[%add3A_402], %add3A_386 : memref<4096xi32, #tpu.memory_space<vmem>>[vector<16xi32>], vector<16xi32>,
        %scan3A_407 = arith.constant 2 : i32
        %scan3A_408 = arith.addi %scan3A_359, %scan3A_407 : i32
        %mul3A_409 = arith.constant 16 : i32
        %mul3A_410 = arith.muli %scan3A_408, %mul3A_409 : i32
        %add3A_411 = vector.broadcast %mul3A_410 : i32 to vector<16xi32>
        %add3A_412 = arith.addi %add3A_411, %iota3A : vector<16xi32>
        %mul3A_413 = arith.constant 16 : i32
        %mul3A_414 = arith.muli %scan3A_408, %mul3A_413 : i32
        %add3A_415 = arith.constant 4096 : i32
        %add3A_416 = arith.addi %add3A_415, %mul3A_414 : i32
        %get3A_417 = arith.index_cast %add3A_416 : i32 to index
        %get3A_418 = tpu.vector_load %arg5[%get3A_417] {strides = array<i32>} : memref<8192xi32, #tpu.memory_space<vmem>>, vector<16xi32>,
        %shift_right_arithmetic3A_419 = arith.constant 3 : i32
        %shift_right_arithmetic3A_420 = vector.broadcast %shift_right_arithmetic3A_419 : i32 to vector<16xi32>
        %shift_right_arithmetic3A_421 = arith.shrsi %get3A_418, %shift_right_arithmetic3A_420 : vector<16xi32>
        %add3A_422 = arith.constant 128 : i32
        %add3A_423 = vector.broadcast %add3A_422 : i32 to vector<16xi32>
        %add3A_424 = arith.addi %add3A_423, %shift_right_arithmetic3A_421 : vector<16xi32>
        %shift_left3A_425 = arith.constant 4 : i32
        %shift_left3A_426 = vector.broadcast %shift_left3A_425 : i32 to vector<16xi32>
        %shift_left3A_427 = arith.shli %add3A_424, %shift_left3A_426 : vector<16xi32>
        %add3A_428 = arith.addi %shift_left3A_427, %iota3A : vector<16xi32>
        %gather3A_429 = tpu.vector_load_idx %arg7[%add3A_428] : memref<4096xi32, #tpu.memory_space<vmem>>[vector<16xi32>], vector<16xi32>,
        %add3A_430 = arith.constant 4096 : i32
        %add3A_431 = vector.broadcast %add3A_430 : i32 to vector<16xi32>
        %add3A_432 = arith.addi %add3A_431, %add3A_412 : vector<16xi32>
        tpu.vector_store_idx %arg8[%add3A_432], %gather3A_429 : memref<8192xi32, #tpu.memory_space<vmem>>[vector<16xi32>], vector<16xi32>,
        tpu.vector_store_idx %arg7[%add3A_428], %add3A_412 : memref<4096xi32, #tpu.memory_space<vmem>>[vector<16xi32>], vector<16xi32>,
        %scan3A_433 = arith.constant 3 : i32
        %scan3A_434 = arith.addi %scan3A_359, %scan3A_433 : i32
        %mul3A_435 = arith.constant 16 : i32
        %mul3A_436 = arith.muli %scan3A_434, %mul3A_435 : i32
        %add3A_437 = vector.broadcast %mul3A_436 : i32 to vector<16xi32>
        %add3A_438 = arith.addi %add3A_437, %iota3A : vector<16xi32>
        %mul3A_439 = arith.constant 16 : i32
        %mul3A_440 = arith.muli %scan3A_434, %mul3A_439 : i32
        %add3A_441 = arith.constant 4096 : i32
        %add3A_442 = arith.addi %add3A_441, %mul3A_440 : i32
        %get3A_443 = arith.index_cast %add3A_442 : i32 to index
        %get3A_444 = tpu.vector_load %arg5[%get3A_443] {strides = array<i32>} : memref<8192xi32, #tpu.memory_space<vmem>>, vector<16xi32>,
        %shift_right_arithmetic3A_445 = arith.constant 3 : i32
        %shift_right_arithmetic3A_446 = vector.broadcast %shift_right_arithmetic3A_445 : i32 to vector<16xi32>
        %shift_right_arithmetic3A_447 = arith.shrsi %get3A_444, %shift_right_arithmetic3A_446 : vector<16xi32>
        %add3A_448 = arith.constant 128 : i32
        %add3A_449 = vector.broadcast %add3A_448 : i32 to vector<16xi32>
        %add3A_450 = arith.addi %add3A_449, %shift_right_arithmetic3A_447 : vector<16xi32>
        %shift_left3A_451 = arith.constant 4 : i32
        %shift_left3A_452 = vector.broadcast %shift_left3A_451 : i32 to vector<16xi32>
        %shift_left3A_453 = arith.shli %add3A_450, %shift_left3A_452 : vector<16xi32>
        %add3A_454 = arith.addi %shift_left3A_453, %iota3A : vector<16xi32>
        %gather3A_455 = tpu.vector_load_idx %arg7[%add3A_454] : memref<4096xi32, #tpu.memory_space<vmem>>[vector<16xi32>], vector<16xi32>,
        %add3A_456 = arith.constant 4096 : i32
        %add3A_457 = vector.broadcast %add3A_456 : i32 to vector<16xi32>
        %add3A_458 = arith.addi %add3A_457, %add3A_438 : vector<16xi32>
        tpu.vector_store_idx %arg8[%add3A_458], %gather3A_455 : memref<8192xi32, #tpu.memory_space<vmem>>[vector<16xi32>], vector<16xi32>,
        tpu.vector_store_idx %arg7[%add3A_454], %add3A_438 : memref<4096xi32, #tpu.memory_space<vmem>>[vector<16xi32>], vector<16xi32>,
      }
      %scan3A_358 = arith.constant 256 : i32
    } else {
    }
    %add3A_177 = arith.constant 0 : i32
    %add3A_178 = arith.addi %select_n3A_12, %add3A_177 : i32
    %jit3A_179 = arith.constant 125 : i32
    %div3A_180 = arith.divsi %add3A_178, %jit3A_179 : i32
    %sign3A_181 = arith.constant 0 : i32
    %sign3A_182 = arith.cmpi sgt, %add3A_178, %sign3A_181 : i32
    %sign3A_183 = arith.extui %sign3A_182 : i1 to i32
    %sign3A_184 = arith.constant 0 : i32
    %sign3A_185 = arith.cmpi slt, %add3A_178, %sign3A_184 : i32
    %sign3A_186 = arith.extui %sign3A_185 : i1 to i32
    %sign3A_187 = arith.subi %sign3A_183, %sign3A_186 : i32
    %sign3A_188 = arith.constant 0 : i32
    %sign3A_189 = arith.cmpi sgt, %jit3A_179, %sign3A_188 : i32
    %sign3A_190 = arith.extui %sign3A_189 : i1 to i32
    %sign3A_191 = arith.constant 0 : i32
    %sign3A_192 = arith.cmpi slt, %jit3A_179, %sign3A_191 : i32
    %sign3A_193 = arith.extui %sign3A_192 : i1 to i32
    %sign3A_194 = arith.subi %sign3A_190, %sign3A_193 : i32
    %ne3A_195 = arith.cmpi ne, %sign3A_187, %sign3A_194 : i32
    %rem3A_196 = arith.remsi %add3A_178, %jit3A_179 : i32
    %ne3A_197 = arith.constant 0 : i32
    %ne3A_198 = arith.cmpi ne, %rem3A_196, %ne3A_197 : i32
    %and3A_199 = arith.andi %ne3A_195, %ne3A_198 : i1
    %sub3A_200 = arith.constant 1 : i32
    %sub3A_201 = arith.subi %div3A_180, %sub3A_200 : i32
    %select_n3A_202 = arith.select %and3A_199, %sub3A_201, %div3A_180 : i32
    %mul3A_203 = arith.constant 125 : i32
    %mul3A_204 = arith.muli %select_n3A_202, %mul3A_203 : i32
    %sub3A_205 = arith.subi %add3A_178, %mul3A_204 : i32
    %sub3A_206 = arith.subi %select_n3A_202, %select_n3A_31 : i32
    %mul3A_207 = arith.constant 4096 : i32
    %mul3A_208 = arith.muli %sub3A_206, %mul3A_207 : i32
    %mul3A_209 = arith.constant 128 : i32
    %mul3A_210 = arith.muli %sub3A_206, %mul3A_209 : i32
    %add3A_211 = arith.addi %mul3A_210, %sub3A_205 : i32
    %mul3A_212 = arith.constant 16 : i32
    %mul3A_213 = arith.muli %add3A_211, %mul3A_212 : i32
    %get3A_214 = arith.index_cast %mul3A_213 : i32 to index
    %get3A_215 = tpu.vector_load %arg7[%get3A_214] {strides = array<i32>} : memref<4096xi32, #tpu.memory_space<vmem>>, vector<16xi32>,
    %while3A = scf.while (%while3A_353 = %get3A_215) : (vector<16xi32>) -> vector<16xi32> {
      %reduce_max3A = arith.constant true
      %reduce_max3A_354 = vector.broadcast %reduce_max3A : i1 to vector<16xi1>
      %reduce_max3A_355 = arith.constant -2147483648 : i32
      %reduce_max3A_356 = vector.broadcast %reduce_max3A_355 : i32 to vector<16xi32>
      %reduce_max3A_357 = arith.xori %while3A_353, %reduce_max3A_356 : vector<16xi32>
      %reduce_max3A_358 = tpu.scan <max>, %reduce_max3A_357 masked %reduce_max3A_354 : vector<16xi32>, vector<16xi1> -> vector<16xi32>
      %reduce_max3A_359 = arith.xori %reduce_max3A_358, %reduce_max3A_356 : vector<16xi32>
      %reduce_max3A_360 = vector.extract %reduce_max3A_359[15] : i32 from vector<16xi32>
      %ge3A = arith.constant 0 : i32
      %ge3A_361 = arith.cmpi sge, %reduce_max3A_360, %ge3A : i32
      scf.condition(%ge3A_361) %while3A_353 : vector<16xi32>
    } do {
    ^bb0(%while3A_353: vector<16xi32>):
      %ge3A = arith.constant 0 : i32
      %ge3A_354 = vector.broadcast %ge3A : i32 to vector<16xi32>
      %ge3A_355 = arith.cmpi sge, %while3A_353, %ge3A_354 : vector<16xi32>
      %max3A = arith.constant 0 : i32
      %max3A_356 = vector.broadcast %max3A : i32 to vector<16xi32>
      %max3A_357 = arith.maxsi %while3A_353, %max3A_356 : vector<16xi32>
      %add3A_358 = vector.broadcast %mul3A_208 : i32 to vector<16xi32>
      %add3A_359 = arith.addi %add3A_358, %max3A_357 : vector<16xi32>
      %gather3A = tpu.vector_load_idx %arg5[%add3A_359] : memref<8192xi32, #tpu.memory_space<vmem>>[vector<16xi32>], vector<16xi32>,
      %and3A_360 = arith.constant 7 : i32
      %and3A_361 = vector.broadcast %and3A_360 : i32 to vector<16xi32>
      %and3A_362 = arith.andi %gather3A, %and3A_361 : vector<16xi32>
      tpu.vector_store_idx %arg9[%and3A_362, %max3A_357], %get3A_34 masked %ge3A_355 : memref<8x4096xf32, #tpu.memory_space<vmem>>[vector<16xi32>, vector<16xi32>], vector<16xf32>, vector<16xi1>
      %add3A_363 = vector.broadcast %mul3A_208 : i32 to vector<16xi32>
      %add3A_364 = arith.addi %add3A_363, %max3A_357 : vector<16xi32>
      %gather3A_365 = tpu.vector_load_idx %arg8[%add3A_364] : memref<8192xi32, #tpu.memory_space<vmem>>[vector<16xi32>], vector<16xi32>,
      %select_n3A_366 = arith.select %ge3A_355, %gather3A_365, %while3A_353 : vector<16xi1>, vector<16xi32>
      %ge3A_367 = arith.constant 0 : i32
      %ge3A_368 = vector.broadcast %ge3A_367 : i32 to vector<16xi32>
      %ge3A_369 = arith.cmpi sge, %select_n3A_366, %ge3A_368 : vector<16xi32>
      %max3A_370 = arith.constant 0 : i32
      %max3A_371 = vector.broadcast %max3A_370 : i32 to vector<16xi32>
      %max3A_372 = arith.maxsi %select_n3A_366, %max3A_371 : vector<16xi32>
      %add3A_373 = vector.broadcast %mul3A_208 : i32 to vector<16xi32>
      %add3A_374 = arith.addi %add3A_373, %max3A_372 : vector<16xi32>
      %gather3A_375 = tpu.vector_load_idx %arg5[%add3A_374] : memref<8192xi32, #tpu.memory_space<vmem>>[vector<16xi32>], vector<16xi32>,
      %and3A_376 = arith.constant 7 : i32
      %and3A_377 = vector.broadcast %and3A_376 : i32 to vector<16xi32>
      %and3A_378 = arith.andi %gather3A_375, %and3A_377 : vector<16xi32>
      tpu.vector_store_idx %arg9[%and3A_378, %max3A_372], %get3A_34 masked %ge3A_369 : memref<8x4096xf32, #tpu.memory_space<vmem>>[vector<16xi32>, vector<16xi32>], vector<16xf32>, vector<16xi1>
      %add3A_379 = vector.broadcast %mul3A_208 : i32 to vector<16xi32>
      %add3A_380 = arith.addi %add3A_379, %max3A_372 : vector<16xi32>
      %gather3A_381 = tpu.vector_load_idx %arg8[%add3A_380] : memref<8192xi32, #tpu.memory_space<vmem>>[vector<16xi32>], vector<16xi32>,
      %select_n3A_382 = arith.select %ge3A_369, %gather3A_381, %select_n3A_366 : vector<16xi1>, vector<16xi32>
      scf.yield %select_n3A_382 : vector<16xi32>
    }
    %add3A_216 = arith.constant 0 : i32
    %add3A_217 = arith.addi %select_n3A_12, %add3A_216 : i32
    %jit3A_218 = arith.constant 125 : i32
    %div3A_219 = arith.divsi %add3A_217, %jit3A_218 : i32
    %sign3A_220 = arith.constant 0 : i32
    %sign3A_221 = arith.cmpi sgt, %add3A_217, %sign3A_220 : i32
    %sign3A_222 = arith.extui %sign3A_221 : i1 to i32
    %sign3A_223 = arith.constant 0 : i32
    %sign3A_224 = arith.cmpi slt, %add3A_217, %sign3A_223 : i32
    %sign3A_225 = arith.extui %sign3A_224 : i1 to i32
    %sign3A_226 = arith.subi %sign3A_222, %sign3A_225 : i32
    %sign3A_227 = arith.constant 0 : i32
    %sign3A_228 = arith.cmpi sgt, %jit3A_218, %sign3A_227 : i32
    %sign3A_229 = arith.extui %sign3A_228 : i1 to i32
    %sign3A_230 = arith.constant 0 : i32
    %sign3A_231 = arith.cmpi slt, %jit3A_218, %sign3A_230 : i32
    %sign3A_232 = arith.extui %sign3A_231 : i1 to i32
    %sign3A_233 = arith.subi %sign3A_229, %sign3A_232 : i32
    %ne3A_234 = arith.cmpi ne, %sign3A_226, %sign3A_233 : i32
    %rem3A_235 = arith.remsi %add3A_217, %jit3A_218 : i32
    %ne3A_236 = arith.constant 0 : i32
    %ne3A_237 = arith.cmpi ne, %rem3A_235, %ne3A_236 : i32
    %and3A_238 = arith.andi %ne3A_234, %ne3A_237 : i1
    %sub3A_239 = arith.constant 1 : i32
    %sub3A_240 = arith.subi %div3A_219, %sub3A_239 : i32
    %select_n3A_241 = arith.select %and3A_238, %sub3A_240, %div3A_219 : i32
    %mul3A_242 = arith.constant 125 : i32
    %mul3A_243 = arith.muli %select_n3A_241, %mul3A_242 : i32
    %sub3A_244 = arith.subi %add3A_217, %mul3A_243 : i32
    %mul3A_245 = arith.constant 8 : i32
    %mul3A_246 = arith.muli %sub3A_244, %mul3A_245 : i32
    %multiple_of3A = tpu.assume_multiple %mul3A_246, 8 : i32
    %dma_start3A = arith.constant 0 : i32
    %dma_start3A_247 = tpu.memref_slice %arg4[%select_n3A_241, %multiple_of3A, %dma_start3A] : memref<26x1000x4096xf32, #tpu.memory_space<hbm>> -> memref<1x8x4096xf32, #tpu.memory_space<hbm>>
    %dma_start3A_248 = tpu.memref_squeeze %dma_start3A_247 : memref<1x8x4096xf32, #tpu.memory_space<hbm>> -> memref<8x4096xf32, #tpu.memory_space<hbm>>
    %dma_start3A_249 = arith.constant 0 : i32
    %dma_start3A_250 = tpu.memref_slice %arg4[%select_n3A_241, %multiple_of3A, %dma_start3A_249] : memref<26x1000x4096xf32, #tpu.memory_space<hbm>> -> memref<1x8x4096xf32, #tpu.memory_space<hbm>>
    %dma_start3A_251 = tpu.memref_squeeze %dma_start3A_250 : memref<1x8x4096xf32, #tpu.memory_space<hbm>> -> memref<8x4096xf32, #tpu.memory_space<hbm>>
    tpu.enqueue_dma source(%arg9 : memref<8x4096xf32, #tpu.memory_space<vmem>>) target(%dma_start3A_251 : memref<8x4096xf32, #tpu.memory_space<hbm>>) target_semaphore(%arg11 : memref<!tpu.dma_semaphore, #tpu.memory_space<semaphore_mem>>)
    %add3A_252 = arith.constant 1 : i32
    %add3A_253 = arith.addi %select_n3A_12, %add3A_252 : i32
    %jit3A_254 = arith.constant 125 : i32
    %div3A_255 = arith.divsi %add3A_253, %jit3A_254 : i32
    %sign3A_256 = arith.constant 0 : i32
    %sign3A_257 = arith.cmpi sgt, %add3A_253, %sign3A_256 : i32
    %sign3A_258 = arith.extui %sign3A_257 : i1 to i32
    %sign3A_259 = arith.constant 0 : i32
    %sign3A_260 = arith.cmpi slt, %add3A_253, %sign3A_259 : i32
    %sign3A_261 = arith.extui %sign3A_260 : i1 to i32
    %sign3A_262 = arith.subi %sign3A_258, %sign3A_261 : i32
    %sign3A_263 = arith.constant 0 : i32
    %sign3A_264 = arith.cmpi sgt, %jit3A_254, %sign3A_263 : i32
    %sign3A_265 = arith.extui %sign3A_264 : i1 to i32
    %sign3A_266 = arith.constant 0 : i32
    %sign3A_267 = arith.cmpi slt, %jit3A_254, %sign3A_266 : i32
    %sign3A_268 = arith.extui %sign3A_267 : i1 to i32
    %sign3A_269 = arith.subi %sign3A_265, %sign3A_268 : i32
    %ne3A_270 = arith.cmpi ne, %sign3A_262, %sign3A_269 : i32
    %rem3A_271 = arith.remsi %add3A_253, %jit3A_254 : i32
    %ne3A_272 = arith.constant 0 : i32
    %ne3A_273 = arith.cmpi ne, %rem3A_271, %ne3A_272 : i32
    %and3A_274 = arith.andi %ne3A_270, %ne3A_273 : i1
    %sub3A_275 = arith.constant 1 : i32
    %sub3A_276 = arith.subi %div3A_255, %sub3A_275 : i32
    %select_n3A_277 = arith.select %and3A_274, %sub3A_276, %div3A_255 : i32
    %mul3A_278 = arith.constant 125 : i32
    %mul3A_279 = arith.muli %select_n3A_277, %mul3A_278 : i32
    %sub3A_280 = arith.subi %add3A_253, %mul3A_279 : i32
    %sub3A_281 = arith.subi %select_n3A_277, %select_n3A_31 : i32
    %mul3A_282 = arith.constant 4096 : i32
    %mul3A_283 = arith.muli %sub3A_281, %mul3A_282 : i32
    %mul3A_284 = arith.constant 128 : i32
    %mul3A_285 = arith.muli %sub3A_281, %mul3A_284 : i32
    %add3A_286 = arith.addi %mul3A_285, %sub3A_280 : i32
    %mul3A_287 = arith.constant 16 : i32
    %mul3A_288 = arith.muli %add3A_286, %mul3A_287 : i32
    %get3A_289 = arith.index_cast %mul3A_288 : i32 to index
    %get3A_290 = tpu.vector_load %arg7[%get3A_289] {strides = array<i32>} : memref<4096xi32, #tpu.memory_space<vmem>>, vector<16xi32>,
    %while3A_291 = scf.while (%while3A_353 = %get3A_290) : (vector<16xi32>) -> vector<16xi32> {
      %reduce_max3A = arith.constant true
      %reduce_max3A_354 = vector.broadcast %reduce_max3A : i1 to vector<16xi1>
      %reduce_max3A_355 = arith.constant -2147483648 : i32
      %reduce_max3A_356 = vector.broadcast %reduce_max3A_355 : i32 to vector<16xi32>
      %reduce_max3A_357 = arith.xori %while3A_353, %reduce_max3A_356 : vector<16xi32>
      %reduce_max3A_358 = tpu.scan <max>, %reduce_max3A_357 masked %reduce_max3A_354 : vector<16xi32>, vector<16xi1> -> vector<16xi32>
      %reduce_max3A_359 = arith.xori %reduce_max3A_358, %reduce_max3A_356 : vector<16xi32>
      %reduce_max3A_360 = vector.extract %reduce_max3A_359[15] : i32 from vector<16xi32>
      %ge3A = arith.constant 0 : i32
      %ge3A_361 = arith.cmpi sge, %reduce_max3A_360, %ge3A : i32
      scf.condition(%ge3A_361) %while3A_353 : vector<16xi32>
    } do {
    ^bb0(%while3A_353: vector<16xi32>):
      %ge3A = arith.constant 0 : i32
      %ge3A_354 = vector.broadcast %ge3A : i32 to vector<16xi32>
      %ge3A_355 = arith.cmpi sge, %while3A_353, %ge3A_354 : vector<16xi32>
      %max3A = arith.constant 0 : i32
      %max3A_356 = vector.broadcast %max3A : i32 to vector<16xi32>
      %max3A_357 = arith.maxsi %while3A_353, %max3A_356 : vector<16xi32>
      %add3A_358 = vector.broadcast %mul3A_283 : i32 to vector<16xi32>
      %add3A_359 = arith.addi %add3A_358, %max3A_357 : vector<16xi32>
      %gather3A = tpu.vector_load_idx %arg5[%add3A_359] : memref<8192xi32, #tpu.memory_space<vmem>>[vector<16xi32>], vector<16xi32>,
      %and3A_360 = arith.constant 7 : i32
      %and3A_361 = vector.broadcast %and3A_360 : i32 to vector<16xi32>
      %and3A_362 = arith.andi %gather3A, %and3A_361 : vector<16xi32>
      tpu.vector_store_idx %arg10[%and3A_362, %max3A_357], %get3A_34 masked %ge3A_355 : memref<8x4096xf32, #tpu.memory_space<vmem>>[vector<16xi32>, vector<16xi32>], vector<16xf32>, vector<16xi1>
      %add3A_363 = vector.broadcast %mul3A_283 : i32 to vector<16xi32>
      %add3A_364 = arith.addi %add3A_363, %max3A_357 : vector<16xi32>
      %gather3A_365 = tpu.vector_load_idx %arg8[%add3A_364] : memref<8192xi32, #tpu.memory_space<vmem>>[vector<16xi32>], vector<16xi32>,
      %select_n3A_366 = arith.select %ge3A_355, %gather3A_365, %while3A_353 : vector<16xi1>, vector<16xi32>
      %ge3A_367 = arith.constant 0 : i32
      %ge3A_368 = vector.broadcast %ge3A_367 : i32 to vector<16xi32>
      %ge3A_369 = arith.cmpi sge, %select_n3A_366, %ge3A_368 : vector<16xi32>
      %max3A_370 = arith.constant 0 : i32
      %max3A_371 = vector.broadcast %max3A_370 : i32 to vector<16xi32>
      %max3A_372 = arith.maxsi %select_n3A_366, %max3A_371 : vector<16xi32>
      %add3A_373 = vector.broadcast %mul3A_283 : i32 to vector<16xi32>
      %add3A_374 = arith.addi %add3A_373, %max3A_372 : vector<16xi32>
      %gather3A_375 = tpu.vector_load_idx %arg5[%add3A_374] : memref<8192xi32, #tpu.memory_space<vmem>>[vector<16xi32>], vector<16xi32>,
      %and3A_376 = arith.constant 7 : i32
      %and3A_377 = vector.broadcast %and3A_376 : i32 to vector<16xi32>
      %and3A_378 = arith.andi %gather3A_375, %and3A_377 : vector<16xi32>
      tpu.vector_store_idx %arg10[%and3A_378, %max3A_372], %get3A_34 masked %ge3A_369 : memref<8x4096xf32, #tpu.memory_space<vmem>>[vector<16xi32>, vector<16xi32>], vector<16xf32>, vector<16xi1>
      %add3A_379 = vector.broadcast %mul3A_283 : i32 to vector<16xi32>
      %add3A_380 = arith.addi %add3A_379, %max3A_372 : vector<16xi32>
      %gather3A_381 = tpu.vector_load_idx %arg8[%add3A_380] : memref<8192xi32, #tpu.memory_space<vmem>>[vector<16xi32>], vector<16xi32>,
      %select_n3A_382 = arith.select %ge3A_369, %gather3A_381, %select_n3A_366 : vector<16xi1>, vector<16xi32>
      scf.yield %select_n3A_382 : vector<16xi32>
    }
    %add3A_292 = arith.constant 1 : i32
    %add3A_293 = arith.addi %select_n3A_12, %add3A_292 : i32
    %jit3A_294 = arith.constant 125 : i32
    %div3A_295 = arith.divsi %add3A_293, %jit3A_294 : i32
    %sign3A_296 = arith.constant 0 : i32
    %sign3A_297 = arith.cmpi sgt, %add3A_293, %sign3A_296 : i32
    %sign3A_298 = arith.extui %sign3A_297 : i1 to i32
    %sign3A_299 = arith.constant 0 : i32
    %sign3A_300 = arith.cmpi slt, %add3A_293, %sign3A_299 : i32
    %sign3A_301 = arith.extui %sign3A_300 : i1 to i32
    %sign3A_302 = arith.subi %sign3A_298, %sign3A_301 : i32
    %sign3A_303 = arith.constant 0 : i32
    %sign3A_304 = arith.cmpi sgt, %jit3A_294, %sign3A_303 : i32
    %sign3A_305 = arith.extui %sign3A_304 : i1 to i32
    %sign3A_306 = arith.constant 0 : i32
    %sign3A_307 = arith.cmpi slt, %jit3A_294, %sign3A_306 : i32
    %sign3A_308 = arith.extui %sign3A_307 : i1 to i32
    %sign3A_309 = arith.subi %sign3A_305, %sign3A_308 : i32
    %ne3A_310 = arith.cmpi ne, %sign3A_302, %sign3A_309 : i32
    %rem3A_311 = arith.remsi %add3A_293, %jit3A_294 : i32
    %ne3A_312 = arith.constant 0 : i32
    %ne3A_313 = arith.cmpi ne, %rem3A_311, %ne3A_312 : i32
    %and3A_314 = arith.andi %ne3A_310, %ne3A_313 : i1
    %sub3A_315 = arith.constant 1 : i32
    %sub3A_316 = arith.subi %div3A_295, %sub3A_315 : i32
    %select_n3A_317 = arith.select %and3A_314, %sub3A_316, %div3A_295 : i32
    %mul3A_318 = arith.constant 125 : i32
    %mul3A_319 = arith.muli %select_n3A_317, %mul3A_318 : i32
    %sub3A_320 = arith.subi %add3A_293, %mul3A_319 : i32
    %mul3A_321 = arith.constant 8 : i32
    %mul3A_322 = arith.muli %sub3A_320, %mul3A_321 : i32
    %multiple_of3A_323 = tpu.assume_multiple %mul3A_322, 8 : i32
    %dma_start3A_324 = arith.constant 0 : i32
    %dma_start3A_325 = tpu.memref_slice %arg4[%select_n3A_317, %multiple_of3A_323, %dma_start3A_324] : memref<26x1000x4096xf32, #tpu.memory_space<hbm>> -> memref<1x8x4096xf32, #tpu.memory_space<hbm>>
    %dma_start3A_326 = tpu.memref_squeeze %dma_start3A_325 : memref<1x8x4096xf32, #tpu.memory_space<hbm>> -> memref<8x4096xf32, #tpu.memory_space<hbm>>
    %dma_start3A_327 = arith.constant 0 : i32
    %dma_start3A_328 = tpu.memref_slice %arg4[%select_n3A_317, %multiple_of3A_323, %dma_start3A_327] : memref<26x1000x4096xf32, #tpu.memory_space<hbm>> -> memref<1x8x4096xf32, #tpu.memory_space<hbm>>
    %dma_start3A_329 = tpu.memref_squeeze %dma_start3A_328 : memref<1x8x4096xf32, #tpu.memory_space<hbm>> -> memref<8x4096xf32, #tpu.memory_space<hbm>>
    tpu.enqueue_dma source(%arg10 : memref<8x4096xf32, #tpu.memory_space<vmem>>) target(%dma_start3A_329 : memref<8x4096xf32, #tpu.memory_space<hbm>>) target_semaphore(%arg12 : memref<!tpu.dma_semaphore, #tpu.memory_space<semaphore_mem>>)
    %scan3A_330 = arith.constant 0 : i32
    %scan3A_331 = arith.constant 0 : i32
    %scan3A_332 = arith.constant 50 : i32
    %scan3A_333 = arith.addi %scan3A_331, %scan3A_332 : i32
    %scan3A_334 = arith.constant 1 : i32
    scf.for %scan3A_353 = %scan3A_331 to %scan3A_333 step %scan3A_334  : i32 {
      %mul3A_354 = arith.constant 2 : i32
      %mul3A_355 = arith.muli %scan3A_353, %mul3A_354 : i32
      %add3A_356 = arith.constant 2 : i32
      %add3A_357 = arith.addi %add3A_356, %mul3A_355 : i32
      %add3A_358 = arith.constant 0 : i32
      %add3A_359 = arith.addi %add3A_357, %add3A_358 : i32
      %lt3A_360 = arith.cmpi slt, %add3A_359, %select_n3A : i32
      %convert_element_type3A_361 = arith.extui %lt3A_360 : i1 to i32
      %cond3A_362 = arith.constant 0 : i32
      %cond3A_363 = arith.cmpi ne, %convert_element_type3A_361, %cond3A_362 : i32
      scf.if %cond3A_363 {
        %dma_wait3A_374 = arith.constant 0 : i32
        %dma_wait3A_375 = arith.constant 0 : i32
        %dma_wait3A_376 = arith.constant 0 : i32
        %dma_wait3A_377 = tpu.memref_slice %arg4[%dma_wait3A_374, %dma_wait3A_375, %dma_wait3A_376] : memref<26x1000x4096xf32, #tpu.memory_space<hbm>> -> memref<1x8x4096xf32, #tpu.memory_space<hbm>>
        %dma_wait3A_378 = tpu.memref_squeeze %dma_wait3A_377 : memref<1x8x4096xf32, #tpu.memory_space<hbm>> -> memref<8x4096xf32, #tpu.memory_space<hbm>>
        %dma_wait3A_379 = arith.constant 0 : i32
        %dma_wait3A_380 = arith.constant 0 : i32
        %dma_wait3A_381 = tpu.memref_slice %arg4[%dma_wait3A_374, %dma_wait3A_379, %dma_wait3A_380] : memref<26x1000x4096xf32, #tpu.memory_space<hbm>> -> memref<1x8x4096xf32, #tpu.memory_space<hbm>>
        %dma_wait3A_382 = tpu.memref_squeeze %dma_wait3A_381 : memref<1x8x4096xf32, #tpu.memory_space<hbm>> -> memref<8x4096xf32, #tpu.memory_space<hbm>>
        tpu.wait_dma2 semaphore(%arg11 : memref<!tpu.dma_semaphore, #tpu.memory_space<semaphore_mem>>) src(%arg9 : memref<8x4096xf32, #tpu.memory_space<vmem>>) dst(%dma_wait3A_382 : memref<8x4096xf32, #tpu.memory_space<hbm>>)
        %add3A_383 = arith.addi %select_n3A_12, %add3A_359 : i32
        %sub3A_384 = arith.constant 2 : i32
        %sub3A_385 = arith.subi %add3A_383, %sub3A_384 : i32
        %jit3A_386 = arith.constant 125 : i32
        %div3A_387 = arith.divsi %sub3A_385, %jit3A_386 : i32
        %sign3A_388 = arith.constant 0 : i32
        %sign3A_389 = arith.cmpi sgt, %sub3A_385, %sign3A_388 : i32
        %sign3A_390 = arith.extui %sign3A_389 : i1 to i32
        %sign3A_391 = arith.constant 0 : i32
        %sign3A_392 = arith.cmpi slt, %sub3A_385, %sign3A_391 : i32
        %sign3A_393 = arith.extui %sign3A_392 : i1 to i32
        %sign3A_394 = arith.subi %sign3A_390, %sign3A_393 : i32
        %sign3A_395 = arith.constant 0 : i32
        %sign3A_396 = arith.cmpi sgt, %jit3A_386, %sign3A_395 : i32
        %sign3A_397 = arith.extui %sign3A_396 : i1 to i32
        %sign3A_398 = arith.constant 0 : i32
        %sign3A_399 = arith.cmpi slt, %jit3A_386, %sign3A_398 : i32
        %sign3A_400 = arith.extui %sign3A_399 : i1 to i32
        %sign3A_401 = arith.subi %sign3A_397, %sign3A_400 : i32
        %ne3A_402 = arith.cmpi ne, %sign3A_394, %sign3A_401 : i32
        %rem3A_403 = arith.remsi %sub3A_385, %jit3A_386 : i32
        %ne3A_404 = arith.constant 0 : i32
        %ne3A_405 = arith.cmpi ne, %rem3A_403, %ne3A_404 : i32
        %and3A_406 = arith.andi %ne3A_402, %ne3A_405 : i1
        %sub3A_407 = arith.constant 1 : i32
        %sub3A_408 = arith.subi %div3A_387, %sub3A_407 : i32
        %select_n3A_409 = arith.select %and3A_406, %sub3A_408, %div3A_387 : i32
        %mul3A_410 = arith.constant 125 : i32
        %mul3A_411 = arith.muli %select_n3A_409, %mul3A_410 : i32
        %sub3A_412 = arith.subi %sub3A_385, %mul3A_411 : i32
        %sub3A_413 = arith.subi %select_n3A_409, %select_n3A_31 : i32
        %mul3A_414 = arith.constant 4096 : i32
        %mul3A_415 = arith.muli %sub3A_413, %mul3A_414 : i32
        %mul3A_416 = arith.constant 128 : i32
        %mul3A_417 = arith.muli %sub3A_413, %mul3A_416 : i32
        %add3A_418 = arith.addi %mul3A_417, %sub3A_412 : i32
        %mul3A_419 = arith.constant 16 : i32
        %mul3A_420 = arith.muli %add3A_418, %mul3A_419 : i32
        %get3A_421 = arith.index_cast %mul3A_420 : i32 to index
        %get3A_422 = tpu.vector_load %arg7[%get3A_421] {strides = array<i32>} : memref<4096xi32, #tpu.memory_space<vmem>>, vector<16xi32>,
        %while3A_423 = scf.while (%while3A_500 = %get3A_422) : (vector<16xi32>) -> vector<16xi32> {
          %reduce_max3A = arith.constant true
          %reduce_max3A_501 = vector.broadcast %reduce_max3A : i1 to vector<16xi1>
          %reduce_max3A_502 = arith.constant -2147483648 : i32
          %reduce_max3A_503 = vector.broadcast %reduce_max3A_502 : i32 to vector<16xi32>
          %reduce_max3A_504 = arith.xori %while3A_500, %reduce_max3A_503 : vector<16xi32>
          %reduce_max3A_505 = tpu.scan <max>, %reduce_max3A_504 masked %reduce_max3A_501 : vector<16xi32>, vector<16xi1> -> vector<16xi32>
          %reduce_max3A_506 = arith.xori %reduce_max3A_505, %reduce_max3A_503 : vector<16xi32>
          %reduce_max3A_507 = vector.extract %reduce_max3A_506[15] : i32 from vector<16xi32>
          %ge3A = arith.constant 0 : i32
          %ge3A_508 = arith.cmpi sge, %reduce_max3A_507, %ge3A : i32
          scf.condition(%ge3A_508) %while3A_500 : vector<16xi32>
        } do {
        ^bb0(%while3A_500: vector<16xi32>):
          %ge3A = arith.constant 0 : i32
          %ge3A_501 = vector.broadcast %ge3A : i32 to vector<16xi32>
          %ge3A_502 = arith.cmpi sge, %while3A_500, %ge3A_501 : vector<16xi32>
          %max3A = arith.constant 0 : i32
          %max3A_503 = vector.broadcast %max3A : i32 to vector<16xi32>
          %max3A_504 = arith.maxsi %while3A_500, %max3A_503 : vector<16xi32>
          %add3A_505 = vector.broadcast %mul3A_415 : i32 to vector<16xi32>
          %add3A_506 = arith.addi %add3A_505, %max3A_504 : vector<16xi32>
          %gather3A = tpu.vector_load_idx %arg5[%add3A_506] : memref<8192xi32, #tpu.memory_space<vmem>>[vector<16xi32>], vector<16xi32>,
          %and3A_507 = arith.constant 7 : i32
          %and3A_508 = vector.broadcast %and3A_507 : i32 to vector<16xi32>
          %and3A_509 = arith.andi %gather3A, %and3A_508 : vector<16xi32>
          tpu.vector_store_idx %arg9[%and3A_509, %max3A_504], %get3A_36 masked %ge3A_502 : memref<8x4096xf32, #tpu.memory_space<vmem>>[vector<16xi32>, vector<16xi32>], vector<16xf32>, vector<16xi1>
          %add3A_510 = vector.broadcast %mul3A_415 : i32 to vector<16xi32>
          %add3A_511 = arith.addi %add3A_510, %max3A_504 : vector<16xi32>
          %gather3A_512 = tpu.vector_load_idx %arg8[%add3A_511] : memref<8192xi32, #tpu.memory_space<vmem>>[vector<16xi32>], vector<16xi32>,
          %select_n3A_513 = arith.select %ge3A_502, %gather3A_512, %while3A_500 : vector<16xi1>, vector<16xi32>
          %ge3A_514 = arith.constant 0 : i32
          %ge3A_515 = vector.broadcast %ge3A_514 : i32 to vector<16xi32>
          %ge3A_516 = arith.cmpi sge, %select_n3A_513, %ge3A_515 : vector<16xi32>
          %max3A_517 = arith.constant 0 : i32
          %max3A_518 = vector.broadcast %max3A_517 : i32 to vector<16xi32>
          %max3A_519 = arith.maxsi %select_n3A_513, %max3A_518 : vector<16xi32>
          %add3A_520 = vector.broadcast %mul3A_415 : i32 to vector<16xi32>
          %add3A_521 = arith.addi %add3A_520, %max3A_519 : vector<16xi32>
          %gather3A_522 = tpu.vector_load_idx %arg5[%add3A_521] : memref<8192xi32, #tpu.memory_space<vmem>>[vector<16xi32>], vector<16xi32>,
          %and3A_523 = arith.constant 7 : i32
          %and3A_524 = vector.broadcast %and3A_523 : i32 to vector<16xi32>
          %and3A_525 = arith.andi %gather3A_522, %and3A_524 : vector<16xi32>
          tpu.vector_store_idx %arg9[%and3A_525, %max3A_519], %get3A_36 masked %ge3A_516 : memref<8x4096xf32, #tpu.memory_space<vmem>>[vector<16xi32>, vector<16xi32>], vector<16xf32>, vector<16xi1>
          %add3A_526 = vector.broadcast %mul3A_415 : i32 to vector<16xi32>
          %add3A_527 = arith.addi %add3A_526, %max3A_519 : vector<16xi32>
          %gather3A_528 = tpu.vector_load_idx %arg8[%add3A_527] : memref<8192xi32, #tpu.memory_space<vmem>>[vector<16xi32>], vector<16xi32>,
          %select_n3A_529 = arith.select %ge3A_516, %gather3A_528, %select_n3A_513 : vector<16xi1>, vector<16xi32>
          scf.yield %select_n3A_529 : vector<16xi32>
        }
        %add3A_424 = arith.addi %select_n3A_12, %add3A_359 : i32
        %jit3A_425 = arith.constant 125 : i32
        %div3A_426 = arith.divsi %add3A_424, %jit3A_425 : i32
        %sign3A_427 = arith.constant 0 : i32
        %sign3A_428 = arith.cmpi sgt, %add3A_424, %sign3A_427 : i32
        %sign3A_429 = arith.extui %sign3A_428 : i1 to i32
        %sign3A_430 = arith.constant 0 : i32
        %sign3A_431 = arith.cmpi slt, %add3A_424, %sign3A_430 : i32
        %sign3A_432 = arith.extui %sign3A_431 : i1 to i32
        %sign3A_433 = arith.subi %sign3A_429, %sign3A_432 : i32
        %sign3A_434 = arith.constant 0 : i32
        %sign3A_435 = arith.cmpi sgt, %jit3A_425, %sign3A_434 : i32
        %sign3A_436 = arith.extui %sign3A_435 : i1 to i32
        %sign3A_437 = arith.constant 0 : i32
        %sign3A_438 = arith.cmpi slt, %jit3A_425, %sign3A_437 : i32
        %sign3A_439 = arith.extui %sign3A_438 : i1 to i32
        %sign3A_440 = arith.subi %sign3A_436, %sign3A_439 : i32
        %ne3A_441 = arith.cmpi ne, %sign3A_433, %sign3A_440 : i32
        %rem3A_442 = arith.remsi %add3A_424, %jit3A_425 : i32
        %ne3A_443 = arith.constant 0 : i32
        %ne3A_444 = arith.cmpi ne, %rem3A_442, %ne3A_443 : i32
        %and3A_445 = arith.andi %ne3A_441, %ne3A_444 : i1
        %sub3A_446 = arith.constant 1 : i32
        %sub3A_447 = arith.subi %div3A_426, %sub3A_446 : i32
        %select_n3A_448 = arith.select %and3A_445, %sub3A_447, %div3A_426 : i32
        %mul3A_449 = arith.constant 125 : i32
        %mul3A_450 = arith.muli %select_n3A_448, %mul3A_449 : i32
        %sub3A_451 = arith.subi %add3A_424, %mul3A_450 : i32
        %sub3A_452 = arith.subi %select_n3A_448, %select_n3A_31 : i32
        %mul3A_453 = arith.constant 4096 : i32
        %mul3A_454 = arith.muli %sub3A_452, %mul3A_453 : i32
        %mul3A_455 = arith.constant 128 : i32
        %mul3A_456 = arith.muli %sub3A_452, %mul3A_455 : i32
        %add3A_457 = arith.addi %mul3A_456, %sub3A_451 : i32
        %mul3A_458 = arith.constant 16 : i32
        %mul3A_459 = arith.muli %add3A_457, %mul3A_458 : i32
        %get3A_460 = arith.index_cast %mul3A_459 : i32 to index
        %get3A_461 = tpu.vector_load %arg7[%get3A_460] {strides = array<i32>} : memref<4096xi32, #tpu.memory_space<vmem>>, vector<16xi32>,
        %while3A_462 = scf.while (%while3A_500 = %get3A_461) : (vector<16xi32>) -> vector<16xi32> {
          %reduce_max3A = arith.constant true
          %reduce_max3A_501 = vector.broadcast %reduce_max3A : i1 to vector<16xi1>
          %reduce_max3A_502 = arith.constant -2147483648 : i32
          %reduce_max3A_503 = vector.broadcast %reduce_max3A_502 : i32 to vector<16xi32>
          %reduce_max3A_504 = arith.xori %while3A_500, %reduce_max3A_503 : vector<16xi32>
          %reduce_max3A_505 = tpu.scan <max>, %reduce_max3A_504 masked %reduce_max3A_501 : vector<16xi32>, vector<16xi1> -> vector<16xi32>
          %reduce_max3A_506 = arith.xori %reduce_max3A_505, %reduce_max3A_503 : vector<16xi32>
          %reduce_max3A_507 = vector.extract %reduce_max3A_506[15] : i32 from vector<16xi32>
          %ge3A = arith.constant 0 : i32
          %ge3A_508 = arith.cmpi sge, %reduce_max3A_507, %ge3A : i32
          scf.condition(%ge3A_508) %while3A_500 : vector<16xi32>
        } do {
        ^bb0(%while3A_500: vector<16xi32>):
          %ge3A = arith.constant 0 : i32
          %ge3A_501 = vector.broadcast %ge3A : i32 to vector<16xi32>
          %ge3A_502 = arith.cmpi sge, %while3A_500, %ge3A_501 : vector<16xi32>
          %max3A = arith.constant 0 : i32
          %max3A_503 = vector.broadcast %max3A : i32 to vector<16xi32>
          %max3A_504 = arith.maxsi %while3A_500, %max3A_503 : vector<16xi32>
          %add3A_505 = vector.broadcast %mul3A_454 : i32 to vector<16xi32>
          %add3A_506 = arith.addi %add3A_505, %max3A_504 : vector<16xi32>
          %gather3A = tpu.vector_load_idx %arg5[%add3A_506] : memref<8192xi32, #tpu.memory_space<vmem>>[vector<16xi32>], vector<16xi32>,
          %and3A_507 = arith.constant 7 : i32
          %and3A_508 = vector.broadcast %and3A_507 : i32 to vector<16xi32>
          %and3A_509 = arith.andi %gather3A, %and3A_508 : vector<16xi32>
          tpu.vector_store_idx %arg9[%and3A_509, %max3A_504], %get3A_34 masked %ge3A_502 : memref<8x4096xf32, #tpu.memory_space<vmem>>[vector<16xi32>, vector<16xi32>], vector<16xf32>, vector<16xi1>
          %add3A_510 = vector.broadcast %mul3A_454 : i32 to vector<16xi32>
          %add3A_511 = arith.addi %add3A_510, %max3A_504 : vector<16xi32>
          %gather3A_512 = tpu.vector_load_idx %arg8[%add3A_511] : memref<8192xi32, #tpu.memory_space<vmem>>[vector<16xi32>], vector<16xi32>,
          %select_n3A_513 = arith.select %ge3A_502, %gather3A_512, %while3A_500 : vector<16xi1>, vector<16xi32>
          %ge3A_514 = arith.constant 0 : i32
          %ge3A_515 = vector.broadcast %ge3A_514 : i32 to vector<16xi32>
          %ge3A_516 = arith.cmpi sge, %select_n3A_513, %ge3A_515 : vector<16xi32>
          %max3A_517 = arith.constant 0 : i32
          %max3A_518 = vector.broadcast %max3A_517 : i32 to vector<16xi32>
          %max3A_519 = arith.maxsi %select_n3A_513, %max3A_518 : vector<16xi32>
          %add3A_520 = vector.broadcast %mul3A_454 : i32 to vector<16xi32>
          %add3A_521 = arith.addi %add3A_520, %max3A_519 : vector<16xi32>
          %gather3A_522 = tpu.vector_load_idx %arg5[%add3A_521] : memref<8192xi32, #tpu.memory_space<vmem>>[vector<16xi32>], vector<16xi32>,
          %and3A_523 = arith.constant 7 : i32
          %and3A_524 = vector.broadcast %and3A_523 : i32 to vector<16xi32>
          %and3A_525 = arith.andi %gather3A_522, %and3A_524 : vector<16xi32>
          tpu.vector_store_idx %arg9[%and3A_525, %max3A_519], %get3A_34 masked %ge3A_516 : memref<8x4096xf32, #tpu.memory_space<vmem>>[vector<16xi32>, vector<16xi32>], vector<16xf32>, vector<16xi1>
          %add3A_526 = vector.broadcast %mul3A_454 : i32 to vector<16xi32>
          %add3A_527 = arith.addi %add3A_526, %max3A_519 : vector<16xi32>
          %gather3A_528 = tpu.vector_load_idx %arg8[%add3A_527] : memref<8192xi32, #tpu.memory_space<vmem>>[vector<16xi32>], vector<16xi32>,
          %select_n3A_529 = arith.select %ge3A_516, %gather3A_528, %select_n3A_513 : vector<16xi1>, vector<16xi32>
          scf.yield %select_n3A_529 : vector<16xi32>
        }
        %add3A_463 = arith.addi %select_n3A_12, %add3A_359 : i32
        %jit3A_464 = arith.constant 125 : i32
        %div3A_465 = arith.divsi %add3A_463, %jit3A_464 : i32
        %sign3A_466 = arith.constant 0 : i32
        %sign3A_467 = arith.cmpi sgt, %add3A_463, %sign3A_466 : i32
        %sign3A_468 = arith.extui %sign3A_467 : i1 to i32
        %sign3A_469 = arith.constant 0 : i32
        %sign3A_470 = arith.cmpi slt, %add3A_463, %sign3A_469 : i32
        %sign3A_471 = arith.extui %sign3A_470 : i1 to i32
        %sign3A_472 = arith.subi %sign3A_468, %sign3A_471 : i32
        %sign3A_473 = arith.constant 0 : i32
        %sign3A_474 = arith.cmpi sgt, %jit3A_464, %sign3A_473 : i32
        %sign3A_475 = arith.extui %sign3A_474 : i1 to i32
        %sign3A_476 = arith.constant 0 : i32
        %sign3A_477 = arith.cmpi slt, %jit3A_464, %sign3A_476 : i32
        %sign3A_478 = arith.extui %sign3A_477 : i1 to i32
        %sign3A_479 = arith.subi %sign3A_475, %sign3A_478 : i32
        %ne3A_480 = arith.cmpi ne, %sign3A_472, %sign3A_479 : i32
        %rem3A_481 = arith.remsi %add3A_463, %jit3A_464 : i32
        %ne3A_482 = arith.constant 0 : i32
        %ne3A_483 = arith.cmpi ne, %rem3A_481, %ne3A_482 : i32
        %and3A_484 = arith.andi %ne3A_480, %ne3A_483 : i1
        %sub3A_485 = arith.constant 1 : i32
        %sub3A_486 = arith.subi %div3A_465, %sub3A_485 : i32
        %select_n3A_487 = arith.select %and3A_484, %sub3A_486, %div3A_465 : i32
        %mul3A_488 = arith.constant 125 : i32
        %mul3A_489 = arith.muli %select_n3A_487, %mul3A_488 : i32
        %sub3A_490 = arith.subi %add3A_463, %mul3A_489 : i32
        %mul3A_491 = arith.constant 8 : i32
        %mul3A_492 = arith.muli %sub3A_490, %mul3A_491 : i32
        %multiple_of3A_493 = tpu.assume_multiple %mul3A_492, 8 : i32
        %dma_start3A_494 = arith.constant 0 : i32
        %dma_start3A_495 = tpu.memref_slice %arg4[%select_n3A_487, %multiple_of3A_493, %dma_start3A_494] : memref<26x1000x4096xf32, #tpu.memory_space<hbm>> -> memref<1x8x4096xf32, #tpu.memory_space<hbm>>
        %dma_start3A_496 = tpu.memref_squeeze %dma_start3A_495 : memref<1x8x4096xf32, #tpu.memory_space<hbm>> -> memref<8x4096xf32, #tpu.memory_space<hbm>>
        %dma_start3A_497 = arith.constant 0 : i32
        %dma_start3A_498 = tpu.memref_slice %arg4[%select_n3A_487, %multiple_of3A_493, %dma_start3A_497] : memref<26x1000x4096xf32, #tpu.memory_space<hbm>> -> memref<1x8x4096xf32, #tpu.memory_space<hbm>>
        %dma_start3A_499 = tpu.memref_squeeze %dma_start3A_498 : memref<1x8x4096xf32, #tpu.memory_space<hbm>> -> memref<8x4096xf32, #tpu.memory_space<hbm>>
        tpu.enqueue_dma source(%arg9 : memref<8x4096xf32, #tpu.memory_space<vmem>>) target(%dma_start3A_499 : memref<8x4096xf32, #tpu.memory_space<hbm>>) target_semaphore(%arg11 : memref<!tpu.dma_semaphore, #tpu.memory_space<semaphore_mem>>)
      } else {
      }
      %mul3A_364 = arith.constant 2 : i32
      %mul3A_365 = arith.muli %scan3A_353, %mul3A_364 : i32
      %add3A_366 = arith.constant 2 : i32
      %add3A_367 = arith.addi %add3A_366, %mul3A_365 : i32
      %add3A_368 = arith.constant 1 : i32
      %add3A_369 = arith.addi %add3A_367, %add3A_368 : i32
      %lt3A_370 = arith.cmpi slt, %add3A_369, %select_n3A : i32
      %convert_element_type3A_371 = arith.extui %lt3A_370 : i1 to i32
      %cond3A_372 = arith.constant 0 : i32
      %cond3A_373 = arith.cmpi ne, %convert_element_type3A_371, %cond3A_372 : i32
      scf.if %cond3A_373 {
        %dma_wait3A_374 = arith.constant 0 : i32
        %dma_wait3A_375 = arith.constant 0 : i32
        %dma_wait3A_376 = arith.constant 0 : i32
        %dma_wait3A_377 = tpu.memref_slice %arg4[%dma_wait3A_374, %dma_wait3A_375, %dma_wait3A_376] : memref<26x1000x4096xf32, #tpu.memory_space<hbm>> -> memref<1x8x4096xf32, #tpu.memory_space<hbm>>
        %dma_wait3A_378 = tpu.memref_squeeze %dma_wait3A_377 : memref<1x8x4096xf32, #tpu.memory_space<hbm>> -> memref<8x4096xf32, #tpu.memory_space<hbm>>
        %dma_wait3A_379 = arith.constant 0 : i32
        %dma_wait3A_380 = arith.constant 0 : i32
        %dma_wait3A_381 = tpu.memref_slice %arg4[%dma_wait3A_374, %dma_wait3A_379, %dma_wait3A_380] : memref<26x1000x4096xf32, #tpu.memory_space<hbm>> -> memref<1x8x4096xf32, #tpu.memory_space<hbm>>
        %dma_wait3A_382 = tpu.memref_squeeze %dma_wait3A_381 : memref<1x8x4096xf32, #tpu.memory_space<hbm>> -> memref<8x4096xf32, #tpu.memory_space<hbm>>
        tpu.wait_dma2 semaphore(%arg12 : memref<!tpu.dma_semaphore, #tpu.memory_space<semaphore_mem>>) src(%arg10 : memref<8x4096xf32, #tpu.memory_space<vmem>>) dst(%dma_wait3A_382 : memref<8x4096xf32, #tpu.memory_space<hbm>>)
        %add3A_383 = arith.addi %select_n3A_12, %add3A_369 : i32
        %sub3A_384 = arith.constant 2 : i32
        %sub3A_385 = arith.subi %add3A_383, %sub3A_384 : i32
        %jit3A_386 = arith.constant 125 : i32
        %div3A_387 = arith.divsi %sub3A_385, %jit3A_386 : i32
        %sign3A_388 = arith.constant 0 : i32
        %sign3A_389 = arith.cmpi sgt, %sub3A_385, %sign3A_388 : i32
        %sign3A_390 = arith.extui %sign3A_389 : i1 to i32
        %sign3A_391 = arith.constant 0 : i32
        %sign3A_392 = arith.cmpi slt, %sub3A_385, %sign3A_391 : i32
        %sign3A_393 = arith.extui %sign3A_392 : i1 to i32
        %sign3A_394 = arith.subi %sign3A_390, %sign3A_393 : i32
        %sign3A_395 = arith.constant 0 : i32
        %sign3A_396 = arith.cmpi sgt, %jit3A_386, %sign3A_395 : i32
        %sign3A_397 = arith.extui %sign3A_396 : i1 to i32
        %sign3A_398 = arith.constant 0 : i32
        %sign3A_399 = arith.cmpi slt, %jit3A_386, %sign3A_398 : i32
        %sign3A_400 = arith.extui %sign3A_399 : i1 to i32
        %sign3A_401 = arith.subi %sign3A_397, %sign3A_400 : i32
        %ne3A_402 = arith.cmpi ne, %sign3A_394, %sign3A_401 : i32
        %rem3A_403 = arith.remsi %sub3A_385, %jit3A_386 : i32
        %ne3A_404 = arith.constant 0 : i32
        %ne3A_405 = arith.cmpi ne, %rem3A_403, %ne3A_404 : i32
        %and3A_406 = arith.andi %ne3A_402, %ne3A_405 : i1
        %sub3A_407 = arith.constant 1 : i32
        %sub3A_408 = arith.subi %div3A_387, %sub3A_407 : i32
        %select_n3A_409 = arith.select %and3A_406, %sub3A_408, %div3A_387 : i32
        %mul3A_410 = arith.constant 125 : i32
        %mul3A_411 = arith.muli %select_n3A_409, %mul3A_410 : i32
        %sub3A_412 = arith.subi %sub3A_385, %mul3A_411 : i32
        %sub3A_413 = arith.subi %select_n3A_409, %select_n3A_31 : i32
        %mul3A_414 = arith.constant 4096 : i32
        %mul3A_415 = arith.muli %sub3A_413, %mul3A_414 : i32
        %mul3A_416 = arith.constant 128 : i32
        %mul3A_417 = arith.muli %sub3A_413, %mul3A_416 : i32
        %add3A_418 = arith.addi %mul3A_417, %sub3A_412 : i32
        %mul3A_419 = arith.constant 16 : i32
        %mul3A_420 = arith.muli %add3A_418, %mul3A_419 : i32
        %get3A_421 = arith.index_cast %mul3A_420 : i32 to index
        %get3A_422 = tpu.vector_load %arg7[%get3A_421] {strides = array<i32>} : memref<4096xi32, #tpu.memory_space<vmem>>, vector<16xi32>,
        %while3A_423 = scf.while (%while3A_500 = %get3A_422) : (vector<16xi32>) -> vector<16xi32> {
          %reduce_max3A = arith.constant true
          %reduce_max3A_501 = vector.broadcast %reduce_max3A : i1 to vector<16xi1>
          %reduce_max3A_502 = arith.constant -2147483648 : i32
          %reduce_max3A_503 = vector.broadcast %reduce_max3A_502 : i32 to vector<16xi32>
          %reduce_max3A_504 = arith.xori %while3A_500, %reduce_max3A_503 : vector<16xi32>
          %reduce_max3A_505 = tpu.scan <max>, %reduce_max3A_504 masked %reduce_max3A_501 : vector<16xi32>, vector<16xi1> -> vector<16xi32>
          %reduce_max3A_506 = arith.xori %reduce_max3A_505, %reduce_max3A_503 : vector<16xi32>
          %reduce_max3A_507 = vector.extract %reduce_max3A_506[15] : i32 from vector<16xi32>
          %ge3A = arith.constant 0 : i32
          %ge3A_508 = arith.cmpi sge, %reduce_max3A_507, %ge3A : i32
          scf.condition(%ge3A_508) %while3A_500 : vector<16xi32>
        } do {
        ^bb0(%while3A_500: vector<16xi32>):
          %ge3A = arith.constant 0 : i32
          %ge3A_501 = vector.broadcast %ge3A : i32 to vector<16xi32>
          %ge3A_502 = arith.cmpi sge, %while3A_500, %ge3A_501 : vector<16xi32>
          %max3A = arith.constant 0 : i32
          %max3A_503 = vector.broadcast %max3A : i32 to vector<16xi32>
          %max3A_504 = arith.maxsi %while3A_500, %max3A_503 : vector<16xi32>
          %add3A_505 = vector.broadcast %mul3A_415 : i32 to vector<16xi32>
          %add3A_506 = arith.addi %add3A_505, %max3A_504 : vector<16xi32>
          %gather3A = tpu.vector_load_idx %arg5[%add3A_506] : memref<8192xi32, #tpu.memory_space<vmem>>[vector<16xi32>], vector<16xi32>,
          %and3A_507 = arith.constant 7 : i32
          %and3A_508 = vector.broadcast %and3A_507 : i32 to vector<16xi32>
          %and3A_509 = arith.andi %gather3A, %and3A_508 : vector<16xi32>
          tpu.vector_store_idx %arg10[%and3A_509, %max3A_504], %get3A_36 masked %ge3A_502 : memref<8x4096xf32, #tpu.memory_space<vmem>>[vector<16xi32>, vector<16xi32>], vector<16xf32>, vector<16xi1>
          %add3A_510 = vector.broadcast %mul3A_415 : i32 to vector<16xi32>
          %add3A_511 = arith.addi %add3A_510, %max3A_504 : vector<16xi32>
          %gather3A_512 = tpu.vector_load_idx %arg8[%add3A_511] : memref<8192xi32, #tpu.memory_space<vmem>>[vector<16xi32>], vector<16xi32>,
          %select_n3A_513 = arith.select %ge3A_502, %gather3A_512, %while3A_500 : vector<16xi1>, vector<16xi32>
          %ge3A_514 = arith.constant 0 : i32
          %ge3A_515 = vector.broadcast %ge3A_514 : i32 to vector<16xi32>
          %ge3A_516 = arith.cmpi sge, %select_n3A_513, %ge3A_515 : vector<16xi32>
          %max3A_517 = arith.constant 0 : i32
          %max3A_518 = vector.broadcast %max3A_517 : i32 to vector<16xi32>
          %max3A_519 = arith.maxsi %select_n3A_513, %max3A_518 : vector<16xi32>
          %add3A_520 = vector.broadcast %mul3A_415 : i32 to vector<16xi32>
          %add3A_521 = arith.addi %add3A_520, %max3A_519 : vector<16xi32>
          %gather3A_522 = tpu.vector_load_idx %arg5[%add3A_521] : memref<8192xi32, #tpu.memory_space<vmem>>[vector<16xi32>], vector<16xi32>,
          %and3A_523 = arith.constant 7 : i32
          %and3A_524 = vector.broadcast %and3A_523 : i32 to vector<16xi32>
          %and3A_525 = arith.andi %gather3A_522, %and3A_524 : vector<16xi32>
          tpu.vector_store_idx %arg10[%and3A_525, %max3A_519], %get3A_36 masked %ge3A_516 : memref<8x4096xf32, #tpu.memory_space<vmem>>[vector<16xi32>, vector<16xi32>], vector<16xf32>, vector<16xi1>
          %add3A_526 = vector.broadcast %mul3A_415 : i32 to vector<16xi32>
          %add3A_527 = arith.addi %add3A_526, %max3A_519 : vector<16xi32>
          %gather3A_528 = tpu.vector_load_idx %arg8[%add3A_527] : memref<8192xi32, #tpu.memory_space<vmem>>[vector<16xi32>], vector<16xi32>,
          %select_n3A_529 = arith.select %ge3A_516, %gather3A_528, %select_n3A_513 : vector<16xi1>, vector<16xi32>
          scf.yield %select_n3A_529 : vector<16xi32>
        }
        %add3A_424 = arith.addi %select_n3A_12, %add3A_369 : i32
        %jit3A_425 = arith.constant 125 : i32
        %div3A_426 = arith.divsi %add3A_424, %jit3A_425 : i32
        %sign3A_427 = arith.constant 0 : i32
        %sign3A_428 = arith.cmpi sgt, %add3A_424, %sign3A_427 : i32
        %sign3A_429 = arith.extui %sign3A_428 : i1 to i32
        %sign3A_430 = arith.constant 0 : i32
        %sign3A_431 = arith.cmpi slt, %add3A_424, %sign3A_430 : i32
        %sign3A_432 = arith.extui %sign3A_431 : i1 to i32
        %sign3A_433 = arith.subi %sign3A_429, %sign3A_432 : i32
        %sign3A_434 = arith.constant 0 : i32
        %sign3A_435 = arith.cmpi sgt, %jit3A_425, %sign3A_434 : i32
        %sign3A_436 = arith.extui %sign3A_435 : i1 to i32
        %sign3A_437 = arith.constant 0 : i32
        %sign3A_438 = arith.cmpi slt, %jit3A_425, %sign3A_437 : i32
        %sign3A_439 = arith.extui %sign3A_438 : i1 to i32
        %sign3A_440 = arith.subi %sign3A_436, %sign3A_439 : i32
        %ne3A_441 = arith.cmpi ne, %sign3A_433, %sign3A_440 : i32
        %rem3A_442 = arith.remsi %add3A_424, %jit3A_425 : i32
        %ne3A_443 = arith.constant 0 : i32
        %ne3A_444 = arith.cmpi ne, %rem3A_442, %ne3A_443 : i32
        %and3A_445 = arith.andi %ne3A_441, %ne3A_444 : i1
        %sub3A_446 = arith.constant 1 : i32
        %sub3A_447 = arith.subi %div3A_426, %sub3A_446 : i32
        %select_n3A_448 = arith.select %and3A_445, %sub3A_447, %div3A_426 : i32
        %mul3A_449 = arith.constant 125 : i32
        %mul3A_450 = arith.muli %select_n3A_448, %mul3A_449 : i32
        %sub3A_451 = arith.subi %add3A_424, %mul3A_450 : i32
        %sub3A_452 = arith.subi %select_n3A_448, %select_n3A_31 : i32
        %mul3A_453 = arith.constant 4096 : i32
        %mul3A_454 = arith.muli %sub3A_452, %mul3A_453 : i32
        %mul3A_455 = arith.constant 128 : i32
        %mul3A_456 = arith.muli %sub3A_452, %mul3A_455 : i32
        %add3A_457 = arith.addi %mul3A_456, %sub3A_451 : i32
        %mul3A_458 = arith.constant 16 : i32
        %mul3A_459 = arith.muli %add3A_457, %mul3A_458 : i32
        %get3A_460 = arith.index_cast %mul3A_459 : i32 to index
        %get3A_461 = tpu.vector_load %arg7[%get3A_460] {strides = array<i32>} : memref<4096xi32, #tpu.memory_space<vmem>>, vector<16xi32>,
        %while3A_462 = scf.while (%while3A_500 = %get3A_461) : (vector<16xi32>) -> vector<16xi32> {
          %reduce_max3A = arith.constant true
          %reduce_max3A_501 = vector.broadcast %reduce_max3A : i1 to vector<16xi1>
          %reduce_max3A_502 = arith.constant -2147483648 : i32
          %reduce_max3A_503 = vector.broadcast %reduce_max3A_502 : i32 to vector<16xi32>
          %reduce_max3A_504 = arith.xori %while3A_500, %reduce_max3A_503 : vector<16xi32>
          %reduce_max3A_505 = tpu.scan <max>, %reduce_max3A_504 masked %reduce_max3A_501 : vector<16xi32>, vector<16xi1> -> vector<16xi32>
          %reduce_max3A_506 = arith.xori %reduce_max3A_505, %reduce_max3A_503 : vector<16xi32>
          %reduce_max3A_507 = vector.extract %reduce_max3A_506[15] : i32 from vector<16xi32>
          %ge3A = arith.constant 0 : i32
          %ge3A_508 = arith.cmpi sge, %reduce_max3A_507, %ge3A : i32
          scf.condition(%ge3A_508) %while3A_500 : vector<16xi32>
        } do {
        ^bb0(%while3A_500: vector<16xi32>):
          %ge3A = arith.constant 0 : i32
          %ge3A_501 = vector.broadcast %ge3A : i32 to vector<16xi32>
          %ge3A_502 = arith.cmpi sge, %while3A_500, %ge3A_501 : vector<16xi32>
          %max3A = arith.constant 0 : i32
          %max3A_503 = vector.broadcast %max3A : i32 to vector<16xi32>
          %max3A_504 = arith.maxsi %while3A_500, %max3A_503 : vector<16xi32>
          %add3A_505 = vector.broadcast %mul3A_454 : i32 to vector<16xi32>
          %add3A_506 = arith.addi %add3A_505, %max3A_504 : vector<16xi32>
          %gather3A = tpu.vector_load_idx %arg5[%add3A_506] : memref<8192xi32, #tpu.memory_space<vmem>>[vector<16xi32>], vector<16xi32>,
          %and3A_507 = arith.constant 7 : i32
          %and3A_508 = vector.broadcast %and3A_507 : i32 to vector<16xi32>
          %and3A_509 = arith.andi %gather3A, %and3A_508 : vector<16xi32>
          tpu.vector_store_idx %arg10[%and3A_509, %max3A_504], %get3A_34 masked %ge3A_502 : memref<8x4096xf32, #tpu.memory_space<vmem>>[vector<16xi32>, vector<16xi32>], vector<16xf32>, vector<16xi1>
          %add3A_510 = vector.broadcast %mul3A_454 : i32 to vector<16xi32>
          %add3A_511 = arith.addi %add3A_510, %max3A_504 : vector<16xi32>
          %gather3A_512 = tpu.vector_load_idx %arg8[%add3A_511] : memref<8192xi32, #tpu.memory_space<vmem>>[vector<16xi32>], vector<16xi32>,
          %select_n3A_513 = arith.select %ge3A_502, %gather3A_512, %while3A_500 : vector<16xi1>, vector<16xi32>
          %ge3A_514 = arith.constant 0 : i32
          %ge3A_515 = vector.broadcast %ge3A_514 : i32 to vector<16xi32>
          %ge3A_516 = arith.cmpi sge, %select_n3A_513, %ge3A_515 : vector<16xi32>
          %max3A_517 = arith.constant 0 : i32
          %max3A_518 = vector.broadcast %max3A_517 : i32 to vector<16xi32>
          %max3A_519 = arith.maxsi %select_n3A_513, %max3A_518 : vector<16xi32>
          %add3A_520 = vector.broadcast %mul3A_454 : i32 to vector<16xi32>
          %add3A_521 = arith.addi %add3A_520, %max3A_519 : vector<16xi32>
          %gather3A_522 = tpu.vector_load_idx %arg5[%add3A_521] : memref<8192xi32, #tpu.memory_space<vmem>>[vector<16xi32>], vector<16xi32>,
          %and3A_523 = arith.constant 7 : i32
          %and3A_524 = vector.broadcast %and3A_523 : i32 to vector<16xi32>
          %and3A_525 = arith.andi %gather3A_522, %and3A_524 : vector<16xi32>
          tpu.vector_store_idx %arg10[%and3A_525, %max3A_519], %get3A_34 masked %ge3A_516 : memref<8x4096xf32, #tpu.memory_space<vmem>>[vector<16xi32>, vector<16xi32>], vector<16xf32>, vector<16xi1>
          %add3A_526 = vector.broadcast %mul3A_454 : i32 to vector<16xi32>
          %add3A_527 = arith.addi %add3A_526, %max3A_519 : vector<16xi32>
          %gather3A_528 = tpu.vector_load_idx %arg8[%add3A_527] : memref<8192xi32, #tpu.memory_space<vmem>>[vector<16xi32>], vector<16xi32>,
          %select_n3A_529 = arith.select %ge3A_516, %gather3A_528, %select_n3A_513 : vector<16xi1>, vector<16xi32>
          scf.yield %select_n3A_529 : vector<16xi32>
        }
        %add3A_463 = arith.addi %select_n3A_12, %add3A_369 : i32
        %jit3A_464 = arith.constant 125 : i32
        %div3A_465 = arith.divsi %add3A_463, %jit3A_464 : i32
        %sign3A_466 = arith.constant 0 : i32
        %sign3A_467 = arith.cmpi sgt, %add3A_463, %sign3A_466 : i32
        %sign3A_468 = arith.extui %sign3A_467 : i1 to i32
        %sign3A_469 = arith.constant 0 : i32
        %sign3A_470 = arith.cmpi slt, %add3A_463, %sign3A_469 : i32
        %sign3A_471 = arith.extui %sign3A_470 : i1 to i32
        %sign3A_472 = arith.subi %sign3A_468, %sign3A_471 : i32
        %sign3A_473 = arith.constant 0 : i32
        %sign3A_474 = arith.cmpi sgt, %jit3A_464, %sign3A_473 : i32
        %sign3A_475 = arith.extui %sign3A_474 : i1 to i32
        %sign3A_476 = arith.constant 0 : i32
        %sign3A_477 = arith.cmpi slt, %jit3A_464, %sign3A_476 : i32
        %sign3A_478 = arith.extui %sign3A_477 : i1 to i32
        %sign3A_479 = arith.subi %sign3A_475, %sign3A_478 : i32
        %ne3A_480 = arith.cmpi ne, %sign3A_472, %sign3A_479 : i32
        %rem3A_481 = arith.remsi %add3A_463, %jit3A_464 : i32
        %ne3A_482 = arith.constant 0 : i32
        %ne3A_483 = arith.cmpi ne, %rem3A_481, %ne3A_482 : i32
        %and3A_484 = arith.andi %ne3A_480, %ne3A_483 : i1
        %sub3A_485 = arith.constant 1 : i32
        %sub3A_486 = arith.subi %div3A_465, %sub3A_485 : i32
        %select_n3A_487 = arith.select %and3A_484, %sub3A_486, %div3A_465 : i32
        %mul3A_488 = arith.constant 125 : i32
        %mul3A_489 = arith.muli %select_n3A_487, %mul3A_488 : i32
        %sub3A_490 = arith.subi %add3A_463, %mul3A_489 : i32
        %mul3A_491 = arith.constant 8 : i32
        %mul3A_492 = arith.muli %sub3A_490, %mul3A_491 : i32
        %multiple_of3A_493 = tpu.assume_multiple %mul3A_492, 8 : i32
        %dma_start3A_494 = arith.constant 0 : i32
        %dma_start3A_495 = tpu.memref_slice %arg4[%select_n3A_487, %multiple_of3A_493, %dma_start3A_494] : memref<26x1000x4096xf32, #tpu.memory_space<hbm>> -> memref<1x8x4096xf32, #tpu.memory_space<hbm>>
        %dma_start3A_496 = tpu.memref_squeeze %dma_start3A_495 : memref<1x8x4096xf32, #tpu.memory_space<hbm>> -> memref<8x4096xf32, #tpu.memory_space<hbm>>
        %dma_start3A_497 = arith.constant 0 : i32
        %dma_start3A_498 = tpu.memref_slice %arg4[%select_n3A_487, %multiple_of3A_493, %dma_start3A_497] : memref<26x1000x4096xf32, #tpu.memory_space<hbm>> -> memref<1x8x4096xf32, #tpu.memory_space<hbm>>
        %dma_start3A_499 = tpu.memref_squeeze %dma_start3A_498 : memref<1x8x4096xf32, #tpu.memory_space<hbm>> -> memref<8x4096xf32, #tpu.memory_space<hbm>>
        tpu.enqueue_dma source(%arg10 : memref<8x4096xf32, #tpu.memory_space<vmem>>) target(%dma_start3A_499 : memref<8x4096xf32, #tpu.memory_space<hbm>>) target_semaphore(%arg12 : memref<!tpu.dma_semaphore, #tpu.memory_space<semaphore_mem>>)
      } else {
      }
    }
    %scan3A_335 = arith.constant 50 : i32
    %dma_wait3A = arith.constant 0 : i32
    %dma_wait3A_336 = arith.constant 0 : i32
    %dma_wait3A_337 = arith.constant 0 : i32
    %dma_wait3A_338 = tpu.memref_slice %arg4[%dma_wait3A, %dma_wait3A_336, %dma_wait3A_337] : memref<26x1000x4096xf32, #tpu.memory_space<hbm>> -> memref<1x8x4096xf32, #tpu.memory_space<hbm>>
    %dma_wait3A_339 = tpu.memref_squeeze %dma_wait3A_338 : memref<1x8x4096xf32, #tpu.memory_space<hbm>> -> memref<8x4096xf32, #tpu.memory_space<hbm>>
    %dma_wait3A_340 = arith.constant 0 : i32
    %dma_wait3A_341 = arith.constant 0 : i32
    %dma_wait3A_342 = tpu.memref_slice %arg4[%dma_wait3A, %dma_wait3A_340, %dma_wait3A_341] : memref<26x1000x4096xf32, #tpu.memory_space<hbm>> -> memref<1x8x4096xf32, #tpu.memory_space<hbm>>
    %dma_wait3A_343 = tpu.memref_squeeze %dma_wait3A_342 : memref<1x8x4096xf32, #tpu.memory_space<hbm>> -> memref<8x4096xf32, #tpu.memory_space<hbm>>
    tpu.wait_dma2 semaphore(%arg11 : memref<!tpu.dma_semaphore, #tpu.memory_space<semaphore_mem>>) src(%arg9 : memref<8x4096xf32, #tpu.memory_space<vmem>>) dst(%dma_wait3A_343 : memref<8x4096xf32, #tpu.memory_space<hbm>>)
    %dma_wait3A_344 = arith.constant 0 : i32
    %dma_wait3A_345 = arith.constant 0 : i32
    %dma_wait3A_346 = arith.constant 0 : i32
    %dma_wait3A_347 = tpu.memref_slice %arg4[%dma_wait3A_344, %dma_wait3A_345, %dma_wait3A_346] : memref<26x1000x4096xf32, #tpu.memory_space<hbm>> -> memref<1x8x4096xf32, #tpu.memory_space<hbm>>
    %dma_wait3A_348 = tpu.memref_squeeze %dma_wait3A_347 : memref<1x8x4096xf32, #tpu.memory_space<hbm>> -> memref<8x4096xf32, #tpu.memory_space<hbm>>
    %dma_wait3A_349 = arith.constant 0 : i32
    %dma_wait3A_350 = arith.constant 0 : i32
    %dma_wait3A_351 = tpu.memref_slice %arg4[%dma_wait3A_344, %dma_wait3A_349, %dma_wait3A_350] : memref<26x1000x4096xf32, #tpu.memory_space<hbm>> -> memref<1x8x4096xf32, #tpu.memory_space<hbm>>
    %dma_wait3A_352 = tpu.memref_squeeze %dma_wait3A_351 : memref<1x8x4096xf32, #tpu.memory_space<hbm>> -> memref<8x4096xf32, #tpu.memory_space<hbm>>
    tpu.wait_dma2 semaphore(%arg12 : memref<!tpu.dma_semaphore, #tpu.memory_space<semaphore_mem>>) src(%arg10 : memref<8x4096xf32, #tpu.memory_space<vmem>>) dst(%dma_wait3A_352 : memref<8x4096xf32, #tpu.memory_space<hbm>>)
    return
  }
}

</mosaic_0001>

<sc_bundles>
// kernel: kernel.3.cloned.1.call-start
scs
__scs_entry_jumppad:
0x0: {  	(pc) =	sbr.rel $0x88, $3  }
0x1: {  	(tag) =	ssettag $0x0;
	lr =	simm.s32 $0x1  }
0x2: {  	[smem:$0x3F9E] =	sst lr;
	_ =	strace $0xD0000000  }
0x3: {  	_ = 	snop  }
0x4: {  	_ = 	snop  }
0x5: {  	_ = 	snop  }
0x6: {  	_ = 	snop  }
0x7: {  	_ = 	snop  }
__scs_overlays_trampoline_lowered:
0x8: {  	[smem:$0x3FAD] =	sst s0  }
0x9: {  	[smem:$0x3FAE] =	sst s1  }
0xa: {  	[smem:$0x3FAF] =	sst s2  }
0xb: {  	[smem:$0x3FB0] =	sst s3  }
0xc: {  	[smem:$0x3FB1] =	sst s4  }
0xd: {  	[smem:$0x3FB2] =	sst s5  }
0xe: {  	[smem:$0x3FB3] =	sst s6  }
0xf: {  	[smem:$0x3FB4] =	sst s7  }
0x10: {  	[smem:$0x3FB5] =	sst s8  }
0x11: {  	[smem:$0x3FB6] =	sst s9;
	s0 =	simm.s32 @!p0 $0x0  }
0x12: {  	s1 =	sld [smem:$0x3F9C];
	s0 =	simm.s32 @p0 $0x1  }
0x13: {  	[smem:$0x3FB7] =	sst s0;
	s0 =	simm.s32 @!p1 $0x0  }
0x14: {  	s2 =	sld [smem:$0x3F9B];
	s0 =	simm.s32 @p1 $0x1  }
0x15: {  	[smem:$0x3FB8] =	sst s0;
	s0 =	simm.s32 @!p2 $0x0  }
0x16: {  	s3 =	sld [smem:$0x3FDB];
	s0 =	simm.s32 @p2 $0x1  }
0x17: {  	s4 =	simm.s32 $0x1BF5;
	[smem:$0x3FBA] =	sst s0  }
0x18: {  	s0 =	sld [smem:$0x3F9D];
	_ =	swait.ge [sflag:s4], $0x0  }
0x19: {  	s7 =	sld [smem:$0x3F9E]  }
0x1a: {  	s8 =	sadd.s32 $0xFFFFE003, lr  }
0x1b: {  	s9 =	sadd.s32 $0xFFFFFEF7, lr;
	s5 =	simm.s32 $0xFFFFFFFF;
	p2 =	slt.u32 s8, $0xFFFFF086  }
0x1c: {  	p1 =	slt.u32 s9, $0xF7A;
	s5 =	simm.s32 @!p2 $0x0  }
0x1d: {  	s5 =	simm.s32 @p1 $0x1;
	p0 =	seq.s32 s7, s2  }
0x1e: {  	s7 =	smul.u32 @!p0 $0xF7A, s2;
	p2 =	seq.s32 @!p0 s5, $0x0  }
0x1f: {  	s9 =	smul.u32 $0xF7A, s1;
	s8 =	simm.s32 @!p0 $0x1BF5;
	p2 =	por !p2, p0  }
0x20: {  	[sflag:s8] =	ssyncset.s32 @!p0 $0xFFFFF086;
	s6 =	sadd.s32 @!p0 s3, s7;
	s7 =	simm.s32 @!p0 $0x108  }
0x21: {  	s3 =	sadd.s32 s3, s9;
	s6 =	sadd.s32 @!p0 $0x88, s6;
	s7 =	simm.s32 @p2 $0x1082  }
0x22: {  	[simem:s7], [sflag:s8] =	dma.local @!p0 [hbm:s6], $0xF7A  }
0x23: {  	s9 =	sor.u32 $0xD0000000, s2;
	s6 =	simm.s32 $0x108;
	_ =	swait.ge @!p0 [sflag:s8], $0x0  }
0x24: {  	s3 =	sadd.s32 $0x88, s3;
	s6 =	simm.s32 @!p1 $0x1082;
	[sflag:s4] =	ssyncset.s32 $0xFFFFF086  }
0x25: {  	[simem:s6], [sflag:s4] =	dma.local [hbm:s3], $0xF7A  }
0x26: {  	[smem:$0x3F9E] =	sst s1;
	(tag) =	ssettag s2;
	_ =	strace s9  }
0x27: {  	s1 =	sld [smem:$0x3FAE]  }
0x28: {  	s2 =	sld [smem:$0x3FAF]  }
0x29: {  	s4 =	sld [smem:$0x3FB1]  }
0x2a: {  	p0 =	seq.s32 s5, $0x0;
	s5 =	sld [smem:$0x3FB2]  }
0x2b: {  	s6 =	sld [smem:$0x3FB3]  }
0x2c: {  	s7 =	sld [smem:$0x3FB4]  }
0x2d: {  	s3 =	simm.s32 $0x108;
	s8 =	sld [smem:$0x3FB5]  }
0x2e: {  	s3 =	simm.s32 @!p0 $0x1082;
	s9 =	sld [smem:$0x3FB6]  }
0x2f: {  	lr =	sadd.s32 s0, s3;
	s0 =	sld [smem:$0x3FAD]  }
0x30: {  	s3 =	sld [smem:$0x3FB0]  }
0x31: {  	[smem:$0x3FB9] =	sst s10  }
0x32: {  	s10 =	sld [smem:$0x3FB7];
	_ =	sdelay $0x3  }
0x33: {  	p0 =	seq.s32 s10, $0x1;
	s10 =	sld [smem:$0x3FB9];
	_ =	sdelay $0x3  }
0x34: {  	[smem:$0x3FB9] =	sst s10  }
0x35: {  	s10 =	sld [smem:$0x3FB8];
	_ =	sdelay $0x3  }
0x36: {  	p1 =	seq.s32 s10, $0x1;
	s10 =	sld [smem:$0x3FB9];
	_ =	sdelay $0x3  }
0x37: {  	[smem:$0x3FB9] =	sst s10  }
0x38: {  	s10 =	sld [smem:$0x3FBA]  }
0x39: {  	_ = 	snop;
	(pc) =	sbr.ind lr, $3  }
0x3a: {  	_ = 	snop  }
0x3b: {  	_ = 	snop  }
0x3c: {  	p2 =	seq.s32 s10, $0x1;
	s10 =	sld [smem:$0x3FB9]  }
0x3d: {  	_ =	shalt  }
0x3e: {  	_ =	shalt  }
0x3f: {  	_ =	shalt  }
0x40: {  	_ =	shalt  }
0x41: {  	_ =	shalt  }
0x42: {  	_ =	shalt  }
0x43: {  	_ =	shalt  }
0x44: {  	_ =	shalt  }
0x45: {  	_ =	shalt  }
0x46: {  	_ =	shalt  }
0x47: {  	_ =	shalt  }
0x48: {  	_ =	shalt  }
0x49: {  	_ =	shalt  }
0x4a: {  	_ =	shalt  }
0x4b: {  	_ =	shalt  }
0x4c: {  	_ =	shalt  }
0x4d: {  	_ =	shalt  }
0x4e: {  	_ =	shalt  }
0x4f: {  	_ =	shalt  }
0x50: {  	_ =	shalt  }
0x51: {  	_ =	shalt  }
0x52: {  	_ =	shalt  }
0x53: {  	_ =	shalt  }
0x54: {  	_ =	shalt  }
0x55: {  	_ =	shalt  }
0x56: {  	_ =	shalt  }
0x57: {  	_ =	shalt  }
0x58: {  	_ =	shalt  }
0x59: {  	_ =	shalt  }
0x5a: {  	_ =	shalt  }
0x5b: {  	_ =	shalt  }
0x5c: {  	_ =	shalt  }
0x5d: {  	_ =	shalt  }
0x5e: {  	_ =	shalt  }
0x5f: {  	_ =	shalt  }
0x60: {  	_ =	shalt  }
0x61: {  	_ =	shalt  }
0x62: {  	_ =	shalt  }
0x63: {  	_ =	shalt  }
0x64: {  	_ =	shalt  }
0x65: {  	_ =	shalt  }
0x66: {  	_ =	shalt  }
0x67: {  	_ =	shalt  }
0x68: {  	_ =	shalt  }
0x69: {  	_ =	shalt  }
0x6a: {  	_ =	shalt  }
0x6b: {  	_ =	shalt  }
0x6c: {  	_ =	shalt  }
0x6d: {  	_ =	shalt  }
0x6e: {  	_ =	shalt  }
0x6f: {  	_ =	shalt  }
0x70: {  	_ =	shalt  }
0x71: {  	_ =	shalt  }
0x72: {  	_ =	shalt  }
0x73: {  	_ =	shalt  }
0x74: {  	_ =	shalt  }
0x75: {  	_ =	shalt  }
0x76: {  	_ =	shalt  }
0x77: {  	_ =	shalt  }
0x78: {  	_ =	shalt  }
0x79: {  	_ =	shalt  }
0x7a: {  	_ =	shalt  }
0x7b: {  	_ =	shalt  }
0x7c: {  	_ =	shalt  }
0x7d: {  	_ =	shalt  }
0x7e: {  	_ =	shalt  }
0x7f: {  	_ =	shalt  }
0x80: {  	_ =	shalt  }
0x81: {  	_ =	shalt  }
0x82: {  	_ =	shalt  }
0x83: {  	_ =	shalt  }
0x84: {  	_ =	shalt  }
0x85: {  	_ =	shalt  }
0x86: {  	_ =	shalt  }
0x87: {  	_ =	shalt  }
.Lfunc_end0:
.L_simem_size_0:
called_computation_lowered:
.L_overlay_start_0:
0x88: {  	s2 =	sld [smem:$0x3FD9]  }
0x89: {  	s3 =	sld [smem:$0x3FFE];
	_ =	sdelay $0x1  }
0x8a: {  	s1 =	srdreg.scid  }
0x8b: {  	s0 =	sand.u32 $0x1, s1  }
0x8c: {  	s17 =	sshll.u32 s0, $0xA;
	s2 =	sadd.s32 s3, s2  }
0x8d: {  	s2 =	sadd.s32 s2, s17  }
0x8e: {  	[smem:$0x3FC5] =	sst s2  }
0x8f: {  	_ = 	snop  }
0x90: {  	s2 =	sld [smem:$0x3FD0];
	(tm) =	ssettm $0x1  }
0x91: {  	s18 =	sld [smem:$0x3FFB];
	_ =	sdelay $0x3  }
0x92: {  	_ =	strace s18  }
0x93: {  	s3 =	sld [smem:$0x3FFC];
	_ =	sdelay $0x3  }
0x94: {  	_ =	strace s3  }
0x95: {  	s3 =	sld [smem:$0x3FFD];
	_ =	sdelay $0x3  }
0x96: {  	_ =	strace s3  }
0x97: {  	_ =	strace $0x8FFFFFFF  }
0x98: {  	s19 =	sld [smem:$0x3FDB];
	_ =	sdelay $0x1  }
0x99: {  	s4 =	simm.s32 $_scs_section_size  }
0x9a: {  	s5 =	simm.s32 $_size__tile_overlayer_lowered;
	s6 =	simm.s32 $_tile_overlayer_lowered  }
0x9b: {  	s22 =	simm.s32 $0x1BFF;
	s21 =	sshll.u32 s6, $0x1;
	s3 =	sadd.s32 s4, s19  }
0x9c: {  	s7 =	simm.s32 $0x0;
	s20 =	sshll.u32 s5, $0x1;
	s5 =	sadd.s32 s21, s3  }
0x9d: {  	[timem:s7], [sflag:s22] =	dma.local [hbm:s5], s20  }
0x9e: {  	_ =	swait.ge [sflag:s22], s20  }
0x9f: {  	s4 =	ssub.s32 $0x0, s20;
	[sflag:s22] =	ssyncset.done $0x0  }
0xa0: {  	[sflag:s22] =	ssyncadd.s32 s4;
	_ =	sdelay $0x1  }
0xa1: {  	s23 =	simm.s32 $0x1B8B  }
0xa2: {  	_ =	swait.ge [sflag:s23], $0x1  }
0xa3: {  	[sflag:s23] =	ssyncset.done $0x0  }
0xa4: {  	s25 =	simm.s32 $0x1B8E;
	s24 =	sld [smem:$0x3FFE];
	[sflag:s23] =	ssyncadd.s32 $0xFFFFFFFF  }
0xa5: {  	s26 =	simm.s32 $execute0_lowered;
	[smem:$0x3FD2] =	sst s25  }
0xa6: {  	s5 =	sshll.u32 s26, $0x1;
	_ =	strace $0x80000046;
	[dreg:$0x1] =	wrdreg $0xFFFFFFFF  }
0xa7: {  	s28 =	simm.s32 $_size_execute0_lowered;
	s3 =	sadd.s32 s3, s5;
	[dreg:$0x0] =	wrdreg $0x0  }
0xa8: {  	s5 =	sshll.u32 s28, $0x1;
	[dreg:$0x2] =	wrdreg s3  }
0xa9: {  	[dreg:$0x3] =	wrdreg s5  }
0xaa: {  	[dreg:$0x4] =	wrdreg $0xC0  }
0xab: {  	_ =	task [dreg:s7], $0x5FFFF  }
0xac: {  	[dreg:$0x1] =	wrdreg $0xFFFFFFFF  }
0xad: {  	[dreg:$0x0] =	wrdreg $0x60  }
0xae: {  	[dreg:$0x2] =	wrdreg s24  }
0xaf: {  	[dreg:$0x3] =	wrdreg s2  }
0xb0: {  	[dreg:$0x4] =	wrdreg $0x9  }
0xb1: {  	_ =	task.clear_ibuf [dreg:s7], $0x5FFFF;
	_ =	strace $0x90000046  }
0xb2: {  	s29 =	simm.s32 $0x9;
	_ =	strace $0x80000048  }
0xb3: {  	_ =	swait.ge [sflag:s29], $0x1  }
0xb4: {  	[sflag:s29] =	ssyncadd.s32 $0xFFFFFFFF  }
0xb5: {  	_ =	strace $0x90000048  }
0xb6: {  	_ =	sfence  }
0xb7: {  	s30 =	sld [smem:$0x0];
	_ =	sdelay $0x2  }
0xb8: {  	s31 =	sshll.u32 s1, $0xD;
	s1 =	sshrl.u32 s1, $0x2  }
0xb9: {  	s3 =	sand.u32 $0x4000, s31;
	s1 =	sadd.s32 s1, s30  }
0xba: {  	s0 =	sor.u32 s3, s0;
	s1 =	sshll.u32 s1, $0x11  }
0xbb: {  	s0 =	sor.u32 s1, s0  }
0xbc: {  	s0 =	sadd.s32 $0x8F2B, s0  }
0xbd: {  	[sflag:s0] =	ssyncadd.remote.s32 $0x1  }
0xbe: {  	_ =	sfence.sel $0xFFFF  }
0xbf: {  	[dreg:$0x0] =	wrdreg $0xFFFFFFFF;
	(pc) =	sbr.abs _section_cstart, $3  }
0xc0: {  	[dreg:$0x1] =	wrdreg $0xFFFFFFFF  }
0xc1: {  	_ =	task.clear_ibuf [dreg:s7], $0x2FFFF;
	_ =	strace $0x9FFFFFFF  }
0xc2: {  	(tm) =	ssettm $0x7FFFFFFF  }
0xc3: {  	_ =	shalt  }
tec
execute0_lowered:
.L_overlay_start_1:
0x0: {  	(tag) =	ssettag $0x1  }
0x1: {  	s1 =	srdreg.scid;
	s0 =	stileid.u32  }
0x2: {  	s6 =	sand.u32 $0x1, s1;
	s29 =	sshll.u32 s0, $0x1  }
0x3: {  	s9 =	rddreg [dreg:$0x0];
	s1 =	sor.u32 s6, s29  }
0x4: {  	s3 =	rddreg [dreg:$0x1];
	s4 =	simm.s32 $0x0;
	s7 =	smul.u32 $0x65, s1  }
0x5: {  	p0 =	slt.u32 s0, $0x9;
	s12 =	ssub.s32 $0x2, s6;
	s8 =	smul.u32 $0x66, s1  }
0x6: {  	[smem:$0x7FF] =	sst s4;
	s17 =	sshrl.u32 s12, $0x1;
	s1 =	sadd.s32 $0x12, s7  }
0x7: {  	s6 =	sadd.s32 $0x3A00, s9;
	s12 =	ssub.s32 s12, s17;
	s1 =	smov.u32 @p0 s8  }
0x8: {  	s7 =	sadd.s32 $0x77, s7;
	s2 =	smul.u32 $0x625, s1;
	s11 =	sadd.s32 $0x1, s1  }
0x9: {  	s12 =	smax.u32 s12, $0x1;
	s8 =	sadd.s32 $0x66, s8;
	s16 =	sand.u32 $0xFFFF, s11  }
0xa: {  	s7 =	smov.u32 @p0 s8;
	s5 =	sshrl.u32 s2, $0x10;
	s14 =	smul.u32 $0x625, s16  }
0xb: {  	s15 =	sadd.s32 $0xFFFFFFFF, s7;
	s7 =	simm.s32 $0x66;
	s2 =	ssub.s32 s1, s5  }
0xc: {  	s13 =	sand.u32 $0xFFFF, s15;
	s10 =	sand.u32 $0xFFFE, s2;
	s19 =	sshrl.u32 s14, $0x10  }
0xd: {  	s7 =	simm.s32 @!p0 $0x65;
	s10 =	sshrl.u32 s10, $0x1;
	s14 =	ssub.s32 s11, s19  }
0xe: {  	s18 =	smul.u32 $0x625, s13;
	s5 =	sadd.s32 s5, s10;
	s14 =	sand.u32 $0xFFFE, s14  }
0xf: {  	s2 =	rddreg [dreg:$0x2];
	s5 =	sand.u32 $0xFFC0, s5;
	s14 =	sshrl.u32 s14, $0x1  }
0x10: {  	_ =	strace $0x80000047;
	s5 =	sshrl.u32 s5, $0x6;
	s13 =	sadd.s32 s19, s14  }
0x11: {  	s30 =	sshll.u32 s5, $0x9;
	s16 =	smul.u32 $0x3E8000, s5;
	s13 =	sshrl.u32 s13, $0x6  }
0x12: {  	s31 =	sadd.s32 s30, s9;
	s9 =	sshrl.u32 s18, $0x10;
	s22 =	smul.u32 $0xFFFFFF83, s13  }
0x13: {  	s25 =	ssub.s32 s13, s5;
	s13 =	smul.u32 $0x3E8000, s13;
	s10 =	ssub.s32 s15, s9  }
0x14: {  	s15 =	smul.u32 $0xFFFFFF83, s5;
	s8 =	sadd.s32 $0x400, s31;
	s26 =	sshll.u32 s25, $0xB  }
0x15: {  	s19 =	sshll.u32 s25, $0xC;
	s10 =	sand.u32 $0xFFFE, s10;
	s24 =	sadd.s32 s11, s22  }
0x16: {  	v0 =	vmov s19;
	s19 =	simm.s32 $0xD080;
	s22 =	simm.s32 $0x0;
	s15 =	sadd.s32 s1, s15  }
0x17: {  	s10 =	sshrl.u32 s10, $0x1;
	s28 =	sshll.u32 s24, $0x4;
	s20 =	sshll.u32 s15, $0xF  }
0x18: {  	s9 =	sadd.s32 s9, s10;
	s18 =	sshll.u32 s15, $0x6;
	s10 =	sshll.u32 s24, $0xF  }
0x19: {  	s14 =	sadd.s32 s26, s28;
	s30 =	sand.u32 $0x70, s28;
	s15 =	simm.s32 $0x2080  }
0x1a: {  	s21 =	sadd.s32 s16, s20;
	s17 =	sshrl.u32 s9, $0x6;
	s10 =	sadd.s32 s13, s10  }
.Ltmp0:
0x1b: {  	s29 =	sand.u32 $0xFFFFFF80, s14;
	s13 =	simm.s32 $0x3;
	(pc) =	sbr.rel .LBB2_1-.Ltmp0, $4  }
0x1c: {  	s14 =	simm.s32 $0x2000;
	s16 =	simm.s32 $0x3080;
	s20 =	simm.s32 $0x1  }
0x1d: {  	s23 =	sshrl.u32 s21, $0x3;
	s31 =	sshrl.u32 s10, $0x3;
	s10 =	sor.u32 s30, s29  }
0x1e: {  	v1 =	vlaneseq.u32;
	p0 =	sle.u32 s17, s5;
	s17 =	sshra.s32 s18, $0x2;
	s18 =	simm.s32 $0x5080  }
0x1f: {  	v2 =	vimm.s32 $0xFFFFFFFF;
	v3 =	vor.u32 $0x800, v1;
	v4 =	vor.u32 $0x1000, v1;
	s21 =	simm.s32 $0x2;
	s9 =	sadd.s32 s3, s23;
	s11 =	sadd.s32 s3, s31  }
.LBB2_62:
0x20: {  	s22 =	sadd.s32 $0x1, s22  }
0x21: {  	_ =	swait.ge [sflag:s20], $0x8000;
	p1 =	sne.s32 s22, s12  }
.Ltmp1:
0x22: {  	[sflag:s20] =	ssyncset.done $0x0;
	(pc) =	sbr.rel @!p1 .LBB2_63-.Ltmp1, $4  }
0x23: {  	[sflag:s20] =	ssyncadd.s32 $0xFFFF8000  }
0x24: {  	_ =	swait.ge [sflag:s21], $0x8000  }
0x25: {  	[sflag:s21] =	ssyncset.done $0x0  }
0x26: {  	[sflag:s21] =	ssyncadd.s32 $0xFFFF8000  }
.LBB2_1:
0x27: {  	[tilespmem:s4], [sflag:$0x3] =	stream.linear.gather [hbm4b:s8+s4], $0x2000, $0x38;
	[tilespmem:$0x15080] =	vst v63  }
0x28: {  	_ =	swait.ge [sflag:s13], $0x2000  }
0x29: {  	[sflag:s13] =	ssyncset.done $0x0  }
0x2a: {  	[sflag:s13] =	ssyncadd.s32 $0xFFFFE000  }
0x2b: {  	[tilespmem:s14], [sflag:$0x3] =	stream.linear.gather [hbm4b:s6+s4], $0x80, $0x38;
	[tilespmem:$0x15080] =	vst v63  }
0x2c: {  	_ =	swait.ge [sflag:s13], $0x80  }
0x2d: {  	[sflag:s13] =	ssyncset.done $0x0  }
0x2e: {  	[sflag:s13] =	ssyncadd.s32 $0xFFFFFF80  }
0x2f: {  	v5 =	vld [tilespmem:$0x2010];
	_ =	sdelay $0x3  }
0x30: {  	s23 =	simm.s32 $0x50C0  }
0x31: {  	v6 =	vld [tilespmem:$0x2000];
	[tilespmem:s23+$0xFFFFFFC0] =	vst v5  }
0x32: {  	[tilespmem:s23+$0x30] =	vst v5  }
0x33: {  	[tilespmem:s23+$0x20] =	vst v5  }
0x34: {  	[tilespmem:s23+$0x10] =	vst v5  }
0x35: {  	[tilespmem:s23+$0x0] =	vst v5  }
0x36: {  	[tilespmem:s23+$0xFFFFFFF0] =	vst v5  }
0x37: {  	s25 =	simm.s32 $0x0;
	[tilespmem:s23+$0xFFFFFFE0] =	vst v5  }
.LBB2_2:
0x38: {  	s25 =	sadd.s32 $0x8, s25;
	[tilespmem:s23+$0xFFFFFFD0] =	vst v5;
	s23 =	sadd.s32 $0x400, s23;
	s24 =	simm.s32 $0x5170  }
0x39: {  	[tilespmem:s23+$0xFFFFFFC0] =	vst v5;
	p1 =	slt.u32 s25, $0xF8  }
0x3a: {  	[tilespmem:s23+$0x30] =	vst v5  }
.Ltmp2:
0x3b: {  	[tilespmem:s23+$0x20] =	vst v5;
	(pc) =	sbr.rel @p1 .LBB2_2-.Ltmp2, $4  }
0x3c: {  	[tilespmem:s23+$0x10] =	vst v5  }
0x3d: {  	[tilespmem:s23+$0x0] =	vst v5  }
0x3e: {  	[tilespmem:s23+$0xFFFFFFF0] =	vst v5  }
0x3f: {  	[tilespmem:s23+$0xFFFFFFE0] =	vst v5  }
0x40: {  	[tilespmem:s23+$0xFFFFFFD0] =	vst v5  }
0x41: {  	[tilespmem:s24+$0xFFFFFF90] =	vst v5  }
0x42: {  	[tilespmem:s24+$0x0] =	vst v5  }
0x43: {  	[tilespmem:s24+$0xFFFFFFF0] =	vst v5  }
0x44: {  	[tilespmem:s24+$0xFFFFFFE0] =	vst v5  }
0x45: {  	[tilespmem:s24+$0xFFFFFFD0] =	vst v5  }
0x46: {  	[tilespmem:s24+$0xFFFFFFC0] =	vst v5  }
0x47: {  	s25 =	simm.s32 $0x0;
	s23 =	simm.s32 $0x51F0;
	[tilespmem:s24+$0xFFFFFFB0] =	vst v5  }
.LBB2_4:
0x48: {  	s25 =	sadd.s32 $0x8, s25;
	[tilespmem:s24+$0xFFFFFFA0] =	vst v5;
	s24 =	sadd.s32 $0x400, s24  }
0x49: {  	[tilespmem:s24+$0xFFFFFF90] =	vst v5;
	p1 =	slt.u32 s25, $0xF8  }
0x4a: {  	[tilespmem:s24+$0x0] =	vst v5  }
.Ltmp3:
0x4b: {  	[tilespmem:s24+$0xFFFFFFF0] =	vst v5;
	(pc) =	sbr.rel @p1 .LBB2_4-.Ltmp3, $4  }
0x4c: {  	[tilespmem:s24+$0xFFFFFFE0] =	vst v5  }
0x4d: {  	[tilespmem:s24+$0xFFFFFFD0] =	vst v5  }
0x4e: {  	[tilespmem:s24+$0xFFFFFFC0] =	vst v5  }
0x4f: {  	[tilespmem:s24+$0xFFFFFFB0] =	vst v5  }
0x50: {  	[tilespmem:s24+$0xFFFFFFA0] =	vst v5  }
0x51: {  	[tilespmem:s23+$0xFFFFFF90] =	vst v5  }
0x52: {  	[tilespmem:s23+$0x0] =	vst v5  }
0x53: {  	[tilespmem:s23+$0xFFFFFFF0] =	vst v5  }
0x54: {  	[tilespmem:s23+$0xFFFFFFE0] =	vst v5  }
0x55: {  	[tilespmem:s23+$0xFFFFFFD0] =	vst v5  }
0x56: {  	[tilespmem:s23+$0xFFFFFFC0] =	vst v5  }
0x57: {  	s25 =	simm.s32 $0x0;
	[tilespmem:s23+$0xFFFFFFB0] =	vst v5  }
.LBB2_6:
0x58: {  	s25 =	sadd.s32 $0x8, s25;
	[tilespmem:s23+$0xFFFFFFA0] =	vst v5;
	s23 =	sadd.s32 $0x400, s23;
	s24 =	simm.s32 $0x5270  }
0x59: {  	[tilespmem:s23+$0xFFFFFF90] =	vst v5;
	p1 =	slt.u32 s25, $0xF8  }
0x5a: {  	[tilespmem:s23+$0x0] =	vst v5  }
.Ltmp4:
0x5b: {  	[tilespmem:s23+$0xFFFFFFF0] =	vst v5;
	(pc) =	sbr.rel @p1 .LBB2_6-.Ltmp4, $4  }
0x5c: {  	[tilespmem:s23+$0xFFFFFFE0] =	vst v5  }
0x5d: {  	[tilespmem:s23+$0xFFFFFFD0] =	vst v5  }
0x5e: {  	[tilespmem:s23+$0xFFFFFFC0] =	vst v5  }
0x5f: {  	[tilespmem:s23+$0xFFFFFFB0] =	vst v5  }
0x60: {  	[tilespmem:s23+$0xFFFFFFA0] =	vst v5  }
0x61: {  	[tilespmem:s24+$0xFFFFFF90] =	vst v5  }
0x62: {  	[tilespmem:s24+$0x0] =	vst v5  }
0x63: {  	[tilespmem:s24+$0xFFFFFFF0] =	vst v5  }
0x64: {  	[tilespmem:s24+$0xFFFFFFE0] =	vst v5  }
0x65: {  	[tilespmem:s24+$0xFFFFFFD0] =	vst v5  }
0x66: {  	[tilespmem:s24+$0xFFFFFFC0] =	vst v5  }
0x67: {  	s25 =	simm.s32 $0x0;
	s23 =	simm.s32 $0x52F0;
	[tilespmem:s24+$0xFFFFFFB0] =	vst v5  }
.LBB2_8:
0x68: {  	s25 =	sadd.s32 $0x8, s25;
	[tilespmem:s24+$0xFFFFFFA0] =	vst v5;
	s24 =	sadd.s32 $0x400, s24  }
0x69: {  	[tilespmem:s24+$0xFFFFFF90] =	vst v5;
	p1 =	slt.u32 s25, $0xF8  }
0x6a: {  	[tilespmem:s24+$0x0] =	vst v5  }
.Ltmp5:
0x6b: {  	[tilespmem:s24+$0xFFFFFFF0] =	vst v5;
	(pc) =	sbr.rel @p1 .LBB2_8-.Ltmp5, $4  }
0x6c: {  	[tilespmem:s24+$0xFFFFFFE0] =	vst v5  }
0x6d: {  	[tilespmem:s24+$0xFFFFFFD0] =	vst v5  }
0x6e: {  	[tilespmem:s24+$0xFFFFFFC0] =	vst v5  }
0x6f: {  	[tilespmem:s24+$0xFFFFFFB0] =	vst v5  }
0x70: {  	[tilespmem:s24+$0xFFFFFFA0] =	vst v5  }
0x71: {  	[tilespmem:s23+$0xFFFFFF90] =	vst v5  }
0x72: {  	[tilespmem:s23+$0x0] =	vst v5  }
0x73: {  	[tilespmem:s23+$0xFFFFFFF0] =	vst v5  }
0x74: {  	[tilespmem:s23+$0xFFFFFFE0] =	vst v5  }
0x75: {  	[tilespmem:s23+$0xFFFFFFD0] =	vst v5  }
0x76: {  	[tilespmem:s23+$0xFFFFFFC0] =	vst v5  }
0x77: {  	s25 =	simm.s32 $0x0;
	[tilespmem:s23+$0xFFFFFFB0] =	vst v5  }
.LBB2_10:
0x78: {  	s25 =	sadd.s32 $0x8, s25;
	[tilespmem:s23+$0xFFFFFFA0] =	vst v5;
	s23 =	sadd.s32 $0x400, s23;
	s24 =	simm.s32 $0x5370  }
0x79: {  	[tilespmem:s23+$0xFFFFFF90] =	vst v5;
	p1 =	slt.u32 s25, $0xF8  }
0x7a: {  	[tilespmem:s23+$0x0] =	vst v5  }
.Ltmp6:
0x7b: {  	[tilespmem:s23+$0xFFFFFFF0] =	vst v5;
	(pc) =	sbr.rel @p1 .LBB2_10-.Ltmp6, $4  }
0x7c: {  	[tilespmem:s23+$0xFFFFFFE0] =	vst v5  }
0x7d: {  	[tilespmem:s23+$0xFFFFFFD0] =	vst v5  }
0x7e: {  	[tilespmem:s23+$0xFFFFFFC0] =	vst v5  }
0x7f: {  	[tilespmem:s23+$0xFFFFFFB0] =	vst v5  }
0x80: {  	[tilespmem:s23+$0xFFFFFFA0] =	vst v5  }
0x81: {  	[tilespmem:s24+$0xFFFFFF90] =	vst v5  }
0x82: {  	[tilespmem:s24+$0x0] =	vst v5  }
0x83: {  	[tilespmem:s24+$0xFFFFFFF0] =	vst v5  }
0x84: {  	[tilespmem:s24+$0xFFFFFFE0] =	vst v5  }
0x85: {  	[tilespmem:s24+$0xFFFFFFD0] =	vst v5  }
0x86: {  	[tilespmem:s24+$0xFFFFFFC0] =	vst v5  }
0x87: {  	s25 =	simm.s32 $0x0;
	s23 =	simm.s32 $0x53F0;
	[tilespmem:s24+$0xFFFFFFB0] =	vst v5  }
.LBB2_12:
0x88: {  	s25 =	sadd.s32 $0x8, s25;
	[tilespmem:s24+$0xFFFFFFA0] =	vst v5;
	s24 =	sadd.s32 $0x400, s24  }
0x89: {  	[tilespmem:s24+$0xFFFFFF90] =	vst v5;
	p1 =	slt.u32 s25, $0xF8  }
0x8a: {  	[tilespmem:s24+$0x0] =	vst v5  }
.Ltmp7:
0x8b: {  	[tilespmem:s24+$0xFFFFFFF0] =	vst v5;
	(pc) =	sbr.rel @p1 .LBB2_12-.Ltmp7, $4  }
0x8c: {  	[tilespmem:s24+$0xFFFFFFE0] =	vst v5  }
0x8d: {  	[tilespmem:s24+$0xFFFFFFD0] =	vst v5  }
0x8e: {  	[tilespmem:s24+$0xFFFFFFC0] =	vst v5  }
0x8f: {  	[tilespmem:s24+$0xFFFFFFB0] =	vst v5  }
0x90: {  	[tilespmem:s24+$0xFFFFFFA0] =	vst v5  }
0x91: {  	[tilespmem:s23+$0xFFFFFF90] =	vst v5  }
0x92: {  	[tilespmem:s23+$0x0] =	vst v5  }
0x93: {  	[tilespmem:s23+$0xFFFFFFF0] =	vst v5  }
0x94: {  	[tilespmem:s23+$0xFFFFFFE0] =	vst v5  }
0x95: {  	[tilespmem:s23+$0xFFFFFFD0] =	vst v5  }
0x96: {  	[tilespmem:s23+$0xFFFFFFC0] =	vst v5  }
0x97: {  	s25 =	simm.s32 $0x0;
	[tilespmem:s23+$0xFFFFFFB0] =	vst v5  }
.LBB2_14:
0x98: {  	s25 =	sadd.s32 $0x8, s25;
	[tilespmem:s23+$0xFFFFFFA0] =	vst v5;
	s23 =	sadd.s32 $0x400, s23;
	s24 =	simm.s32 $0x5470  }
0x99: {  	[tilespmem:s23+$0xFFFFFF90] =	vst v5;
	p1 =	slt.u32 s25, $0xF8  }
0x9a: {  	[tilespmem:s23+$0x0] =	vst v5  }
.Ltmp8:
0x9b: {  	[tilespmem:s23+$0xFFFFFFF0] =	vst v5;
	(pc) =	sbr.rel @p1 .LBB2_14-.Ltmp8, $4  }
0x9c: {  	[tilespmem:s23+$0xFFFFFFE0] =	vst v5  }
0x9d: {  	[tilespmem:s23+$0xFFFFFFD0] =	vst v5  }
0x9e: {  	[tilespmem:s23+$0xFFFFFFC0] =	vst v5  }
0x9f: {  	[tilespmem:s23+$0xFFFFFFB0] =	vst v5  }
0xa0: {  	[tilespmem:s23+$0xFFFFFFA0] =	vst v5  }
0xa1: {  	[tilespmem:s24+$0xFFFFFF90] =	vst v5  }
0xa2: {  	[tilespmem:s24+$0x0] =	vst v5  }
0xa3: {  	[tilespmem:s24+$0xFFFFFFF0] =	vst v5  }
0xa4: {  	[tilespmem:s24+$0xFFFFFFE0] =	vst v5  }
0xa5: {  	[tilespmem:s24+$0xFFFFFFD0] =	vst v5  }
0xa6: {  	[tilespmem:s24+$0xFFFFFFC0] =	vst v5  }
0xa7: {  	s25 =	simm.s32 $0x0;
	s23 =	simm.s32 $0xD0C0;
	[tilespmem:s24+$0xFFFFFFB0] =	vst v5  }
.LBB2_16:
0xa8: {  	s25 =	sadd.s32 $0x8, s25;
	[tilespmem:s24+$0xFFFFFFA0] =	vst v5;
	s24 =	sadd.s32 $0x400, s24  }
0xa9: {  	[tilespmem:s24+$0xFFFFFF90] =	vst v5;
	p1 =	slt.u32 s25, $0xF8  }
0xaa: {  	[tilespmem:s24+$0x0] =	vst v5  }
.Ltmp9:
0xab: {  	[tilespmem:s24+$0xFFFFFFF0] =	vst v5;
	(pc) =	sbr.rel @p1 .LBB2_16-.Ltmp9, $4  }
0xac: {  	[tilespmem:s24+$0xFFFFFFE0] =	vst v5  }
0xad: {  	[tilespmem:s24+$0xFFFFFFD0] =	vst v5  }
0xae: {  	[tilespmem:s24+$0xFFFFFFC0] =	vst v5  }
0xaf: {  	[tilespmem:s24+$0xFFFFFFB0] =	vst v5  }
0xb0: {  	[tilespmem:s24+$0xFFFFFFA0] =	vst v5  }
0xb1: {  	[tilespmem:s23+$0xFFFFFFC0] =	vst v5  }
0xb2: {  	[tilespmem:s23+$0x30] =	vst v5  }
0xb3: {  	[tilespmem:s23+$0x20] =	vst v5  }
0xb4: {  	[tilespmem:s23+$0x10] =	vst v5  }
0xb5: {  	[tilespmem:s23+$0x0] =	vst v5  }
0xb6: {  	[tilespmem:s23+$0xFFFFFFF0] =	vst v5  }
0xb7: {  	s25 =	simm.s32 $0x0;
	[tilespmem:s23+$0xFFFFFFE0] =	vst v5  }
.LBB2_18:
0xb8: {  	s25 =	sadd.s32 $0x8, s25;
	[tilespmem:s23+$0xFFFFFFD0] =	vst v5;
	s23 =	sadd.s32 $0x400, s23;
	s24 =	simm.s32 $0xD170  }
0xb9: {  	[tilespmem:s23+$0xFFFFFFC0] =	vst v5;
	p1 =	slt.u32 s25, $0xF8  }
0xba: {  	[tilespmem:s23+$0x30] =	vst v5  }
.Ltmp10:
0xbb: {  	[tilespmem:s23+$0x20] =	vst v5;
	(pc) =	sbr.rel @p1 .LBB2_18-.Ltmp10, $4  }
0xbc: {  	[tilespmem:s23+$0x10] =	vst v5  }
0xbd: {  	[tilespmem:s23+$0x0] =	vst v5  }
0xbe: {  	[tilespmem:s23+$0xFFFFFFF0] =	vst v5  }
0xbf: {  	[tilespmem:s23+$0xFFFFFFE0] =	vst v5  }
0xc0: {  	[tilespmem:s23+$0xFFFFFFD0] =	vst v5  }
0xc1: {  	[tilespmem:s24+$0xFFFFFF90] =	vst v5  }
0xc2: {  	[tilespmem:s24+$0x0] =	vst v5  }
0xc3: {  	[tilespmem:s24+$0xFFFFFFF0] =	vst v5  }
0xc4: {  	[tilespmem:s24+$0xFFFFFFE0] =	vst v5  }
0xc5: {  	[tilespmem:s24+$0xFFFFFFD0] =	vst v5  }
0xc6: {  	[tilespmem:s24+$0xFFFFFFC0] =	vst v5  }
0xc7: {  	s25 =	simm.s32 $0x0;
	s23 =	simm.s32 $0xD1F0;
	[tilespmem:s24+$0xFFFFFFB0] =	vst v5  }
.LBB2_20:
0xc8: {  	s25 =	sadd.s32 $0x8, s25;
	[tilespmem:s24+$0xFFFFFFA0] =	vst v5;
	s24 =	sadd.s32 $0x400, s24  }
0xc9: {  	[tilespmem:s24+$0xFFFFFF90] =	vst v5;
	p1 =	slt.u32 s25, $0xF8  }
0xca: {  	[tilespmem:s24+$0x0] =	vst v5  }
.Ltmp11:
0xcb: {  	[tilespmem:s24+$0xFFFFFFF0] =	vst v5;
	(pc) =	sbr.rel @p1 .LBB2_20-.Ltmp11, $4  }
0xcc: {  	[tilespmem:s24+$0xFFFFFFE0] =	vst v5  }
0xcd: {  	[tilespmem:s24+$0xFFFFFFD0] =	vst v5  }
0xce: {  	[tilespmem:s24+$0xFFFFFFC0] =	vst v5  }
0xcf: {  	[tilespmem:s24+$0xFFFFFFB0] =	vst v5  }
0xd0: {  	[tilespmem:s24+$0xFFFFFFA0] =	vst v5  }
0xd1: {  	[tilespmem:s23+$0xFFFFFF90] =	vst v5  }
0xd2: {  	[tilespmem:s23+$0x0] =	vst v5  }
0xd3: {  	[tilespmem:s23+$0xFFFFFFF0] =	vst v5  }
0xd4: {  	[tilespmem:s23+$0xFFFFFFE0] =	vst v5  }
0xd5: {  	[tilespmem:s23+$0xFFFFFFD0] =	vst v5  }
0xd6: {  	[tilespmem:s23+$0xFFFFFFC0] =	vst v5  }
0xd7: {  	s25 =	simm.s32 $0x0;
	[tilespmem:s23+$0xFFFFFFB0] =	vst v5  }
.LBB2_22:
0xd8: {  	s25 =	sadd.s32 $0x8, s25;
	[tilespmem:s23+$0xFFFFFFA0] =	vst v5;
	s23 =	sadd.s32 $0x400, s23;
	s24 =	simm.s32 $0xD270  }
0xd9: {  	[tilespmem:s23+$0xFFFFFF90] =	vst v5;
	p1 =	slt.u32 s25, $0xF8  }
0xda: {  	[tilespmem:s23+$0x0] =	vst v5  }
.Ltmp12:
0xdb: {  	[tilespmem:s23+$0xFFFFFFF0] =	vst v5;
	(pc) =	sbr.rel @p1 .LBB2_22-.Ltmp12, $4  }
0xdc: {  	[tilespmem:s23+$0xFFFFFFE0] =	vst v5  }
0xdd: {  	[tilespmem:s23+$0xFFFFFFD0] =	vst v5  }
0xde: {  	[tilespmem:s23+$0xFFFFFFC0] =	vst v5  }
0xdf: {  	[tilespmem:s23+$0xFFFFFFB0] =	vst v5  }
0xe0: {  	[tilespmem:s23+$0xFFFFFFA0] =	vst v5  }
0xe1: {  	[tilespmem:s24+$0xFFFFFF90] =	vst v5  }
0xe2: {  	[tilespmem:s24+$0x0] =	vst v5  }
0xe3: {  	[tilespmem:s24+$0xFFFFFFF0] =	vst v5  }
0xe4: {  	[tilespmem:s24+$0xFFFFFFE0] =	vst v5  }
0xe5: {  	[tilespmem:s24+$0xFFFFFFD0] =	vst v5  }
0xe6: {  	[tilespmem:s24+$0xFFFFFFC0] =	vst v5  }
0xe7: {  	s25 =	simm.s32 $0x0;
	s23 =	simm.s32 $0xD2F0;
	[tilespmem:s24+$0xFFFFFFB0] =	vst v5  }
.LBB2_24:
0xe8: {  	s25 =	sadd.s32 $0x8, s25;
	[tilespmem:s24+$0xFFFFFFA0] =	vst v5;
	s24 =	sadd.s32 $0x400, s24  }
0xe9: {  	[tilespmem:s24+$0xFFFFFF90] =	vst v5;
	p1 =	slt.u32 s25, $0xF8  }
0xea: {  	[tilespmem:s24+$0x0] =	vst v5  }
.Ltmp13:
0xeb: {  	[tilespmem:s24+$0xFFFFFFF0] =	vst v5;
	(pc) =	sbr.rel @p1 .LBB2_24-.Ltmp13, $4  }
0xec: {  	[tilespmem:s24+$0xFFFFFFE0] =	vst v5  }
0xed: {  	[tilespmem:s24+$0xFFFFFFD0] =	vst v5  }
0xee: {  	[tilespmem:s24+$0xFFFFFFC0] =	vst v5  }
0xef: {  	[tilespmem:s24+$0xFFFFFFB0] =	vst v5  }
0xf0: {  	[tilespmem:s24+$0xFFFFFFA0] =	vst v5  }
0xf1: {  	[tilespmem:s23+$0xFFFFFF90] =	vst v5  }
0xf2: {  	[tilespmem:s23+$0x0] =	vst v5  }
0xf3: {  	[tilespmem:s23+$0xFFFFFFF0] =	vst v5  }
0xf4: {  	[tilespmem:s23+$0xFFFFFFE0] =	vst v5  }
0xf5: {  	[tilespmem:s23+$0xFFFFFFD0] =	vst v5  }
0xf6: {  	[tilespmem:s23+$0xFFFFFFC0] =	vst v5  }
0xf7: {  	s25 =	simm.s32 $0x0;
	[tilespmem:s23+$0xFFFFFFB0] =	vst v5  }
.LBB2_26:
0xf8: {  	s25 =	sadd.s32 $0x8, s25;
	[tilespmem:s23+$0xFFFFFFA0] =	vst v5;
	s23 =	sadd.s32 $0x400, s23;
	s24 =	simm.s32 $0xD370  }
0xf9: {  	[tilespmem:s23+$0xFFFFFF90] =	vst v5;
	p1 =	slt.u32 s25, $0xF8  }
0xfa: {  	[tilespmem:s23+$0x0] =	vst v5  }
.Ltmp14:
0xfb: {  	[tilespmem:s23+$0xFFFFFFF0] =	vst v5;
	(pc) =	sbr.rel @p1 .LBB2_26-.Ltmp14, $4  }
0xfc: {  	[tilespmem:s23+$0xFFFFFFE0] =	vst v5  }
0xfd: {  	[tilespmem:s23+$0xFFFFFFD0] =	vst v5  }
0xfe: {  	[tilespmem:s23+$0xFFFFFFC0] =	vst v5  }
0xff: {  	[tilespmem:s23+$0xFFFFFFB0] =	vst v5  }
0x100: {  	[tilespmem:s23+$0xFFFFFFA0] =	vst v5  }
0x101: {  	[tilespmem:s24+$0xFFFFFF90] =	vst v5  }
0x102: {  	[tilespmem:s24+$0x0] =	vst v5  }
0x103: {  	[tilespmem:s24+$0xFFFFFFF0] =	vst v5  }
0x104: {  	[tilespmem:s24+$0xFFFFFFE0] =	vst v5  }
0x105: {  	[tilespmem:s24+$0xFFFFFFD0] =	vst v5  }
0x106: {  	[tilespmem:s24+$0xFFFFFFC0] =	vst v5  }
0x107: {  	s25 =	simm.s32 $0x0;
	s23 =	simm.s32 $0xD3F0;
	[tilespmem:s24+$0xFFFFFFB0] =	vst v5  }
.LBB2_28:
0x108: {  	s25 =	sadd.s32 $0x8, s25;
	[tilespmem:s24+$0xFFFFFFA0] =	vst v5;
	s24 =	sadd.s32 $0x400, s24  }
0x109: {  	[tilespmem:s24+$0xFFFFFF90] =	vst v5;
	p1 =	slt.u32 s25, $0xF8  }
0x10a: {  	[tilespmem:s24+$0x0] =	vst v5  }
.Ltmp15:
0x10b: {  	[tilespmem:s24+$0xFFFFFFF0] =	vst v5;
	(pc) =	sbr.rel @p1 .LBB2_28-.Ltmp15, $4  }
0x10c: {  	[tilespmem:s24+$0xFFFFFFE0] =	vst v5  }
0x10d: {  	[tilespmem:s24+$0xFFFFFFD0] =	vst v5  }
0x10e: {  	[tilespmem:s24+$0xFFFFFFC0] =	vst v5  }
0x10f: {  	[tilespmem:s24+$0xFFFFFFB0] =	vst v5  }
0x110: {  	[tilespmem:s24+$0xFFFFFFA0] =	vst v5  }
0x111: {  	[tilespmem:s23+$0xFFFFFF90] =	vst v5  }
0x112: {  	[tilespmem:s23+$0x0] =	vst v5  }
0x113: {  	[tilespmem:s23+$0xFFFFFFF0] =	vst v5  }
0x114: {  	[tilespmem:s23+$0xFFFFFFE0] =	vst v5  }
0x115: {  	[tilespmem:s23+$0xFFFFFFD0] =	vst v5  }
0x116: {  	[tilespmem:s23+$0xFFFFFFC0] =	vst v5  }
0x117: {  	s25 =	simm.s32 $0x0;
	[tilespmem:s23+$0xFFFFFFB0] =	vst v5  }
.LBB2_30:
0x118: {  	s25 =	sadd.s32 $0x8, s25;
	[tilespmem:s23+$0xFFFFFFA0] =	vst v5;
	s23 =	sadd.s32 $0x400, s23;
	s24 =	simm.s32 $0xD470  }
0x119: {  	[tilespmem:s23+$0xFFFFFF90] =	vst v5;
	p1 =	slt.u32 s25, $0xF8  }
0x11a: {  	[tilespmem:s23+$0x0] =	vst v5  }
.Ltmp16:
0x11b: {  	[tilespmem:s23+$0xFFFFFFF0] =	vst v5;
	(pc) =	sbr.rel @p1 .LBB2_30-.Ltmp16, $4  }
0x11c: {  	[tilespmem:s23+$0xFFFFFFE0] =	vst v5  }
0x11d: {  	[tilespmem:s23+$0xFFFFFFD0] =	vst v5  }
0x11e: {  	[tilespmem:s23+$0xFFFFFFC0] =	vst v5  }
0x11f: {  	[tilespmem:s23+$0xFFFFFFB0] =	vst v5  }
0x120: {  	[tilespmem:s23+$0xFFFFFFA0] =	vst v5  }
0x121: {  	[tilespmem:s24+$0xFFFFFF90] =	vst v5  }
0x122: {  	[tilespmem:s24+$0x0] =	vst v5  }
0x123: {  	[tilespmem:s24+$0xFFFFFFF0] =	vst v5  }
0x124: {  	[tilespmem:s24+$0xFFFFFFE0] =	vst v5  }
0x125: {  	[tilespmem:s24+$0xFFFFFFD0] =	vst v5  }
0x126: {  	[tilespmem:s24+$0xFFFFFFC0] =	vst v5  }
0x127: {  	s23 =	simm.s32 $0x0;
	s25 =	simm.s32 $0x20C0;
	[tilespmem:s24+$0xFFFFFFB0] =	vst v5  }
.LBB2_32:
0x128: {  	s23 =	sadd.s32 $0x8, s23;
	[tilespmem:s24+$0xFFFFFFA0] =	vst v5;
	s24 =	sadd.s32 $0x400, s24  }
0x129: {  	[tilespmem:s24+$0xFFFFFF90] =	vst v5;
	p1 =	slt.u32 s23, $0xF8  }
0x12a: {  	[tilespmem:s24+$0x0] =	vst v5  }
.Ltmp17:
0x12b: {  	[tilespmem:s24+$0xFFFFFFF0] =	vst v5;
	(pc) =	sbr.rel @p1 .LBB2_32-.Ltmp17, $4  }
0x12c: {  	[tilespmem:s24+$0xFFFFFFE0] =	vst v5  }
0x12d: {  	[tilespmem:s24+$0xFFFFFFD0] =	vst v5  }
0x12e: {  	[tilespmem:s24+$0xFFFFFFC0] =	vst v5  }
0x12f: {  	[tilespmem:s24+$0xFFFFFFB0] =	vst v5  }
0x130: {  	[tilespmem:s24+$0xFFFFFFA0] =	vst v5  }
0x131: {  	[tilespmem:s25+$0xFFFFFFC0] =	vst v2  }
0x132: {  	[tilespmem:s25+$0x30] =	vst v2  }
0x133: {  	[tilespmem:s25+$0x20] =	vst v2  }
0x134: {  	[tilespmem:s25+$0x10] =	vst v2  }
0x135: {  	[tilespmem:s25+$0x0] =	vst v2  }
0x136: {  	[tilespmem:s25+$0xFFFFFFF0] =	vst v2  }
0x137: {  	s28 =	simm.s32 $0x0;
	s23 =	simm.s32 $0x20;
	[tilespmem:s25+$0xFFFFFFE0] =	vst v2  }
.LBB2_34:
0x138: {  	s28 =	sadd.s32 $0x8, s28;
	[tilespmem:s25+$0xFFFFFFD0] =	vst v2;
	s25 =	sadd.s32 $0x80, s25;
	s24 =	simm.s32 $0xFFFFFFFC  }
0x139: {  	[tilespmem:s25+$0xFFFFFFC0] =	vst v2;
	p1 =	slt.u32 s28, $0xF8  }
0x13a: {  	[tilespmem:s25+$0x30] =	vst v2  }
.Ltmp18:
0x13b: {  	[tilespmem:s25+$0x20] =	vst v2;
	(pc) =	sbr.rel @p1 .LBB2_34-.Ltmp18, $4  }
0x13c: {  	[tilespmem:s25+$0x10] =	vst v2  }
0x13d: {  	[tilespmem:s25+$0x0] =	vst v2  }
0x13e: {  	[tilespmem:s25+$0xFFFFFFF0] =	vst v2  }
0x13f: {  	s26 =	simm.s32 $0x0;
	[tilespmem:s25+$0xFFFFFFE0] =	vst v2  }
0x140: {  	[tilespmem:s25+$0xFFFFFFD0] =	vst v2  }
.LBB2_36:
0x141: {  	v7 =	vld [tilespmem:s23+$0xFFFFFFE0];
	_ =	sdelay $0x4  }
0x142: {  	v7 =	vshll.u32 v7, $0x1  }
0x143: {  	v7 =	vand.u32 $0xFFFFFFF0, v7  }
0x144: {  	v7 =	vor.u32 v1, v7;
	_ =	sdelay $0x4  }
0x145: {  	v8 =	vor.u32 s26, v1;
	v9 =	vld.idx.msk [tilespmem:v7+s15+$0x0], $0xffff;
	_ =	sdelay $0x4  }
0x146: {  	[tilespmem:v8+s16+$0x0] =	vst.idx.msk $0xffff, v9  }
0x147: {  	[tilespmem:v7+s15+$0x0] =	vst.idx.msk $0xffff, v8  }
0x148: {  	v7 =	vld [tilespmem:s23+$0xFFFFFFF0];
	_ =	sdelay $0x4  }
0x149: {  	v7 =	vshll.u32 v7, $0x1  }
0x14a: {  	v7 =	vand.u32 $0xFFFFFFF0, v7  }
0x14b: {  	v7 =	vor.u32 v1, v7;
	_ =	sdelay $0x3  }
0x14c: {  	s25 =	sadd.s32 $0x10, s26  }
0x14d: {  	v8 =	vor.u32 s25, v1;
	v9 =	vld.idx.msk [tilespmem:v7+s15+$0x0], $0xffff;
	_ =	sdelay $0x4  }
0x14e: {  	[tilespmem:v8+s16+$0x0] =	vst.idx.msk $0xffff, v9  }
0x14f: {  	[tilespmem:v7+s15+$0x0] =	vst.idx.msk $0xffff, v8  }
0x150: {  	v7 =	vld [tilespmem:s23+$0x0];
	_ =	sdelay $0x4  }
0x151: {  	v7 =	vshll.u32 v7, $0x1  }
0x152: {  	v7 =	vand.u32 $0xFFFFFFF0, v7  }
0x153: {  	v7 =	vor.u32 v1, v7;
	_ =	sdelay $0x3  }
0x154: {  	s30 =	sadd.s32 $0x20, s26  }
0x155: {  	v8 =	vor.u32 s30, v1;
	v9 =	vld.idx.msk [tilespmem:v7+s15+$0x0], $0xffff;
	_ =	sdelay $0x4  }
0x156: {  	[tilespmem:v8+s16+$0x0] =	vst.idx.msk $0xffff, v9  }
0x157: {  	[tilespmem:v7+s15+$0x0] =	vst.idx.msk $0xffff, v8  }
0x158: {  	v7 =	vld [tilespmem:s23+$0x10];
	_ =	sdelay $0x4  }
0x159: {  	v7 =	vshll.u32 v7, $0x1  }
0x15a: {  	v7 =	vand.u32 $0xFFFFFFF0, v7  }
0x15b: {  	v7 =	vor.u32 v1, v7;
	_ =	sdelay $0x3  }
0x15c: {  	s31 =	sadd.s32 $0x30, s26  }
0x15d: {  	s24 =	sadd.s32 $0x4, s24;
	v8 =	vor.u32 s31, v1;
	v9 =	vld.idx.msk [tilespmem:v7+s15+$0x0], $0xffff  }
0x15e: {  	p1 =	slt.u32 s24, $0xFC  }
.Ltmp19:
0x15f: {  	_ = 	snop;
	(pc) =	sbr.rel @p1 .LBB2_36-.Ltmp19, $3  }
0x160: {  	_ =	sdelay $0x1  }
0x161: {  	[tilespmem:v8+s16+$0x0] =	vst.idx.msk $0xffff, v9  }
0x162: {  	s26 =	sadd.s32 $0x40, s26;
	s23 =	sadd.s32 $0x40, s23;
	[tilespmem:v7+s15+$0x0] =	vst.idx.msk $0xffff, v8  }
.Ltmp20:
0x163: {  	(pc) =	sbr.rel @p0 .LBB2_40-.Ltmp20, $1  }
0x164: {  	_ =	sdelay $0x3  }
0x165: {  	s23 =	simm.s32 $0xFFFFFFFC;
	s24 =	simm.s32 $0x30;
	s25 =	simm.s32 $0x1030  }
.LBB2_39:
0x166: {  	s26 =	sadd.s32 $0xFFFFFFD0, s24  }
0x167: {  	s28 =	sand.u32 $0xFC0, s26  }
0x168: {  	v7 =	vld [tilespmem:s28+$0x1000];
	_ =	sdelay $0x4  }
0x169: {  	v7 =	vshll.u32 v7, $0x1  }
0x16a: {  	v7 =	vand.u32 $0xFFFFFFF0, v7  }
0x16b: {  	v7 =	vadd.s32 v3, v7;
	_ =	sdelay $0x4  }
0x16c: {  	v9 =	vor.u32 s26, v4;
	v8 =	vld.idx.msk [tilespmem:v7+s15+$0x0], $0xffff;
	_ =	sdelay $0x4  }
0x16d: {  	v10 =	vor.u32 s26, v1;
	[tilespmem:v9+s16+$0x0] =	vst.idx.msk $0xffff, v8  }
0x16e: {  	[tilespmem:v7+s15+$0x0] =	vst.idx.msk $0xffff, v10  }
0x16f: {  	v7 =	vld [tilespmem:s25+$0xFFFFFFE0];
	_ =	sdelay $0x4  }
0x170: {  	v7 =	vshll.u32 v7, $0x1  }
0x171: {  	v7 =	vand.u32 $0xFFFFFFF0, v7  }
0x172: {  	v7 =	vadd.s32 v3, v7;
	_ =	sdelay $0x3  }
0x173: {  	s30 =	sadd.s32 $0xFFFFFFE0, s24  }
0x174: {  	v58 =	vor.u32 s30, v4;
	v8 =	vld.idx.msk [tilespmem:v7+s15+$0x0], $0xffff;
	_ =	sdelay $0x4  }
0x175: {  	v59 =	vor.u32 s30, v1;
	[tilespmem:v58+s16+$0x0] =	vst.idx.msk $0xffff, v8  }
0x176: {  	[tilespmem:v7+s15+$0x0] =	vst.idx.msk $0xffff, v59  }
0x177: {  	v7 =	vld [tilespmem:s25+$0xFFFFFFF0];
	_ =	sdelay $0x4  }
0x178: {  	v7 =	vshll.u32 v7, $0x1  }
0x179: {  	v7 =	vand.u32 $0xFFFFFFF0, v7  }
0x17a: {  	v7 =	vadd.s32 v3, v7;
	_ =	sdelay $0x3  }
0x17b: {  	s31 =	sadd.s32 $0xFFFFFFF0, s24  }
0x17c: {  	v60 =	vor.u32 s31, v4;
	v8 =	vld.idx.msk [tilespmem:v7+s15+$0x0], $0xffff;
	_ =	sdelay $0x4  }
0x17d: {  	v61 =	vor.u32 s31, v1;
	[tilespmem:v60+s16+$0x0] =	vst.idx.msk $0xffff, v8  }
0x17e: {  	[tilespmem:v7+s15+$0x0] =	vst.idx.msk $0xffff, v61  }
0x17f: {  	v7 =	vld [tilespmem:s25+$0x0];
	_ =	sdelay $0x4  }
0x180: {  	v7 =	vshll.u32 v7, $0x1  }
0x181: {  	v7 =	vand.u32 $0xFFFFFFF0, v7  }
0x182: {  	v7 =	vadd.s32 v3, v7;
	_ =	sdelay $0x4  }
0x183: {  	v62 =	vor.u32 s24, v4;
	s23 =	sadd.s32 $0x4, s23;
	v8 =	vld.idx.msk [tilespmem:v7+s15+$0x0], $0xffff  }
0x184: {  	p1 =	slt.u32 s23, $0xFC  }
.Ltmp21:
0x185: {  	_ = 	snop;
	(pc) =	sbr.rel @p1 .LBB2_39-.Ltmp21, $3  }
0x186: {  	_ =	sdelay $0x1  }
0x187: {  	v63 =	vor.u32 s24, v1;
	[tilespmem:v62+s16+$0x0] =	vst.idx.msk $0xffff, v8  }
0x188: {  	s24 =	sadd.s32 $0x40, s24;
	s25 =	sadd.s32 $0x40, s25;
	[tilespmem:v7+s15+$0x0] =	vst.idx.msk $0xffff, v63  }
.LBB2_40:
0x189: {  	v7 =	vld [tilespmem:s17+$0x2080];
	_ =	sdelay $0x4  }
0x18a: {  	v8 =	vxor.u32 $0x80000000, v7  }
0x18b: {  	(xrf0) =	vmax.scan.msk.u32 $0xffff, v8;
	_ =	sdelay $0x5  }
0x18c: {  	v8, _, _ =	vpop (xrf0)  }
0x18d: {  	(v2sf) =	vpush v8, $0xF;
	_ =	sdelay $0xe  }
0x18e: {  	s23 =	spop (v2sf)  }
0x18f: {  	p1 =	sgt.s32 s23, $0xFFFFFFFF  }
.Ltmp22:
0x190: {  	_ = 	snop;
	(pc) =	sbr.rel @p1 .LBB2_42-.Ltmp22, $1  }
0x191: {  	_ =	sdelay $0x3  }
.LBB2_41:
0x192: {  	vm0 =	vgt.s32 v7, $0x0  }
0x193: {  	v8 =	vnsel vm0, $0x0, v7;
	_ =	sdelay $0x4  }
0x194: {  	v9 =	vld.idx.msk [tilespmem:v8+s4+$0x0], $0xffff;
	_ =	sdelay $0x3  }
0x195: {  	v10 =	vshll.u32 v8, $0x3  }
0x196: {  	v11 =	vand.u32 $0x7F, v8;
	v10 =	vand.u32 $0xFFFFFC00, v10;
	v9 =	vshll.u32 v9, $0x7  }
0x197: {  	vm14 =	vgt.s32 v7, $0xFFFFFFFF;
	v10 =	vor.u32 v11, v10;
	v9 =	vand.u32 $0x380, v9  }
0x198: {  	v9 =	vor.u32 v9, v10;
	_ =	sdelay $0x4  }
0x199: {  	[tilespmem:v9+s18+$0x0] =	vst.idx.msk vm14, v6  }
0x19a: {  	v8 =	vld.idx.msk [tilespmem:v8+s16+$0x0], $0xffff;
	_ =	sdelay $0x4  }
0x19b: {  	v7 =	vsel vm14, v8, v7  }
0x19c: {  	vm0 =	vgt.s32 v7, $0x0  }
0x19d: {  	v8 =	vnsel vm0, $0x0, v7;
	_ =	sdelay $0x4  }
0x19e: {  	v9 =	vld.idx.msk [tilespmem:v8+s4+$0x0], $0xffff;
	_ =	sdelay $0x4  }
0x19f: {  	v9 =	vshll.u32 v9, $0x7  }
0x1a0: {  	v62 =	vand.u32 $0x7F, v8;
	v63 =	vshll.u32 v8, $0x3;
	v9 =	vand.u32 $0x380, v9  }
0x1a1: {  	vm15 =	vgt.s32 v7, $0xFFFFFFFF;
	v11 =	vand.u32 $0xFFFFFC00, v63;
	v9 =	vor.u32 v9, v62  }
0x1a2: {  	v9 =	vor.u32 v11, v9;
	_ =	sdelay $0x4  }
0x1a3: {  	[tilespmem:v9+s18+$0x0] =	vst.idx.msk vm15, v6  }
0x1a4: {  	v8 =	vld.idx.msk [tilespmem:v8+s16+$0x0], $0xffff;
	_ =	sdelay $0x4  }
0x1a5: {  	v7 =	vsel vm15, v8, v7  }
0x1a6: {  	v8 =	vxor.u32 $0x80000000, v7  }
0x1a7: {  	(xrf0) =	vmax.scan.msk.u32 $0xffff, v8;
	_ =	sdelay $0x5  }
0x1a8: {  	v8, _, _ =	vpop (xrf0)  }
0x1a9: {  	(v2sf) =	vpush v8, $0xF;
	_ =	sdelay $0xe  }
0x1aa: {  	s23 =	spop (v2sf)  }
0x1ab: {  	p1 =	slt.s32 s23, $0x0  }
.Ltmp23:
0x1ac: {  	_ = 	snop;
	(pc) =	sbr.rel @p1 .LBB2_41-.Ltmp23, $1  }
0x1ad: {  	_ =	sdelay $0x3  }
.LBB2_42:
0x1ae: {  	[hbm4b:s9+s4] =	stream.linear.scatter [tilespmem:s18], [sflag:$0x1], $0x8000, $0x38;
	[tilespmem:$0x15080] =	vst v63  }
0x1af: {  	v7 =	vld [tilespmem:s10+$0x2080];
	_ =	sdelay $0x4  }
0x1b0: {  	v8 =	vxor.u32 $0x80000000, v7  }
0x1b1: {  	(xrf0) =	vmax.scan.msk.u32 $0xffff, v8;
	_ =	sdelay $0x5  }
0x1b2: {  	v8, _, _ =	vpop (xrf0)  }
0x1b3: {  	(v2sf) =	vpush v8, $0xF;
	_ =	sdelay $0xe  }
0x1b4: {  	s23 =	spop (v2sf)  }
0x1b5: {  	p1 =	sgt.s32 s23, $0xFFFFFFFF  }
.Ltmp24:
0x1b6: {  	_ = 	snop;
	(pc) =	sbr.rel @p1 .LBB2_44-.Ltmp24, $1  }
0x1b7: {  	_ =	sdelay $0x3  }
.LBB2_43:
0x1b8: {  	vm0 =	vgt.s32 v7, $0x0  }
0x1b9: {  	v8 =	vnsel vm0, $0x0, v7  }
0x1ba: {  	v9 =	vadd.s32 v0, v8;
	_ =	sdelay $0x4  }
0x1bb: {  	v10 =	vld.idx.msk [tilespmem:v9+s4+$0x0], $0xffff;
	_ =	sdelay $0x3  }
0x1bc: {  	v11 =	vshll.u32 v8, $0x3  }
0x1bd: {  	v8 =	vand.u32 $0x7F, v8;
	v11 =	vand.u32 $0xFFFFFC00, v11;
	v10 =	vshll.u32 v10, $0x7  }
0x1be: {  	vm14 =	vgt.s32 v7, $0xFFFFFFFF;
	v8 =	vor.u32 v8, v11;
	v10 =	vand.u32 $0x380, v10  }
0x1bf: {  	v8 =	vor.u32 v10, v8;
	_ =	sdelay $0x4  }
0x1c0: {  	[tilespmem:v8+s19+$0x0] =	vst.idx.msk vm14, v6  }
0x1c1: {  	v8 =	vld.idx.msk [tilespmem:v9+s16+$0x0], $0xffff;
	_ =	sdelay $0x4  }
0x1c2: {  	v7 =	vsel vm14, v8, v7  }
0x1c3: {  	vm0 =	vgt.s32 v7, $0x0  }
0x1c4: {  	v8 =	vnsel vm0, $0x0, v7  }
0x1c5: {  	v61 =	vadd.s32 v0, v8;
	_ =	sdelay $0x4  }
0x1c6: {  	v62 =	vld.idx.msk [tilespmem:v61+s4+$0x0], $0xffff;
	_ =	sdelay $0x4  }
0x1c7: {  	v10 =	vshll.u32 v62, $0x7  }
0x1c8: {  	v63 =	vand.u32 $0x7F, v8;
	v8 =	vshll.u32 v8, $0x3;
	v10 =	vand.u32 $0x380, v10  }
0x1c9: {  	vm15 =	vgt.s32 v7, $0xFFFFFFFF;
	v8 =	vand.u32 $0xFFFFFC00, v8;
	v10 =	vor.u32 v10, v63  }
0x1ca: {  	v8 =	vor.u32 v8, v10;
	_ =	sdelay $0x4  }
0x1cb: {  	[tilespmem:v8+s19+$0x0] =	vst.idx.msk vm15, v6  }
0x1cc: {  	v8 =	vld.idx.msk [tilespmem:v61+s16+$0x0], $0xffff;
	_ =	sdelay $0x4  }
0x1cd: {  	v7 =	vsel vm15, v8, v7  }
0x1ce: {  	v8 =	vxor.u32 $0x80000000, v7  }
0x1cf: {  	(xrf0) =	vmax.scan.msk.u32 $0xffff, v8;
	_ =	sdelay $0x5  }
0x1d0: {  	v8, _, _ =	vpop (xrf0)  }
0x1d1: {  	(v2sf) =	vpush v8, $0xF;
	_ =	sdelay $0xe  }
0x1d2: {  	s23 =	spop (v2sf)  }
0x1d3: {  	p1 =	slt.s32 s23, $0x0  }
.Ltmp25:
0x1d4: {  	_ = 	snop;
	(pc) =	sbr.rel @p1 .LBB2_43-.Ltmp25, $1  }
0x1d5: {  	_ =	sdelay $0x3  }
.LBB2_44:
.Ltmp26:
0x1d6: {  	(pc) =	sbr.rel .LBB2_45-.Ltmp26, $3  }
0x1d7: {  	_ =	sdelay $0x1  }
0x1d8: {  	s23 =	simm.s32 $0x0  }
0x1d9: {  	[hbm4b:s11+s23] =	stream.linear.scatter [tilespmem:s19], [sflag:$0x2], $0x8000, $0x38;
	[tilespmem:$0x15080] =	vst v63  }
.LBB2_60:
0x1da: {  	s25 =	smul.u32 $0x3E8000, s25  }
0x1db: {  	s24 =	sshll.u32 s24, $0xF  }
0x1dc: {  	s24 =	sadd.s32 s25, s24  }
0x1dd: {  	s24 =	sshrl.u32 s24, $0x3  }
0x1de: {  	s24 =	sadd.s32 s3, s24  }
0x1df: {  	[hbm4b:s24+s4] =	stream.linear.scatter [tilespmem:s19], [sflag:$0x2], $0x8000, $0x38;
	[tilespmem:$0x15080] =	vst v63  }
.LBB2_61:
0x1e0: {  	s23 =	sadd.s32 $0x1, s23  }
0x1e1: {  	p1 =	sne.s32 s23, $0x32  }
.Ltmp27:
0x1e2: {  	_ = 	snop;
	(pc) =	sbr.rel @!p1 .LBB2_62-.Ltmp27, $1  }
0x1e3: {  	_ =	sdelay $0x3  }
.LBB2_45:
0x1e4: {  	s24 =	sshll.u32 s23, $0x1  }
0x1e5: {  	s25 =	sadd.s32 $0x2, s24  }
0x1e6: {  	p1 =	sge.u32 s25, s7  }
.Ltmp28:
0x1e7: {  	_ = 	snop;
	(pc) =	sbr.rel @p1 .LBB2_53-.Ltmp28, $1  }
0x1e8: {  	_ =	sdelay $0x3  }
0x1e9: {  	s26 =	sadd.s32 s1, s24  }
0x1ea: {  	s28 =	smulhi.u32 $0x10624DD3, s26;
	_ =	sdelay $0x1  }
0x1eb: {  	s28 =	sshrl.u32 s28, $0x3  }
0x1ec: {  	s29 =	smul.u32 $0xFFFFF83, s28;
	_ =	sdelay $0x1  }
0x1ed: {  	s29 =	sadd.s32 s26, s29;
	s26 =	ssub.s32 s28, s5  }
0x1ee: {  	s28 =	sshll.u32 s26, $0xB;
	s29 =	sshll.u32 s29, $0x4  }
0x1ef: {  	_ =	swait.ge [sflag:s20], $0x8000;
	s28 =	sadd.s32 s28, s29  }
0x1f0: {  	[sflag:s20] =	ssyncset.done $0x0;
	s29 =	sand.u32 $0x70, s29;
	s28 =	sand.u32 $0xFFFFFF80, s28  }
0x1f1: {  	[sflag:s20] =	ssyncadd.s32 $0xFFFF8000;
	s28 =	sor.u32 s29, s28  }
0x1f2: {  	v8 =	vld [tilespmem:s28+$0x2080];
	_ =	sdelay $0x4  }
0x1f3: {  	v7 =	vxor.u32 $0x80000000, v8  }
0x1f4: {  	(xrf0) =	vmax.scan.msk.u32 $0xffff, v7;
	_ =	sdelay $0x5  }
0x1f5: {  	v7, _, _ =	vpop (xrf0)  }
0x1f6: {  	(v2sf) =	vpush v7, $0xF;
	_ =	sdelay $0xe  }
0x1f7: {  	s31 =	spop (v2sf)  }
0x1f8: {  	p1 =	sgt.s32 s31, $0xFFFFFFFF  }
.Ltmp29:
0x1f9: {  	_ = 	snop;
	(pc) =	sbr.rel @p1 .LBB2_49-.Ltmp29, $1  }
0x1fa: {  	_ =	sdelay $0x3  }
0x1fb: {  	s26 =	sshll.u32 s26, $0xC  }
0x1fc: {  	v7 =	vmov s26  }
.LBB2_48:
0x1fd: {  	vm0 =	vgt.s32 v8, $0x0  }
0x1fe: {  	v9 =	vnsel vm0, $0x0, v8  }
0x1ff: {  	v10 =	vadd.s32 v7, v9;
	_ =	sdelay $0x4  }
0x200: {  	v11 =	vld.idx.msk [tilespmem:v10+s4+$0x0], $0xffff;
	_ =	sdelay $0x3  }
0x201: {  	v12 =	vshll.u32 v9, $0x3  }
0x202: {  	v9 =	vand.u32 $0x7F, v9;
	v12 =	vand.u32 $0xFFFFFC00, v12;
	v11 =	vshll.u32 v11, $0x7  }
0x203: {  	vm14 =	vgt.s32 v8, $0xFFFFFFFF;
	v9 =	vor.u32 v9, v12;
	v11 =	vand.u32 $0x380, v11  }
0x204: {  	v9 =	vor.u32 v11, v9;
	_ =	sdelay $0x4  }
0x205: {  	[tilespmem:v9+s18+$0x0] =	vst.idx.msk vm14, v5  }
0x206: {  	v9 =	vld.idx.msk [tilespmem:v10+s16+$0x0], $0xffff;
	_ =	sdelay $0x4  }
0x207: {  	v8 =	vsel vm14, v9, v8  }
0x208: {  	vm0 =	vgt.s32 v8, $0x0  }
0x209: {  	v9 =	vnsel vm0, $0x0, v8  }
0x20a: {  	v10 =	vadd.s32 v7, v9;
	_ =	sdelay $0x4  }
0x20b: {  	v11 =	vld.idx.msk [tilespmem:v10+s4+$0x0], $0xffff;
	_ =	sdelay $0x4  }
0x20c: {  	v11 =	vshll.u32 v11, $0x7  }
0x20d: {  	v63 =	vand.u32 $0x7F, v9;
	v9 =	vshll.u32 v9, $0x3;
	v11 =	vand.u32 $0x380, v11  }
0x20e: {  	vm15 =	vgt.s32 v8, $0xFFFFFFFF;
	v9 =	vand.u32 $0xFFFFFC00, v9;
	v11 =	vor.u32 v11, v63  }
0x20f: {  	v9 =	vor.u32 v9, v11;
	_ =	sdelay $0x4  }
0x210: {  	[tilespmem:v9+s18+$0x0] =	vst.idx.msk vm15, v5  }
0x211: {  	v9 =	vld.idx.msk [tilespmem:v10+s16+$0x0], $0xffff;
	_ =	sdelay $0x4  }
0x212: {  	v8 =	vsel vm15, v9, v8  }
0x213: {  	v9 =	vxor.u32 $0x80000000, v8  }
0x214: {  	(xrf0) =	vmax.scan.msk.u32 $0xffff, v9;
	_ =	sdelay $0x5  }
0x215: {  	v9, _, _ =	vpop (xrf0)  }
0x216: {  	(v2sf) =	vpush v9, $0xF;
	_ =	sdelay $0xe  }
0x217: {  	s26 =	spop (v2sf)  }
0x218: {  	p1 =	slt.s32 s26, $0x0  }
.Ltmp30:
0x219: {  	_ = 	snop;
	(pc) =	sbr.rel @p1 .LBB2_48-.Ltmp30, $1  }
0x21a: {  	_ =	sdelay $0x3  }
.LBB2_49:
0x21b: {  	s26 =	sadd.s32 s1, s25  }
0x21c: {  	s25 =	smulhi.u32 $0x10624DD3, s26;
	_ =	sdelay $0x1  }
0x21d: {  	s25 =	sshrl.u32 s25, $0x3  }
0x21e: {  	s28 =	smul.u32 $0xFFFFFF83, s25;
	_ =	sdelay $0x1  }
0x21f: {  	s26 =	sadd.s32 s26, s28;
	s28 =	ssub.s32 s25, s5  }
0x220: {  	s29 =	sshll.u32 s28, $0xB;
	s30 =	sshll.u32 s26, $0x4  }
0x221: {  	s29 =	sadd.s32 s29, s30  }
0x222: {  	s30 =	sand.u32 $0x70, s30;
	s29 =	sand.u32 $0xFFFFFF80, s29  }
0x223: {  	s29 =	sor.u32 s30, s29  }
0x224: {  	v8 =	vld [tilespmem:s29+$0x2080];
	_ =	sdelay $0x4  }
0x225: {  	v7 =	vxor.u32 $0x80000000, v8  }
0x226: {  	(xrf0) =	vmax.scan.msk.u32 $0xffff, v7;
	_ =	sdelay $0x5  }
0x227: {  	v7, _, _ =	vpop (xrf0)  }
0x228: {  	(v2sf) =	vpush v7, $0xF;
	_ =	sdelay $0xe  }
0x229: {  	s31 =	spop (v2sf)  }
0x22a: {  	p1 =	sgt.s32 s31, $0xFFFFFFFF  }
.Ltmp31:
0x22b: {  	_ = 	snop;
	(pc) =	sbr.rel @p1 .LBB2_52-.Ltmp31, $1  }
0x22c: {  	_ =	sdelay $0x3  }
0x22d: {  	s28 =	sshll.u32 s28, $0xC  }
0x22e: {  	v7 =	vmov s28  }
.LBB2_51:
0x22f: {  	vm0 =	vgt.s32 v8, $0x0  }
0x230: {  	v9 =	vnsel vm0, $0x0, v8  }
0x231: {  	v10 =	vadd.s32 v7, v9;
	_ =	sdelay $0x4  }
0x232: {  	v11 =	vld.idx.msk [tilespmem:v10+s4+$0x0], $0xffff;
	_ =	sdelay $0x3  }
0x233: {  	v12 =	vshll.u32 v9, $0x3  }
0x234: {  	v9 =	vand.u32 $0x7F, v9;
	v12 =	vand.u32 $0xFFFFFC00, v12;
	v11 =	vshll.u32 v11, $0x7  }
0x235: {  	vm14 =	vgt.s32 v8, $0xFFFFFFFF;
	v9 =	vor.u32 v9, v12;
	v11 =	vand.u32 $0x380, v11  }
0x236: {  	v9 =	vor.u32 v11, v9;
	_ =	sdelay $0x4  }
0x237: {  	[tilespmem:v9+s18+$0x0] =	vst.idx.msk vm14, v6  }
0x238: {  	v9 =	vld.idx.msk [tilespmem:v10+s16+$0x0], $0xffff;
	_ =	sdelay $0x4  }
0x239: {  	v8 =	vsel vm14, v9, v8  }
0x23a: {  	vm0 =	vgt.s32 v8, $0x0  }
0x23b: {  	v9 =	vnsel vm0, $0x0, v8  }
0x23c: {  	v10 =	vadd.s32 v7, v9;
	_ =	sdelay $0x4  }
0x23d: {  	v11 =	vld.idx.msk [tilespmem:v10+s4+$0x0], $0xffff;
	_ =	sdelay $0x4  }
0x23e: {  	v11 =	vshll.u32 v11, $0x7  }
0x23f: {  	v63 =	vand.u32 $0x7F, v9;
	v9 =	vshll.u32 v9, $0x3;
	v11 =	vand.u32 $0x380, v11  }
0x240: {  	vm15 =	vgt.s32 v8, $0xFFFFFFFF;
	v9 =	vand.u32 $0xFFFFFC00, v9;
	v11 =	vor.u32 v11, v63  }
0x241: {  	v9 =	vor.u32 v9, v11;
	_ =	sdelay $0x4  }
0x242: {  	[tilespmem:v9+s18+$0x0] =	vst.idx.msk vm15, v6  }
0x243: {  	v9 =	vld.idx.msk [tilespmem:v10+s16+$0x0], $0xffff;
	_ =	sdelay $0x4  }
0x244: {  	v8 =	vsel vm15, v9, v8  }
0x245: {  	v9 =	vxor.u32 $0x80000000, v8  }
0x246: {  	(xrf0) =	vmax.scan.msk.u32 $0xffff, v9;
	_ =	sdelay $0x5  }
0x247: {  	v9, _, _ =	vpop (xrf0)  }
0x248: {  	(v2sf) =	vpush v9, $0xF;
	_ =	sdelay $0xe  }
0x249: {  	s28 =	spop (v2sf)  }
0x24a: {  	p1 =	slt.s32 s28, $0x0  }
.Ltmp32:
0x24b: {  	_ = 	snop;
	(pc) =	sbr.rel @p1 .LBB2_51-.Ltmp32, $1  }
0x24c: {  	_ =	sdelay $0x3  }
.LBB2_52:
0x24d: {  	s25 =	smul.u32 $0x3E8000, s25  }
0x24e: {  	s26 =	sshll.u32 s26, $0xF  }
0x24f: {  	s25 =	sadd.s32 s25, s26  }
0x250: {  	s25 =	sshrl.u32 s25, $0x3  }
0x251: {  	s25 =	sadd.s32 s3, s25  }
0x252: {  	[hbm4b:s25+s4] =	stream.linear.scatter [tilespmem:s18], [sflag:$0x1], $0x8000, $0x38;
	[tilespmem:$0x15080] =	vst v63  }
.LBB2_53:
0x253: {  	s24 =	sadd.s32 $0x3, s24  }
0x254: {  	p1 =	sge.u32 s24, s7  }
.Ltmp33:
0x255: {  	_ = 	snop;
	(pc) =	sbr.rel @p1 .LBB2_61-.Ltmp33, $1  }
0x256: {  	_ =	sdelay $0x3  }
0x257: {  	s24 =	sadd.s32 s1, s24  }
0x258: {  	s25 =	sadd.s32 $0xFFFFFFFE, s24  }
0x259: {  	s26 =	smulhi.u32 $0x10624DD3, s25;
	_ =	sdelay $0x1  }
0x25a: {  	s26 =	sshrl.u32 s26, $0x3  }
0x25b: {  	s28 =	smul.u32 $0xFFFFF83, s26;
	_ =	sdelay $0x1  }
0x25c: {  	s28 =	sadd.s32 s25, s28;
	s25 =	ssub.s32 s26, s5  }
0x25d: {  	s26 =	sshll.u32 s25, $0xB;
	s28 =	sshll.u32 s28, $0x4  }
0x25e: {  	_ =	swait.ge [sflag:s21], $0x8000;
	s26 =	sadd.s32 s26, s28  }
0x25f: {  	[sflag:s21] =	ssyncset.done $0x0;
	s28 =	sand.u32 $0x70, s28;
	s26 =	sand.u32 $0xFFFFFF80, s26  }
0x260: {  	[sflag:s21] =	ssyncadd.s32 $0xFFFF8000;
	s26 =	sor.u32 s28, s26  }
0x261: {  	v8 =	vld [tilespmem:s26+$0x2080];
	_ =	sdelay $0x4  }
0x262: {  	v7 =	vxor.u32 $0x80000000, v8  }
0x263: {  	(xrf0) =	vmax.scan.msk.u32 $0xffff, v7;
	_ =	sdelay $0x5  }
0x264: {  	v7, _, _ =	vpop (xrf0)  }
0x265: {  	(v2sf) =	vpush v7, $0xF;
	_ =	sdelay $0xe  }
0x266: {  	s31 =	spop (v2sf)  }
0x267: {  	p1 =	sgt.s32 s31, $0xFFFFFFFF  }
.Ltmp34:
0x268: {  	_ = 	snop;
	(pc) =	sbr.rel @p1 .LBB2_57-.Ltmp34, $1  }
0x269: {  	_ =	sdelay $0x3  }
0x26a: {  	s25 =	sshll.u32 s25, $0xC  }
0x26b: {  	v7 =	vmov s25  }
.LBB2_56:
0x26c: {  	vm0 =	vgt.s32 v8, $0x0  }
0x26d: {  	v9 =	vnsel vm0, $0x0, v8  }
0x26e: {  	v10 =	vadd.s32 v7, v9;
	_ =	sdelay $0x4  }
0x26f: {  	v11 =	vld.idx.msk [tilespmem:v10+s4+$0x0], $0xffff;
	_ =	sdelay $0x3  }
0x270: {  	v12 =	vshll.u32 v9, $0x3  }
0x271: {  	v9 =	vand.u32 $0x7F, v9;
	v12 =	vand.u32 $0xFFFFFC00, v12;
	v11 =	vshll.u32 v11, $0x7  }
0x272: {  	vm14 =	vgt.s32 v8, $0xFFFFFFFF;
	v9 =	vor.u32 v9, v12;
	v11 =	vand.u32 $0x380, v11  }
0x273: {  	v9 =	vor.u32 v11, v9;
	_ =	sdelay $0x4  }
0x274: {  	[tilespmem:v9+s19+$0x0] =	vst.idx.msk vm14, v5  }
0x275: {  	v9 =	vld.idx.msk [tilespmem:v10+s16+$0x0], $0xffff;
	_ =	sdelay $0x4  }
0x276: {  	v8 =	vsel vm14, v9, v8  }
0x277: {  	vm0 =	vgt.s32 v8, $0x0  }
0x278: {  	v9 =	vnsel vm0, $0x0, v8  }
0x279: {  	v10 =	vadd.s32 v7, v9;
	_ =	sdelay $0x4  }
0x27a: {  	v11 =	vld.idx.msk [tilespmem:v10+s4+$0x0], $0xffff;
	_ =	sdelay $0x4  }
0x27b: {  	v11 =	vshll.u32 v11, $0x7  }
0x27c: {  	v63 =	vand.u32 $0x7F, v9;
	v9 =	vshll.u32 v9, $0x3;
	v11 =	vand.u32 $0x380, v11  }
0x27d: {  	vm15 =	vgt.s32 v8, $0xFFFFFFFF;
	v9 =	vand.u32 $0xFFFFFC00, v9;
	v11 =	vor.u32 v11, v63  }
0x27e: {  	v9 =	vor.u32 v9, v11;
	_ =	sdelay $0x4  }
0x27f: {  	[tilespmem:v9+s19+$0x0] =	vst.idx.msk vm15, v5  }
0x280: {  	v9 =	vld.idx.msk [tilespmem:v10+s16+$0x0], $0xffff;
	_ =	sdelay $0x4  }
0x281: {  	v8 =	vsel vm15, v9, v8  }
0x282: {  	v9 =	vxor.u32 $0x80000000, v8  }
0x283: {  	(xrf0) =	vmax.scan.msk.u32 $0xffff, v9;
	_ =	sdelay $0x5  }
0x284: {  	v9, _, _ =	vpop (xrf0)  }
0x285: {  	(v2sf) =	vpush v9, $0xF;
	_ =	sdelay $0xe  }
0x286: {  	s25 =	spop (v2sf)  }
0x287: {  	p1 =	slt.s32 s25, $0x0  }
.Ltmp35:
0x288: {  	_ = 	snop;
	(pc) =	sbr.rel @p1 .LBB2_56-.Ltmp35, $1  }
0x289: {  	_ =	sdelay $0x3  }
.LBB2_57:
0x28a: {  	s25 =	smulhi.u32 $0x10624DD3, s24;
	_ =	sdelay $0x1  }
0x28b: {  	s25 =	sshrl.u32 s25, $0x3  }
0x28c: {  	s26 =	smul.u32 $0xFFFFFF83, s25;
	_ =	sdelay $0x1  }
0x28d: {  	s24 =	sadd.s32 s24, s26;
	s26 =	ssub.s32 s25, s5  }
0x28e: {  	s28 =	sshll.u32 s26, $0xB;
	s29 =	sshll.u32 s24, $0x4  }
0x28f: {  	s28 =	sadd.s32 s28, s29  }
0x290: {  	s29 =	sand.u32 $0x70, s29;
	s28 =	sand.u32 $0xFFFFFF80, s28  }
0x291: {  	s28 =	sor.u32 s29, s28  }
0x292: {  	v8 =	vld [tilespmem:s28+$0x2080];
	_ =	sdelay $0x4  }
0x293: {  	v7 =	vxor.u32 $0x80000000, v8  }
0x294: {  	(xrf0) =	vmax.scan.msk.u32 $0xffff, v7;
	_ =	sdelay $0x5  }
0x295: {  	v7, _, _ =	vpop (xrf0)  }
0x296: {  	(v2sf) =	vpush v7, $0xF;
	_ =	sdelay $0xe  }
0x297: {  	s31 =	spop (v2sf)  }
0x298: {  	p1 =	sgt.s32 s31, $0xFFFFFFFF  }
.Ltmp36:
0x299: {  	_ = 	snop;
	(pc) =	sbr.rel @p1 .LBB2_60-.Ltmp36, $1  }
0x29a: {  	_ =	sdelay $0x3  }
0x29b: {  	s26 =	sshll.u32 s26, $0xC  }
0x29c: {  	v7 =	vmov s26  }
.LBB2_59:
0x29d: {  	vm0 =	vgt.s32 v8, $0x0  }
0x29e: {  	v9 =	vnsel vm0, $0x0, v8  }
0x29f: {  	v10 =	vadd.s32 v7, v9;
	_ =	sdelay $0x4  }
0x2a0: {  	v11 =	vld.idx.msk [tilespmem:v10+s4+$0x0], $0xffff;
	_ =	sdelay $0x3  }
0x2a1: {  	v12 =	vshll.u32 v9, $0x3  }
0x2a2: {  	v9 =	vand.u32 $0x7F, v9;
	v12 =	vand.u32 $0xFFFFFC00, v12;
	v11 =	vshll.u32 v11, $0x7  }
0x2a3: {  	vm14 =	vgt.s32 v8, $0xFFFFFFFF;
	v9 =	vor.u32 v9, v12;
	v11 =	vand.u32 $0x380, v11  }
0x2a4: {  	v9 =	vor.u32 v11, v9;
	_ =	sdelay $0x4  }
0x2a5: {  	[tilespmem:v9+s19+$0x0] =	vst.idx.msk vm14, v6  }
0x2a6: {  	v9 =	vld.idx.msk [tilespmem:v10+s16+$0x0], $0xffff;
	_ =	sdelay $0x4  }
0x2a7: {  	v8 =	vsel vm14, v9, v8  }
0x2a8: {  	vm0 =	vgt.s32 v8, $0x0  }
0x2a9: {  	v9 =	vnsel vm0, $0x0, v8  }
0x2aa: {  	v10 =	vadd.s32 v7, v9;
	_ =	sdelay $0x4  }
0x2ab: {  	v11 =	vld.idx.msk [tilespmem:v10+s4+$0x0], $0xffff;
	_ =	sdelay $0x4  }
0x2ac: {  	v11 =	vshll.u32 v11, $0x7  }
0x2ad: {  	v63 =	vand.u32 $0x7F, v9;
	v9 =	vshll.u32 v9, $0x3;
	v11 =	vand.u32 $0x380, v11  }
0x2ae: {  	vm15 =	vgt.s32 v8, $0xFFFFFFFF;
	v9 =	vand.u32 $0xFFFFFC00, v9;
	v11 =	vor.u32 v11, v63  }
0x2af: {  	v9 =	vor.u32 v9, v11;
	_ =	sdelay $0x4  }
0x2b0: {  	[tilespmem:v9+s19+$0x0] =	vst.idx.msk vm15, v6  }
0x2b1: {  	v9 =	vld.idx.msk [tilespmem:v10+s16+$0x0], $0xffff;
	_ =	sdelay $0x4  }
0x2b2: {  	v8 =	vsel vm15, v9, v8  }
0x2b3: {  	v9 =	vxor.u32 $0x80000000, v8  }
0x2b4: {  	(xrf0) =	vmax.scan.msk.u32 $0xffff, v9;
	_ =	sdelay $0x5  }
0x2b5: {  	v9, _, _ =	vpop (xrf0)  }
0x2b6: {  	(v2sf) =	vpush v9, $0xF;
	_ =	sdelay $0xe  }
0x2b7: {  	s26 =	spop (v2sf)  }
0x2b8: {  	p1 =	slt.s32 s26, $0x0  }
.Ltmp37:
0x2b9: {  	_ = 	snop;
	(pc) =	sbr.rel @p1 .LBB2_59-.Ltmp37, $1  }
0x2ba: {  	_ =	sdelay $0x3  }
.Ltmp38:
0x2bb: {  	_ = 	snop;
	(pc) =	sbr.rel .LBB2_60-.Ltmp38, $1  }
0x2bc: {  	_ =	sdelay $0x3  }
.LBB2_63:
0x2bd: {  	_ =	sfence.sel $0x180000  }
0x2be: {  	[bflag:$0x0] =	sbarrier.arrive $0xFFFF  }
0x2bf: {  	p0 =	sne.s32 s0, $0x0;
	_ =	strace $0x90000047  }
0x2c0: {  	s0 =	sadd.s32 @!p0 $0x100000, s2;
	[bflag:$0x2] =	sbarrier.arrive $0xFFFF  }
0x2c1: {  	[sflag:s0] =	ssyncadd.tile.s32 @!p0 $0x1;
	_ =	shalt  }
.Lfunc_end2:
_tile_overlayer_lowered:
.L_overlay_start_2:
0x2c2: {  	(tag) =	ssettag $0x2  }
0x2c3: {  	s0 =	rddreg [dreg:$0x0];
	s2 =	stileid.u32  }
0x2c4: {  	s1 =	rddreg [dreg:$0x1];
	p0 =	sne.s32 s2, $0x0  }
0x2c5: {  	s3 =	rddreg [dreg:$0x2];
	[bflag:$0x3] =	sbarrier.arrive $0xFFFF;
	s2 =	simm.s32 @!p0 $0x1C03  }
0x2c6: {  	[timem:s3], [sflag:s2] =	dma.local @!p0 [hbm:s0], s1  }
0x2c7: {  	s0 =	simm.s32 @!p0 $0x3  }
0x2c8: {  	_ =	swait.ge @!p0 [sflag:s0], s1  }
0x2c9: {  	s1 =	ssub.s32 @!p0 $0x0, s1;
	[sflag:s0] =	ssyncset.done @!p0 $0x0  }
0x2ca: {  	[sflag:s0] =	ssyncadd.s32 @!p0 s1  }
0x2cb: {  	[bflag:$0x3] =	sbarrier.arrive $0xFFFF  }
0x2cc: {  	_ =	shalt  }

</sc_bundles>
